<compile_context>
chip_gen: v7x
topology: tpu7x:2x2x1
jax: 0.10.2.dev20260603
libtpu: 0.0.44.dev20260713+nightly
codegen_flags: <defaults>
</compile_context>

<pallas_src>
import functools

import jax
import jax.numpy as jnp
from jax import lax
from jax.experimental import pallas as pl
from jax.experimental.pallas import tpu as pltpu
from jax.experimental.pallas import tpu_sc as plsc

B, S, H = 1, 2048, 1024
NH, DH = 16, 64
E, K = 8, 2
IM = 512
IS = 1024
EPS = 1e-6

BT = 256
GT = 256
NPAIR = S * K
NPAD = NPAIR + E * GT
NB = NPAD // GT
NEG = jnp.finfo(jnp.float32).min


def _norm_mm_body(x_ref, w_ref, wm_ref, o_ref):
    x = x_ref[...]
    nrm = lax.rsqrt(jnp.mean(x * x, axis=-1, keepdims=True) + EPS)
    xn = x * nrm * w_ref[...]
    o_ref[...] = jnp.dot(xn, wm_ref[...], preferred_element_type=jnp.float32)


def _norm_qkv(x, ln_w, wqkv):
    return pl.pallas_call(
        _norm_mm_body,
        grid=(S // BT,),
        in_specs=[
            pl.BlockSpec((BT, H), lambda i: (i, 0)),
            pl.BlockSpec((1, H), lambda i: (0, 0)),
            pl.BlockSpec((H, 3 * H), lambda i: (0, 0)),
        ],
        out_specs=pl.BlockSpec((BT, 3 * H), lambda i: (i, 0)),
        out_shape=jax.ShapeDtypeStruct((S, 3 * H), jnp.float32),
    )(x, ln_w, wqkv)


def _rope(t, c, s):
    t1 = t[:, : DH // 2]
    t2 = t[:, DH // 2 :]
    rot = jnp.concatenate([-t2, t1], axis=-1)
    return t * c + rot * s


def _attn_body(q_ref, k_ref, v_ref, cq_ref, sq_ref, ck_ref, sk_ref, o_ref):
    i = pl.program_id(1)
    row = i * BT + lax.broadcasted_iota(jnp.int32, (BT, S), 0)
    col = lax.broadcasted_iota(jnp.int32, (BT, S), 1)
    causal = col <= row
    for h in range(2):
        sl = slice(h * DH, (h + 1) * DH)
        q = _rope(q_ref[:, sl], cq_ref[...], sq_ref[...])
        k = _rope(k_ref[:, sl], ck_ref[...], sk_ref[...])
        scores = jax.lax.dot_general(
            q, k, (((1,), (1,)), ((), ())), preferred_element_type=jnp.float32
        ) * (1.0 / (DH ** 0.5))
        scores = jnp.where(causal, scores, NEG)
        m = jnp.max(scores, axis=-1, keepdims=True)
        p = jnp.exp(scores - m)
        l = jnp.sum(p, axis=-1, keepdims=True)
        o_ref[:, sl] = (
            jnp.dot(p, v_ref[:, sl], preferred_element_type=jnp.float32) / l
        )


def _attention(qkv, cos, sin):
    return pl.pallas_call(
        _attn_body,
        grid=(NH // 2, S // BT),
        in_specs=[
            pl.BlockSpec((BT, 2 * DH), lambda h, i: (i, h)),
            pl.BlockSpec((S, 2 * DH), lambda h, i: (0, NH // 2 + h)),
            pl.BlockSpec((S, 2 * DH), lambda h, i: (0, NH + h)),
            pl.BlockSpec((BT, DH), lambda h, i: (i, 0)),
            pl.BlockSpec((BT, DH), lambda h, i: (i, 0)),
            pl.BlockSpec((S, DH), lambda h, i: (0, 0)),
            pl.BlockSpec((S, DH), lambda h, i: (0, 0)),
        ],
        out_specs=pl.BlockSpec((BT, 2 * DH), lambda h, i: (i, h)),
        out_shape=jax.ShapeDtypeStruct((S, H), jnp.float32),
    )(qkv, qkv, qkv, cos, sin, cos, sin)


def _mm_res_body(x_ref, w_ref, r_ref, o_ref):
    o_ref[...] = (
        jnp.dot(x_ref[...], w_ref[...], preferred_element_type=jnp.float32)
        + r_ref[...]
    )


def _mm_residual(x, w, resid):
    n = w.shape[1]
    return pl.pallas_call(
        _mm_res_body,
        grid=(S // BT,),
        in_specs=[
            pl.BlockSpec((BT, x.shape[1]), lambda i: (i, 0)),
            pl.BlockSpec((x.shape[1], n), lambda i: (0, 0)),
            pl.BlockSpec((BT, n), lambda i: (i, 0)),
        ],
        out_specs=pl.BlockSpec((BT, n), lambda i: (i, 0)),
        out_shape=jax.ShapeDtypeStruct((S, n), jnp.float32),
    )(x, w, resid)


def _norm_router_body(x_ref, w_ref, g_ref, h_ref, r_ref):
    x = x_ref[...]
    nrm = lax.rsqrt(jnp.mean(x * x, axis=-1, keepdims=True) + EPS)
    xn = x * nrm * w_ref[...]
    h_ref[...] = xn
    logits = jnp.dot(xn, g_ref[...], preferred_element_type=jnp.float32)
    col = lax.broadcasted_iota(jnp.int32, (BT, 128), 1)
    colf = col.astype(jnp.float32)
    lg = jnp.where(col < E, logits, NEG)
    m1 = jnp.max(lg, axis=-1, keepdims=True)
    e1 = jnp.min(jnp.where(lg == m1, colf, 1e9), axis=-1, keepdims=True)
    lg2 = jnp.where(colf == e1, NEG, lg)
    m2 = jnp.max(lg2, axis=-1, keepdims=True)
    e2 = jnp.min(jnp.where(lg2 == m2, colf, 1e9), axis=-1, keepdims=True)
    w1 = 1.0 / (1.0 + jnp.exp(m2 - m1))
    w2 = 1.0 - w1
    r_ref[...] = (
        w1 * (col == 0) + w2 * (col == 1) + e1 * (col == 2) + e2 * (col == 3)
    )


def _norm_router(x, ln_w, gate_pad):
    return pl.pallas_call(
        _norm_router_body,
        grid=(S // BT,),
        in_specs=[
            pl.BlockSpec((BT, H), lambda i: (i, 0)),
            pl.BlockSpec((1, H), lambda i: (0, 0)),
            pl.BlockSpec((H, 128), lambda i: (0, 0)),
        ],
        out_specs=[
            pl.BlockSpec((BT, H), lambda i: (i, 0)),
            pl.BlockSpec((BT, 128), lambda i: (i, 0)),
        ],
        out_shape=[
            jax.ShapeDtypeStruct((S, H), jnp.float32),
            jax.ShapeDtypeStruct((S, 128), jnp.float32),
        ],
    )(x, ln_w, gate_pad)


def _make_sc_gather(n_rows, n_cols, chunk):
    info = plsc.get_sparse_core_info()
    nc, ns = info.num_cores, info.num_subcores
    nw = nc * ns
    assert n_rows % (nw * chunk) == 0
    b_per_w = n_rows // nw
    n_chunks = b_per_w // chunk
    mesh = plsc.VectorSubcoreMesh(core_axis_name="c", subcore_axis_name="s")

    def body(table_hbm, idx_hbm, out_hbm, idx_v, rows_v, sem):
        wid = lax.axis_index("s") * nc + lax.axis_index("c")
        base = wid * b_per_w
        for c in range(n_chunks):
            pltpu.sync_copy(idx_hbm.at[pl.ds(base + c * chunk, chunk)], idx_v)
            pltpu.async_copy(table_hbm.at[idx_v], rows_v, sem).wait()
            pltpu.sync_copy(rows_v, out_hbm.at[pl.ds(base + c * chunk, chunk)])

    return functools.partial(
        pl.kernel,
        mesh=mesh,
        out_type=jax.ShapeDtypeStruct((n_rows, n_cols), jnp.float32),
        scratch_types=[
            pltpu.VMEM((chunk,), jnp.int32),
            pltpu.VMEM((chunk, n_cols), jnp.float32),
            pltpu.SemaphoreType.DMA,
        ],
    )(body)


def _gmm_body(be_ref, x_ref, w13_ref, w2_ref, ws_ref, o_ref):
    x = x_ref[...]
    gu = jnp.dot(x, w13_ref[0], preferred_element_type=jnp.float32)
    g = gu[:, :IM]
    u = gu[:, IM:]
    a = (g / (1.0 + jnp.exp(-g))) * u
    y = jnp.dot(a, w2_ref[0], preferred_element_type=jnp.float32)
    o_ref[...] = y * ws_ref[0, 0][:, None]


def _grouped_gemm(xs, w13, w2, w_sorted, block_expert):
    grid_spec = pltpu.PrefetchScalarGridSpec(
        num_scalar_prefetch=1,
        grid=(NB,),
        in_specs=[
            pl.BlockSpec((GT, H), lambda b, be: (b, 0)),
            pl.BlockSpec((1, H, 2 * IM), lambda b, be: (be[b], 0, 0)),
            pl.BlockSpec((1, IM, H), lambda b, be: (be[b], 0, 0)),
            pl.BlockSpec((1, 1, GT), lambda b, be: (b, 0, 0)),
        ],
        out_specs=pl.BlockSpec((GT, H), lambda b, be: (b, 0)),
    )
    return pl.pallas_call(
        _gmm_body,
        grid_spec=grid_spec,
        out_shape=jax.ShapeDtypeStruct((NPAD, H), jnp.float32),
    )(block_expert, xs, w13, w2, w_sorted.reshape(NB, 1, GT))


def _swiglu_body(x_ref, w_ref, o_ref):
    gu = jnp.dot(x_ref[...], w_ref[...], preferred_element_type=jnp.float32)
    g = gu[:, :IS]
    u = gu[:, IS:]
    o_ref[...] = (g / (1.0 + jnp.exp(-g))) * u


def _shared_up(h2, w_shared):
    return pl.pallas_call(
        _swiglu_body,
        grid=(S // BT,),
        in_specs=[
            pl.BlockSpec((BT, H), lambda i: (i, 0)),
            pl.BlockSpec((H, 2 * IS), lambda i: (0, 0)),
        ],
        out_specs=pl.BlockSpec((BT, IS), lambda i: (i, 0)),
        out_shape=jax.ShapeDtypeStruct((S, IS), jnp.float32),
    )(h2, w_shared)


def _final_body(a_ref, w_ref, r_ref, y_ref, o_ref):
    y = y_ref[...]
    o_ref[...] = (
        jnp.dot(a_ref[...], w_ref[...], preferred_element_type=jnp.float32)
        + r_ref[...]
        + y[:, :H]
        + y[:, H:]
    )


def _final(act, sh_down, resid, yt):
    return pl.pallas_call(
        _final_body,
        grid=(S // BT,),
        in_specs=[
            pl.BlockSpec((BT, IS), lambda i: (i, 0)),
            pl.BlockSpec((IS, H), lambda i: (0, 0)),
            pl.BlockSpec((BT, H), lambda i: (i, 0)),
            pl.BlockSpec((BT, 2 * H), lambda i: (i, 0)),
        ],
        out_specs=pl.BlockSpec((BT, H), lambda i: (i, 0)),
        out_shape=jax.ShapeDtypeStruct((S, H), jnp.float32),
    )(act, sh_down, resid, yt)


def kernel(hidden_states, ln1_w, ln2_w, Wq, Wk, Wv, Wo, gate_w, W13, W2,
           sh_gate, sh_up, sh_down, cos, sin):
    x = hidden_states.reshape(S, H)
    wqkv = jnp.concatenate([Wq, Wk, Wv], axis=1)
    w_shared = jnp.concatenate([sh_gate, sh_up], axis=1)
    gate_pad = jnp.pad(gate_w.T, ((0, 0), (0, 128 - E)))
    ln1 = ln1_w.reshape(1, H)
    ln2 = ln2_w.reshape(1, H)

    qkv = _norm_qkv(x, ln1, wqkv)
    attn = _attention(qkv, cos, sin)
    hidden2 = _mm_residual(attn, Wo, x)

    h2, rinfo = _norm_router(hidden2, ln2, gate_pad)
    w1 = rinfo[:, 0]
    w2r = rinfo[:, 1]
    e1 = rinfo[:, 2].astype(jnp.int32)
    e2 = rinfo[:, 3].astype(jnp.int32)

    flat_e = jnp.stack([e1, e2], axis=1).reshape(NPAIR)
    flat_w = jnp.stack([w1, w2r], axis=1).reshape(NPAIR)
    sort_idx = jnp.argsort(flat_e, stable=True).astype(jnp.int32)
    sorted_e = flat_e[sort_idx]
    counts = jnp.bincount(flat_e, length=E)
    start = jnp.concatenate([jnp.zeros((1,), counts.dtype),
                             jnp.cumsum(counts)[:-1]])
    padded_counts = ((counts + GT - 1) // GT) * GT
    pstart = jnp.concatenate([jnp.zeros((1,), counts.dtype),
                              jnp.cumsum(padded_counts)[:-1]])
    i_ar = jnp.arange(NPAIR)
    pos = (pstart[sorted_e] + (i_ar - start[sorted_e])).astype(jnp.int32)
    dispatch_idx = jnp.zeros((NPAD,), jnp.int32).at[pos].set(sort_idx // K)
    w_sorted = jnp.zeros((NPAD,), jnp.float32).at[pos].set(flat_w[sort_idx])
    inv_pos = jnp.zeros((NPAIR,), jnp.int32).at[sort_idx].set(pos)
    cum_p = jnp.cumsum(padded_counts)
    block_expert = jnp.minimum(
        jnp.searchsorted(cum_p, jnp.arange(NB) * GT, side="right"), E - 1
    ).astype(jnp.int32)

    xs = _make_sc_gather(NPAD, H, 32)(h2, dispatch_idx)

    ys = _grouped_gemm(xs, W13, W2, w_sorted, block_expert)

    yt = _make_sc_gather(NPAIR, H, 32)(ys, inv_pos)

    act = _shared_up(h2, w_shared)
    out = _final(act, sh_down, hidden2, yt.reshape(S, 2 * H))
    return out.reshape(B, S, H)

# --- scband reference (transcript-rebuilt; emitter-appended) ---
"""Pipeline reference for scband-mo-edecoder-layer-31181462569069 (READ-ONLY COPY).

The authoritative reference and input builder live on the scoring server;
editing this copy changes nothing except your own understanding.
"""

import jax, jax.numpy as jnp
import numpy as np

B, S, H = 1, 2048, 1024
NH, DH = 16, 64
E, K = 8, 2
IM = 512
IS = 1024
EPS = 1e-6


def setup_inputs(seed: int = 0) -> dict:
    key = jax.random.key(seed)
    ks = jax.random.split(key, 12)
    std = 0.02
    inp = {}
    inp['hidden_states'] = jax.random.normal(ks[0], (B, S, H), dtype=jnp.float32)
    inp['ln1_w'] = jnp.ones((H,), dtype=jnp.float32)
    inp['ln2_w'] = jnp.ones((H,), dtype=jnp.float32)
    inp['Wq'] = jax.random.normal(ks[1], (H, H), dtype=jnp.float32) * std
    inp['Wk'] = jax.random.normal(ks[2], (H, H), dtype=jnp.float32) * std
    inp['Wv'] = jax.random.normal(ks[3], (H, H), dtype=jnp.float32) * std
    inp['Wo'] = jax.random.normal(ks[4], (H, H), dtype=jnp.float32) * std
    inp['gate_w'] = jax.random.normal(ks[5], (E, H), dtype=jnp.float32) * std
    inp['W13'] = jax.random.normal(ks[6], (E, H, 2 * IM), dtype=jnp.float32) * std
    inp['W2'] = jax.random.normal(ks[7], (E, IM, H), dtype=jnp.float32) * std
    inp['sh_gate'] = jax.random.normal(ks[8], (H, IS), dtype=jnp.float32) * std
    inp['sh_up'] = jax.random.normal(ks[9], (H, IS), dtype=jnp.float32) * std
    inp['sh_down'] = jax.random.normal(ks[10], (IS, H), dtype=jnp.float32) * std
    pos = jnp.arange(S, dtype=jnp.float32)
    inv_freq = 1.0 / (10000.0 ** (jnp.arange(0, DH, 2, dtype=jnp.float32) / DH))
    freqs = jnp.outer(pos, inv_freq)
    emb = jnp.concatenate([freqs, freqs], axis=-1)
    inp['cos'] = jnp.cos(emb)
    inp['sin'] = jnp.sin(emb)
    return inp


def _rms_norm(x, w):
    return x * jax.lax.rsqrt(jnp.mean(x * x, axis=-1, keepdims=True) + EPS) * w


def _rotate_half(t):
    t1, t2 = jnp.split(t, 2, axis=-1)
    return jnp.concatenate([-t2, t1], axis=-1)


def _apply_rope(t, cos, sin):
    c = cos[None, None, :, :]
    s = sin[None, None, :, :]
    return t * c + _rotate_half(t) * s


def _forward(hidden_states, ln1_w, ln2_w, Wq, Wk, Wv, Wo, gate_w, W13, W2, sh_gate, sh_up, sh_down, cos, sin):
    # ---- self attention (pre-norm, rotary, causal) ----
    residual = hidden_states
    h = _rms_norm(hidden_states, ln1_w)
    q = (h @ Wq).reshape(B, S, NH, DH).transpose(0, 2, 1, 3)
    k = (h @ Wk).reshape(B, S, NH, DH).transpose(0, 2, 1, 3)
    v = (h @ Wv).reshape(B, S, NH, DH).transpose(0, 2, 1, 3)
    q = _apply_rope(q, cos, sin)
    k = _apply_rope(k, cos, sin)
    scores = jnp.einsum('bhqd,bhkd->bhqk', q, k) / np.sqrt(DH)
    causal = jnp.tril(jnp.ones((S, S), dtype=bool))
    scores = jnp.where(causal[None, None, :, :], scores, jnp.finfo(jnp.float32).min)
    probs = jax.nn.softmax(scores, axis=-1)
    attn = jnp.einsum('bhqk,bhkd->bhqd', probs, v).transpose(0, 2, 1, 3).reshape(B, S, H)
    hidden = residual + attn @ Wo

    # ---- MoE gate (fp32 linear + softmax + top-k, normalized weights) ----
    residual2 = hidden
    h2 = _rms_norm(hidden, ln2_w)
    x2 = h2.reshape(-1, H)
    logits = x2.astype(jnp.float32) @ gate_w.astype(jnp.float32).T
    gate_scores = jax.nn.softmax(logits, axis=-1)
    topk_w, topk_ids = jax.lax.top_k(gate_scores, K)
    topk_w = topk_w / jnp.sum(topk_w, axis=-1, keepdims=True)

    # ---- routed experts: fused w1w3 (grouped) -> swiglu -> w2 (grouped) ----
    # Dense masked formulation: mathematically identical to dropless grouped GEMM,
    # since tokens not routed to expert e get combine weight 0.
    routed = jnp.zeros_like(x2)
    for e in range(E):
        w_e = jnp.sum(topk_w * (topk_ids == e).astype(topk_w.dtype), axis=-1)
        gu = x2 @ W13[e]
        g, u = jnp.split(gu, 2, axis=-1)
        a = jax.nn.silu(g) * u
        routed = routed + w_e[:, None] * (a @ W2[e])

    # ---- shared experts MLP ----
    shared = (jax.nn.silu(h2 @ sh_gate) * (h2 @ sh_up)) @ sh_down

    out = residual2 + routed.reshape(B, S, H) + shared
    return out


def reference(hidden_states, ln1_w, ln2_w, Wq, Wk, Wv, Wo, gate_w, W13, W2, sh_gate, sh_up, sh_down, cos, sin):
    return _forward(hidden_states, ln1_w, ln2_w, Wq, Wk, Wv, Wo, gate_w, W13, W2, sh_gate, sh_up, sh_down, cos, sin)

if __name__ == "__main__":
    import jax
    _d = setup_inputs()
    print(jax.jit(kernel)(*tuple(_d.values())))

</pallas_src>

<mosaic_0001>
#map = affine_map<(d0, d1) -> (0, 0)>
#map1 = affine_map<(d0, d1) -> (0)>
module attributes {stable_mosaic.version = 14 : i64} {
  func.func @body(%arg0: i32, %arg1: i32, %arg2: memref<2048x1024xf32, #tpu.memory_space<hbm>>, %arg3: memref<6144xi32, #tpu.memory_space<hbm>>, %arg4: memref<6144x1024xf32, #tpu.memory_space<hbm>>, %arg5: memref<32xi32, #tpu.memory_space<vmem>>, %arg6: memref<32x1024xf32, #tpu.memory_space<vmem>>, %arg7: memref<!tpu.dma_semaphore, #tpu.memory_space<semaphore_mem>>) attributes {dimension_semantics = [#tpu.dimension_semantics<core_parallel>, #tpu.dimension_semantics<subcore_parallel>], iteration_bounds = array<i64: 2, 16>, scalar_prefetch = 0 : i64, scratch_operands = 3 : i64, tpu.core_type = #tpu.core_type<sc_vector_subcore>, window_params = [{transform_indices = #map}, {transform_indices = #map1}, {transform_indices = #map}]} {
    %mul3A = arith.constant 2 : i32
    %mul3A_0 = arith.muli %arg1, %mul3A : i32
    %add3A = arith.addi %mul3A_0, %arg0 : i32
    %mul3A_1 = arith.constant 192 : i32
    %mul3A_2 = arith.muli %add3A, %mul3A_1 : i32
    %add3A_3 = arith.constant 0 : i32
    %add3A_4 = arith.addi %mul3A_2, %add3A_3 : i32
    "tpu.region"() ({
      %run_scoped3A = tpu.sem_alloc : memref<!tpu.dma_semaphore, #tpu.memory_space<semaphore_mem>>
      %dma_start3A_61 = tpu.memref_slice %arg3[%add3A_4] : memref<6144xi32, #tpu.memory_space<hbm>> -> memref<32xi32, #tpu.memory_space<hbm>>
      %dma_start3A_62 = tpu.memref_slice %arg3[%add3A_4] : memref<6144xi32, #tpu.memory_space<hbm>> -> memref<32xi32, #tpu.memory_space<hbm>>
      tpu.enqueue_dma source(%dma_start3A_62 : memref<32xi32, #tpu.memory_space<hbm>>) target(%arg5 : memref<32xi32, #tpu.memory_space<vmem>>) target_semaphore(%run_scoped3A : memref<!tpu.dma_semaphore, #tpu.memory_space<semaphore_mem>>)
      %dma_wait3A_63 = tpu.memref_slice %arg3[%add3A_4] : memref<6144xi32, #tpu.memory_space<hbm>> -> memref<32xi32, #tpu.memory_space<hbm>>
      %dma_wait3A_64 = tpu.memref_slice %arg3[%add3A_4] : memref<6144xi32, #tpu.memory_space<hbm>> -> memref<32xi32, #tpu.memory_space<hbm>>
      tpu.wait_dma2 semaphore(%run_scoped3A : memref<!tpu.dma_semaphore, #tpu.memory_space<semaphore_mem>>) src(%dma_wait3A_64 : memref<32xi32, #tpu.memory_space<hbm>>) dst(%arg5 : memref<32xi32, #tpu.memory_space<vmem>>)
      tpu.yield
    }) : () -> ()
    %dma_start3A = arith.constant 0 : i32
    %dma_start3A_5 = arith.constant 0 : i32
    %dma_start3A_6 = tpu.memref_slice %arg2[%dma_start3A, %dma_start3A_5] : memref<2048x1024xf32, #tpu.memory_space<hbm>> -> memref<2048x1024xf32, #tpu.memory_space<hbm>>
    tpu.enqueue_indirect_dma source(%dma_start3A_6 : memref<2048x1024xf32, #tpu.memory_space<hbm>>) target(%arg6 : memref<32x1024xf32, #tpu.memory_space<vmem>>) offsets(%arg5 : memref<32xi32, #tpu.memory_space<vmem>>) semaphore(%arg7 : memref<!tpu.dma_semaphore, #tpu.memory_space<semaphore_mem>>)
    %dma_wait3A = arith.constant 0 : i32
    %dma_wait3A_7 = arith.constant 0 : i32
    %dma_wait3A_8 = tpu.memref_slice %arg2[%dma_wait3A, %dma_wait3A_7] : memref<2048x1024xf32, #tpu.memory_space<hbm>> -> memref<2048x1024xf32, #tpu.memory_space<hbm>>
    tpu.wait_indirect_dma semaphore(%arg7 : memref<!tpu.dma_semaphore, #tpu.memory_space<semaphore_mem>>) src(%dma_wait3A_8 : memref<2048x1024xf32, #tpu.memory_space<hbm>>) dst(%arg6 : memref<32x1024xf32, #tpu.memory_space<vmem>>)
    %add3A_9 = arith.constant 0 : i32
    %add3A_10 = arith.addi %mul3A_2, %add3A_9 : i32
    "tpu.region"() ({
      %run_scoped3A = tpu.sem_alloc : memref<!tpu.dma_semaphore, #tpu.memory_space<semaphore_mem>>
      %dma_start3A_61 = arith.constant 0 : i32
      %dma_start3A_62 = tpu.memref_slice %arg4[%add3A_10, %dma_start3A_61] : memref<6144x1024xf32, #tpu.memory_space<hbm>> -> memref<32x1024xf32, #tpu.memory_space<hbm>>
      %dma_start3A_63 = arith.constant 0 : i32
      %dma_start3A_64 = tpu.memref_slice %arg4[%add3A_10, %dma_start3A_63] : memref<6144x1024xf32, #tpu.memory_space<hbm>> -> memref<32x1024xf32, #tpu.memory_space<hbm>>
      tpu.enqueue_dma source(%arg6 : memref<32x1024xf32, #tpu.memory_space<vmem>>) target(%dma_start3A_64 : memref<32x1024xf32, #tpu.memory_space<hbm>>) target_semaphore(%run_scoped3A : memref<!tpu.dma_semaphore, #tpu.memory_space<semaphore_mem>>)
      %dma_wait3A_65 = arith.constant 0 : i32
      %dma_wait3A_66 = tpu.memref_slice %arg4[%add3A_10, %dma_wait3A_65] : memref<6144x1024xf32, #tpu.memory_space<hbm>> -> memref<32x1024xf32, #tpu.memory_space<hbm>>
      %dma_wait3A_67 = arith.constant 0 : i32
      %dma_wait3A_68 = tpu.memref_slice %arg4[%add3A_10, %dma_wait3A_67] : memref<6144x1024xf32, #tpu.memory_space<hbm>> -> memref<32x1024xf32, #tpu.memory_space<hbm>>
      tpu.wait_dma2 semaphore(%run_scoped3A : memref<!tpu.dma_semaphore, #tpu.memory_space<semaphore_mem>>) src(%arg6 : memref<32x1024xf32, #tpu.memory_space<vmem>>) dst(%dma_wait3A_68 : memref<32x1024xf32, #tpu.memory_space<hbm>>)
      tpu.yield
    }) : () -> ()
    %add3A_11 = arith.constant 32 : i32
    %add3A_12 = arith.addi %mul3A_2, %add3A_11 : i32
    "tpu.region"() ({
      %run_scoped3A = tpu.sem_alloc : memref<!tpu.dma_semaphore, #tpu.memory_space<semaphore_mem>>
      %dma_start3A_61 = tpu.memref_slice %arg3[%add3A_12] : memref<6144xi32, #tpu.memory_space<hbm>> -> memref<32xi32, #tpu.memory_space<hbm>>
      %dma_start3A_62 = tpu.memref_slice %arg3[%add3A_12] : memref<6144xi32, #tpu.memory_space<hbm>> -> memref<32xi32, #tpu.memory_space<hbm>>
      tpu.enqueue_dma source(%dma_start3A_62 : memref<32xi32, #tpu.memory_space<hbm>>) target(%arg5 : memref<32xi32, #tpu.memory_space<vmem>>) target_semaphore(%run_scoped3A : memref<!tpu.dma_semaphore, #tpu.memory_space<semaphore_mem>>)
      %dma_wait3A_63 = tpu.memref_slice %arg3[%add3A_12] : memref<6144xi32, #tpu.memory_space<hbm>> -> memref<32xi32, #tpu.memory_space<hbm>>
      %dma_wait3A_64 = tpu.memref_slice %arg3[%add3A_12] : memref<6144xi32, #tpu.memory_space<hbm>> -> memref<32xi32, #tpu.memory_space<hbm>>
      tpu.wait_dma2 semaphore(%run_scoped3A : memref<!tpu.dma_semaphore, #tpu.memory_space<semaphore_mem>>) src(%dma_wait3A_64 : memref<32xi32, #tpu.memory_space<hbm>>) dst(%arg5 : memref<32xi32, #tpu.memory_space<vmem>>)
      tpu.yield
    }) : () -> ()
    %dma_start3A_13 = arith.constant 0 : i32
    %dma_start3A_14 = arith.constant 0 : i32
    %dma_start3A_15 = tpu.memref_slice %arg2[%dma_start3A_13, %dma_start3A_14] : memref<2048x1024xf32, #tpu.memory_space<hbm>> -> memref<2048x1024xf32, #tpu.memory_space<hbm>>
    tpu.enqueue_indirect_dma source(%dma_start3A_15 : memref<2048x1024xf32, #tpu.memory_space<hbm>>) target(%arg6 : memref<32x1024xf32, #tpu.memory_space<vmem>>) offsets(%arg5 : memref<32xi32, #tpu.memory_space<vmem>>) semaphore(%arg7 : memref<!tpu.dma_semaphore, #tpu.memory_space<semaphore_mem>>)
    %dma_wait3A_16 = arith.constant 0 : i32
    %dma_wait3A_17 = arith.constant 0 : i32
    %dma_wait3A_18 = tpu.memref_slice %arg2[%dma_wait3A_16, %dma_wait3A_17] : memref<2048x1024xf32, #tpu.memory_space<hbm>> -> memref<2048x1024xf32, #tpu.memory_space<hbm>>
    tpu.wait_indirect_dma semaphore(%arg7 : memref<!tpu.dma_semaphore, #tpu.memory_space<semaphore_mem>>) src(%dma_wait3A_18 : memref<2048x1024xf32, #tpu.memory_space<hbm>>) dst(%arg6 : memref<32x1024xf32, #tpu.memory_space<vmem>>)
    %add3A_19 = arith.constant 32 : i32
    %add3A_20 = arith.addi %mul3A_2, %add3A_19 : i32
    "tpu.region"() ({
      %run_scoped3A = tpu.sem_alloc : memref<!tpu.dma_semaphore, #tpu.memory_space<semaphore_mem>>
      %dma_start3A_61 = arith.constant 0 : i32
      %dma_start3A_62 = tpu.memref_slice %arg4[%add3A_20, %dma_start3A_61] : memref<6144x1024xf32, #tpu.memory_space<hbm>> -> memref<32x1024xf32, #tpu.memory_space<hbm>>
      %dma_start3A_63 = arith.constant 0 : i32
      %dma_start3A_64 = tpu.memref_slice %arg4[%add3A_20, %dma_start3A_63] : memref<6144x1024xf32, #tpu.memory_space<hbm>> -> memref<32x1024xf32, #tpu.memory_space<hbm>>
      tpu.enqueue_dma source(%arg6 : memref<32x1024xf32, #tpu.memory_space<vmem>>) target(%dma_start3A_64 : memref<32x1024xf32, #tpu.memory_space<hbm>>) target_semaphore(%run_scoped3A : memref<!tpu.dma_semaphore, #tpu.memory_space<semaphore_mem>>)
      %dma_wait3A_65 = arith.constant 0 : i32
      %dma_wait3A_66 = tpu.memref_slice %arg4[%add3A_20, %dma_wait3A_65] : memref<6144x1024xf32, #tpu.memory_space<hbm>> -> memref<32x1024xf32, #tpu.memory_space<hbm>>
      %dma_wait3A_67 = arith.constant 0 : i32
      %dma_wait3A_68 = tpu.memref_slice %arg4[%add3A_20, %dma_wait3A_67] : memref<6144x1024xf32, #tpu.memory_space<hbm>> -> memref<32x1024xf32, #tpu.memory_space<hbm>>
      tpu.wait_dma2 semaphore(%run_scoped3A : memref<!tpu.dma_semaphore, #tpu.memory_space<semaphore_mem>>) src(%arg6 : memref<32x1024xf32, #tpu.memory_space<vmem>>) dst(%dma_wait3A_68 : memref<32x1024xf32, #tpu.memory_space<hbm>>)
      tpu.yield
    }) : () -> ()
    %add3A_21 = arith.constant 64 : i32
    %add3A_22 = arith.addi %mul3A_2, %add3A_21 : i32
    "tpu.region"() ({
      %run_scoped3A = tpu.sem_alloc : memref<!tpu.dma_semaphore, #tpu.memory_space<semaphore_mem>>
      %dma_start3A_61 = tpu.memref_slice %arg3[%add3A_22] : memref<6144xi32, #tpu.memory_space<hbm>> -> memref<32xi32, #tpu.memory_space<hbm>>
      %dma_start3A_62 = tpu.memref_slice %arg3[%add3A_22] : memref<6144xi32, #tpu.memory_space<hbm>> -> memref<32xi32, #tpu.memory_space<hbm>>
      tpu.enqueue_dma source(%dma_start3A_62 : memref<32xi32, #tpu.memory_space<hbm>>) target(%arg5 : memref<32xi32, #tpu.memory_space<vmem>>) target_semaphore(%run_scoped3A : memref<!tpu.dma_semaphore, #tpu.memory_space<semaphore_mem>>)
      %dma_wait3A_63 = tpu.memref_slice %arg3[%add3A_22] : memref<6144xi32, #tpu.memory_space<hbm>> -> memref<32xi32, #tpu.memory_space<hbm>>
      %dma_wait3A_64 = tpu.memref_slice %arg3[%add3A_22] : memref<6144xi32, #tpu.memory_space<hbm>> -> memref<32xi32, #tpu.memory_space<hbm>>
      tpu.wait_dma2 semaphore(%run_scoped3A : memref<!tpu.dma_semaphore, #tpu.memory_space<semaphore_mem>>) src(%dma_wait3A_64 : memref<32xi32, #tpu.memory_space<hbm>>) dst(%arg5 : memref<32xi32, #tpu.memory_space<vmem>>)
      tpu.yield
    }) : () -> ()
    %dma_start3A_23 = arith.constant 0 : i32
    %dma_start3A_24 = arith.constant 0 : i32
    %dma_start3A_25 = tpu.memref_slice %arg2[%dma_start3A_23, %dma_start3A_24] : memref<2048x1024xf32, #tpu.memory_space<hbm>> -> memref<2048x1024xf32, #tpu.memory_space<hbm>>
    tpu.enqueue_indirect_dma source(%dma_start3A_25 : memref<2048x1024xf32, #tpu.memory_space<hbm>>) target(%arg6 : memref<32x1024xf32, #tpu.memory_space<vmem>>) offsets(%arg5 : memref<32xi32, #tpu.memory_space<vmem>>) semaphore(%arg7 : memref<!tpu.dma_semaphore, #tpu.memory_space<semaphore_mem>>)
    %dma_wait3A_26 = arith.constant 0 : i32
    %dma_wait3A_27 = arith.constant 0 : i32
    %dma_wait3A_28 = tpu.memref_slice %arg2[%dma_wait3A_26, %dma_wait3A_27] : memref<2048x1024xf32, #tpu.memory_space<hbm>> -> memref<2048x1024xf32, #tpu.memory_space<hbm>>
    tpu.wait_indirect_dma semaphore(%arg7 : memref<!tpu.dma_semaphore, #tpu.memory_space<semaphore_mem>>) src(%dma_wait3A_28 : memref<2048x1024xf32, #tpu.memory_space<hbm>>) dst(%arg6 : memref<32x1024xf32, #tpu.memory_space<vmem>>)
    %add3A_29 = arith.constant 64 : i32
    %add3A_30 = arith.addi %mul3A_2, %add3A_29 : i32
    "tpu.region"() ({
      %run_scoped3A = tpu.sem_alloc : memref<!tpu.dma_semaphore, #tpu.memory_space<semaphore_mem>>
      %dma_start3A_61 = arith.constant 0 : i32
      %dma_start3A_62 = tpu.memref_slice %arg4[%add3A_30, %dma_start3A_61] : memref<6144x1024xf32, #tpu.memory_space<hbm>> -> memref<32x1024xf32, #tpu.memory_space<hbm>>
      %dma_start3A_63 = arith.constant 0 : i32
      %dma_start3A_64 = tpu.memref_slice %arg4[%add3A_30, %dma_start3A_63] : memref<6144x1024xf32, #tpu.memory_space<hbm>> -> memref<32x1024xf32, #tpu.memory_space<hbm>>
      tpu.enqueue_dma source(%arg6 : memref<32x1024xf32, #tpu.memory_space<vmem>>) target(%dma_start3A_64 : memref<32x1024xf32, #tpu.memory_space<hbm>>) target_semaphore(%run_scoped3A : memref<!tpu.dma_semaphore, #tpu.memory_space<semaphore_mem>>)
      %dma_wait3A_65 = arith.constant 0 : i32
      %dma_wait3A_66 = tpu.memref_slice %arg4[%add3A_30, %dma_wait3A_65] : memref<6144x1024xf32, #tpu.memory_space<hbm>> -> memref<32x1024xf32, #tpu.memory_space<hbm>>
      %dma_wait3A_67 = arith.constant 0 : i32
      %dma_wait3A_68 = tpu.memref_slice %arg4[%add3A_30, %dma_wait3A_67] : memref<6144x1024xf32, #tpu.memory_space<hbm>> -> memref<32x1024xf32, #tpu.memory_space<hbm>>
      tpu.wait_dma2 semaphore(%run_scoped3A : memref<!tpu.dma_semaphore, #tpu.memory_space<semaphore_mem>>) src(%arg6 : memref<32x1024xf32, #tpu.memory_space<vmem>>) dst(%dma_wait3A_68 : memref<32x1024xf32, #tpu.memory_space<hbm>>)
      tpu.yield
    }) : () -> ()
    %add3A_31 = arith.constant 96 : i32
    %add3A_32 = arith.addi %mul3A_2, %add3A_31 : i32
    "tpu.region"() ({
      %run_scoped3A = tpu.sem_alloc : memref<!tpu.dma_semaphore, #tpu.memory_space<semaphore_mem>>
      %dma_start3A_61 = tpu.memref_slice %arg3[%add3A_32] : memref<6144xi32, #tpu.memory_space<hbm>> -> memref<32xi32, #tpu.memory_space<hbm>>
      %dma_start3A_62 = tpu.memref_slice %arg3[%add3A_32] : memref<6144xi32, #tpu.memory_space<hbm>> -> memref<32xi32, #tpu.memory_space<hbm>>
      tpu.enqueue_dma source(%dma_start3A_62 : memref<32xi32, #tpu.memory_space<hbm>>) target(%arg5 : memref<32xi32, #tpu.memory_space<vmem>>) target_semaphore(%run_scoped3A : memref<!tpu.dma_semaphore, #tpu.memory_space<semaphore_mem>>)
      %dma_wait3A_63 = tpu.memref_slice %arg3[%add3A_32] : memref<6144xi32, #tpu.memory_space<hbm>> -> memref<32xi32, #tpu.memory_space<hbm>>
      %dma_wait3A_64 = tpu.memref_slice %arg3[%add3A_32] : memref<6144xi32, #tpu.memory_space<hbm>> -> memref<32xi32, #tpu.memory_space<hbm>>
      tpu.wait_dma2 semaphore(%run_scoped3A : memref<!tpu.dma_semaphore, #tpu.memory_space<semaphore_mem>>) src(%dma_wait3A_64 : memref<32xi32, #tpu.memory_space<hbm>>) dst(%arg5 : memref<32xi32, #tpu.memory_space<vmem>>)
      tpu.yield
    }) : () -> ()
    %dma_start3A_33 = arith.constant 0 : i32
    %dma_start3A_34 = arith.constant 0 : i32
    %dma_start3A_35 = tpu.memref_slice %arg2[%dma_start3A_33, %dma_start3A_34] : memref<2048x1024xf32, #tpu.memory_space<hbm>> -> memref<2048x1024xf32, #tpu.memory_space<hbm>>
    tpu.enqueue_indirect_dma source(%dma_start3A_35 : memref<2048x1024xf32, #tpu.memory_space<hbm>>) target(%arg6 : memref<32x1024xf32, #tpu.memory_space<vmem>>) offsets(%arg5 : memref<32xi32, #tpu.memory_space<vmem>>) semaphore(%arg7 : memref<!tpu.dma_semaphore, #tpu.memory_space<semaphore_mem>>)
    %dma_wait3A_36 = arith.constant 0 : i32
    %dma_wait3A_37 = arith.constant 0 : i32
    %dma_wait3A_38 = tpu.memref_slice %arg2[%dma_wait3A_36, %dma_wait3A_37] : memref<2048x1024xf32, #tpu.memory_space<hbm>> -> memref<2048x1024xf32, #tpu.memory_space<hbm>>
    tpu.wait_indirect_dma semaphore(%arg7 : memref<!tpu.dma_semaphore, #tpu.memory_space<semaphore_mem>>) src(%dma_wait3A_38 : memref<2048x1024xf32, #tpu.memory_space<hbm>>) dst(%arg6 : memref<32x1024xf32, #tpu.memory_space<vmem>>)
    %add3A_39 = arith.constant 96 : i32
    %add3A_40 = arith.addi %mul3A_2, %add3A_39 : i32
    "tpu.region"() ({
      %run_scoped3A = tpu.sem_alloc : memref<!tpu.dma_semaphore, #tpu.memory_space<semaphore_mem>>
      %dma_start3A_61 = arith.constant 0 : i32
      %dma_start3A_62 = tpu.memref_slice %arg4[%add3A_40, %dma_start3A_61] : memref<6144x1024xf32, #tpu.memory_space<hbm>> -> memref<32x1024xf32, #tpu.memory_space<hbm>>
      %dma_start3A_63 = arith.constant 0 : i32
      %dma_start3A_64 = tpu.memref_slice %arg4[%add3A_40, %dma_start3A_63] : memref<6144x1024xf32, #tpu.memory_space<hbm>> -> memref<32x1024xf32, #tpu.memory_space<hbm>>
      tpu.enqueue_dma source(%arg6 : memref<32x1024xf32, #tpu.memory_space<vmem>>) target(%dma_start3A_64 : memref<32x1024xf32, #tpu.memory_space<hbm>>) target_semaphore(%run_scoped3A : memref<!tpu.dma_semaphore, #tpu.memory_space<semaphore_mem>>)
      %dma_wait3A_65 = arith.constant 0 : i32
      %dma_wait3A_66 = tpu.memref_slice %arg4[%add3A_40, %dma_wait3A_65] : memref<6144x1024xf32, #tpu.memory_space<hbm>> -> memref<32x1024xf32, #tpu.memory_space<hbm>>
      %dma_wait3A_67 = arith.constant 0 : i32
      %dma_wait3A_68 = tpu.memref_slice %arg4[%add3A_40, %dma_wait3A_67] : memref<6144x1024xf32, #tpu.memory_space<hbm>> -> memref<32x1024xf32, #tpu.memory_space<hbm>>
      tpu.wait_dma2 semaphore(%run_scoped3A : memref<!tpu.dma_semaphore, #tpu.memory_space<semaphore_mem>>) src(%arg6 : memref<32x1024xf32, #tpu.memory_space<vmem>>) dst(%dma_wait3A_68 : memref<32x1024xf32, #tpu.memory_space<hbm>>)
      tpu.yield
    }) : () -> ()
    %add3A_41 = arith.constant 128 : i32
    %add3A_42 = arith.addi %mul3A_2, %add3A_41 : i32
    "tpu.region"() ({
      %run_scoped3A = tpu.sem_alloc : memref<!tpu.dma_semaphore, #tpu.memory_space<semaphore_mem>>
      %dma_start3A_61 = tpu.memref_slice %arg3[%add3A_42] : memref<6144xi32, #tpu.memory_space<hbm>> -> memref<32xi32, #tpu.memory_space<hbm>>
      %dma_start3A_62 = tpu.memref_slice %arg3[%add3A_42] : memref<6144xi32, #tpu.memory_space<hbm>> -> memref<32xi32, #tpu.memory_space<hbm>>
      tpu.enqueue_dma source(%dma_start3A_62 : memref<32xi32, #tpu.memory_space<hbm>>) target(%arg5 : memref<32xi32, #tpu.memory_space<vmem>>) target_semaphore(%run_scoped3A : memref<!tpu.dma_semaphore, #tpu.memory_space<semaphore_mem>>)
      %dma_wait3A_63 = tpu.memref_slice %arg3[%add3A_42] : memref<6144xi32, #tpu.memory_space<hbm>> -> memref<32xi32, #tpu.memory_space<hbm>>
      %dma_wait3A_64 = tpu.memref_slice %arg3[%add3A_42] : memref<6144xi32, #tpu.memory_space<hbm>> -> memref<32xi32, #tpu.memory_space<hbm>>
      tpu.wait_dma2 semaphore(%run_scoped3A : memref<!tpu.dma_semaphore, #tpu.memory_space<semaphore_mem>>) src(%dma_wait3A_64 : memref<32xi32, #tpu.memory_space<hbm>>) dst(%arg5 : memref<32xi32, #tpu.memory_space<vmem>>)
      tpu.yield
    }) : () -> ()
    %dma_start3A_43 = arith.constant 0 : i32
    %dma_start3A_44 = arith.constant 0 : i32
    %dma_start3A_45 = tpu.memref_slice %arg2[%dma_start3A_43, %dma_start3A_44] : memref<2048x1024xf32, #tpu.memory_space<hbm>> -> memref<2048x1024xf32, #tpu.memory_space<hbm>>
    tpu.enqueue_indirect_dma source(%dma_start3A_45 : memref<2048x1024xf32, #tpu.memory_space<hbm>>) target(%arg6 : memref<32x1024xf32, #tpu.memory_space<vmem>>) offsets(%arg5 : memref<32xi32, #tpu.memory_space<vmem>>) semaphore(%arg7 : memref<!tpu.dma_semaphore, #tpu.memory_space<semaphore_mem>>)
    %dma_wait3A_46 = arith.constant 0 : i32
    %dma_wait3A_47 = arith.constant 0 : i32
    %dma_wait3A_48 = tpu.memref_slice %arg2[%dma_wait3A_46, %dma_wait3A_47] : memref<2048x1024xf32, #tpu.memory_space<hbm>> -> memref<2048x1024xf32, #tpu.memory_space<hbm>>
    tpu.wait_indirect_dma semaphore(%arg7 : memref<!tpu.dma_semaphore, #tpu.memory_space<semaphore_mem>>) src(%dma_wait3A_48 : memref<2048x1024xf32, #tpu.memory_space<hbm>>) dst(%arg6 : memref<32x1024xf32, #tpu.memory_space<vmem>>)
    %add3A_49 = arith.constant 128 : i32
    %add3A_50 = arith.addi %mul3A_2, %add3A_49 : i32
    "tpu.region"() ({
      %run_scoped3A = tpu.sem_alloc : memref<!tpu.dma_semaphore, #tpu.memory_space<semaphore_mem>>
      %dma_start3A_61 = arith.constant 0 : i32
      %dma_start3A_62 = tpu.memref_slice %arg4[%add3A_50, %dma_start3A_61] : memref<6144x1024xf32, #tpu.memory_space<hbm>> -> memref<32x1024xf32, #tpu.memory_space<hbm>>
      %dma_start3A_63 = arith.constant 0 : i32
      %dma_start3A_64 = tpu.memref_slice %arg4[%add3A_50, %dma_start3A_63] : memref<6144x1024xf32, #tpu.memory_space<hbm>> -> memref<32x1024xf32, #tpu.memory_space<hbm>>
      tpu.enqueue_dma source(%arg6 : memref<32x1024xf32, #tpu.memory_space<vmem>>) target(%dma_start3A_64 : memref<32x1024xf32, #tpu.memory_space<hbm>>) target_semaphore(%run_scoped3A : memref<!tpu.dma_semaphore, #tpu.memory_space<semaphore_mem>>)
      %dma_wait3A_65 = arith.constant 0 : i32
      %dma_wait3A_66 = tpu.memref_slice %arg4[%add3A_50, %dma_wait3A_65] : memref<6144x1024xf32, #tpu.memory_space<hbm>> -> memref<32x1024xf32, #tpu.memory_space<hbm>>
      %dma_wait3A_67 = arith.constant 0 : i32
      %dma_wait3A_68 = tpu.memref_slice %arg4[%add3A_50, %dma_wait3A_67] : memref<6144x1024xf32, #tpu.memory_space<hbm>> -> memref<32x1024xf32, #tpu.memory_space<hbm>>
      tpu.wait_dma2 semaphore(%run_scoped3A : memref<!tpu.dma_semaphore, #tpu.memory_space<semaphore_mem>>) src(%arg6 : memref<32x1024xf32, #tpu.memory_space<vmem>>) dst(%dma_wait3A_68 : memref<32x1024xf32, #tpu.memory_space<hbm>>)
      tpu.yield
    }) : () -> ()
    %add3A_51 = arith.constant 160 : i32
    %add3A_52 = arith.addi %mul3A_2, %add3A_51 : i32
    "tpu.region"() ({
      %run_scoped3A = tpu.sem_alloc : memref<!tpu.dma_semaphore, #tpu.memory_space<semaphore_mem>>
      %dma_start3A_61 = tpu.memref_slice %arg3[%add3A_52] : memref<6144xi32, #tpu.memory_space<hbm>> -> memref<32xi32, #tpu.memory_space<hbm>>
      %dma_start3A_62 = tpu.memref_slice %arg3[%add3A_52] : memref<6144xi32, #tpu.memory_space<hbm>> -> memref<32xi32, #tpu.memory_space<hbm>>
      tpu.enqueue_dma source(%dma_start3A_62 : memref<32xi32, #tpu.memory_space<hbm>>) target(%arg5 : memref<32xi32, #tpu.memory_space<vmem>>) target_semaphore(%run_scoped3A : memref<!tpu.dma_semaphore, #tpu.memory_space<semaphore_mem>>)
      %dma_wait3A_63 = tpu.memref_slice %arg3[%add3A_52] : memref<6144xi32, #tpu.memory_space<hbm>> -> memref<32xi32, #tpu.memory_space<hbm>>
      %dma_wait3A_64 = tpu.memref_slice %arg3[%add3A_52] : memref<6144xi32, #tpu.memory_space<hbm>> -> memref<32xi32, #tpu.memory_space<hbm>>
      tpu.wait_dma2 semaphore(%run_scoped3A : memref<!tpu.dma_semaphore, #tpu.memory_space<semaphore_mem>>) src(%dma_wait3A_64 : memref<32xi32, #tpu.memory_space<hbm>>) dst(%arg5 : memref<32xi32, #tpu.memory_space<vmem>>)
      tpu.yield
    }) : () -> ()
    %dma_start3A_53 = arith.constant 0 : i32
    %dma_start3A_54 = arith.constant 0 : i32
    %dma_start3A_55 = tpu.memref_slice %arg2[%dma_start3A_53, %dma_start3A_54] : memref<2048x1024xf32, #tpu.memory_space<hbm>> -> memref<2048x1024xf32, #tpu.memory_space<hbm>>
    tpu.enqueue_indirect_dma source(%dma_start3A_55 : memref<2048x1024xf32, #tpu.memory_space<hbm>>) target(%arg6 : memref<32x1024xf32, #tpu.memory_space<vmem>>) offsets(%arg5 : memref<32xi32, #tpu.memory_space<vmem>>) semaphore(%arg7 : memref<!tpu.dma_semaphore, #tpu.memory_space<semaphore_mem>>)
    %dma_wait3A_56 = arith.constant 0 : i32
    %dma_wait3A_57 = arith.constant 0 : i32
    %dma_wait3A_58 = tpu.memref_slice %arg2[%dma_wait3A_56, %dma_wait3A_57] : memref<2048x1024xf32, #tpu.memory_space<hbm>> -> memref<2048x1024xf32, #tpu.memory_space<hbm>>
    tpu.wait_indirect_dma semaphore(%arg7 : memref<!tpu.dma_semaphore, #tpu.memory_space<semaphore_mem>>) src(%dma_wait3A_58 : memref<2048x1024xf32, #tpu.memory_space<hbm>>) dst(%arg6 : memref<32x1024xf32, #tpu.memory_space<vmem>>)
    %add3A_59 = arith.constant 160 : i32
    %add3A_60 = arith.addi %mul3A_2, %add3A_59 : i32
    "tpu.region"() ({
      %run_scoped3A = tpu.sem_alloc : memref<!tpu.dma_semaphore, #tpu.memory_space<semaphore_mem>>
      %dma_start3A_61 = arith.constant 0 : i32
      %dma_start3A_62 = tpu.memref_slice %arg4[%add3A_60, %dma_start3A_61] : memref<6144x1024xf32, #tpu.memory_space<hbm>> -> memref<32x1024xf32, #tpu.memory_space<hbm>>
      %dma_start3A_63 = arith.constant 0 : i32
      %dma_start3A_64 = tpu.memref_slice %arg4[%add3A_60, %dma_start3A_63] : memref<6144x1024xf32, #tpu.memory_space<hbm>> -> memref<32x1024xf32, #tpu.memory_space<hbm>>
      tpu.enqueue_dma source(%arg6 : memref<32x1024xf32, #tpu.memory_space<vmem>>) target(%dma_start3A_64 : memref<32x1024xf32, #tpu.memory_space<hbm>>) target_semaphore(%run_scoped3A : memref<!tpu.dma_semaphore, #tpu.memory_space<semaphore_mem>>)
      %dma_wait3A_65 = arith.constant 0 : i32
      %dma_wait3A_66 = tpu.memref_slice %arg4[%add3A_60, %dma_wait3A_65] : memref<6144x1024xf32, #tpu.memory_space<hbm>> -> memref<32x1024xf32, #tpu.memory_space<hbm>>
      %dma_wait3A_67 = arith.constant 0 : i32
      %dma_wait3A_68 = tpu.memref_slice %arg4[%add3A_60, %dma_wait3A_67] : memref<6144x1024xf32, #tpu.memory_space<hbm>> -> memref<32x1024xf32, #tpu.memory_space<hbm>>
      tpu.wait_dma2 semaphore(%run_scoped3A : memref<!tpu.dma_semaphore, #tpu.memory_space<semaphore_mem>>) src(%arg6 : memref<32x1024xf32, #tpu.memory_space<vmem>>) dst(%dma_wait3A_68 : memref<32x1024xf32, #tpu.memory_space<hbm>>)
      tpu.yield
    }) : () -> ()
    return
  }
}

#map = affine_map<(d0, d1) -> (0, 0)>
#map1 = affine_map<(d0, d1) -> (0)>
module attributes {stable_mosaic.version = 14 : i64} {
  func.func @body(%arg0: i32, %arg1: i32, %arg2: memref<6144x1024xf32, #tpu.memory_space<hbm>>, %arg3: memref<4096xi32, #tpu.memory_space<hbm>>, %arg4: memref<4096x1024xf32, #tpu.memory_space<hbm>>, %arg5: memref<32xi32, #tpu.memory_space<vmem>>, %arg6: memref<32x1024xf32, #tpu.memory_space<vmem>>, %arg7: memref<!tpu.dma_semaphore, #tpu.memory_space<semaphore_mem>>) attributes {dimension_semantics = [#tpu.dimension_semantics<core_parallel>, #tpu.dimension_semantics<subcore_parallel>], iteration_bounds = array<i64: 2, 16>, scalar_prefetch = 0 : i64, scratch_operands = 3 : i64, tpu.core_type = #tpu.core_type<sc_vector_subcore>, window_params = [{transform_indices = #map}, {transform_indices = #map1}, {transform_indices = #map}]} {
    %mul3A = arith.constant 2 : i32
    %mul3A_0 = arith.muli %arg1, %mul3A : i32
    %add3A = arith.addi %mul3A_0, %arg0 : i32
    %mul3A_1 = arith.constant 128 : i32
    %mul3A_2 = arith.muli %add3A, %mul3A_1 : i32
    %add3A_3 = arith.constant 0 : i32
    %add3A_4 = arith.addi %mul3A_2, %add3A_3 : i32
    "tpu.region"() ({
      %run_scoped3A = tpu.sem_alloc : memref<!tpu.dma_semaphore, #tpu.memory_space<semaphore_mem>>
      %dma_start3A_41 = tpu.memref_slice %arg3[%add3A_4] : memref<4096xi32, #tpu.memory_space<hbm>> -> memref<32xi32, #tpu.memory_space<hbm>>
      %dma_start3A_42 = tpu.memref_slice %arg3[%add3A_4] : memref<4096xi32, #tpu.memory_space<hbm>> -> memref<32xi32, #tpu.memory_space<hbm>>
      tpu.enqueue_dma source(%dma_start3A_42 : memref<32xi32, #tpu.memory_space<hbm>>) target(%arg5 : memref<32xi32, #tpu.memory_space<vmem>>) target_semaphore(%run_scoped3A : memref<!tpu.dma_semaphore, #tpu.memory_space<semaphore_mem>>)
      %dma_wait3A_43 = tpu.memref_slice %arg3[%add3A_4] : memref<4096xi32, #tpu.memory_space<hbm>> -> memref<32xi32, #tpu.memory_space<hbm>>
      %dma_wait3A_44 = tpu.memref_slice %arg3[%add3A_4] : memref<4096xi32, #tpu.memory_space<hbm>> -> memref<32xi32, #tpu.memory_space<hbm>>
      tpu.wait_dma2 semaphore(%run_scoped3A : memref<!tpu.dma_semaphore, #tpu.memory_space<semaphore_mem>>) src(%dma_wait3A_44 : memref<32xi32, #tpu.memory_space<hbm>>) dst(%arg5 : memref<32xi32, #tpu.memory_space<vmem>>)
      tpu.yield
    }) : () -> ()
    %dma_start3A = arith.constant 0 : i32
    %dma_start3A_5 = arith.constant 0 : i32
    %dma_start3A_6 = tpu.memref_slice %arg2[%dma_start3A, %dma_start3A_5] : memref<6144x1024xf32, #tpu.memory_space<hbm>> -> memref<6144x1024xf32, #tpu.memory_space<hbm>>
    tpu.enqueue_indirect_dma source(%dma_start3A_6 : memref<6144x1024xf32, #tpu.memory_space<hbm>>) target(%arg6 : memref<32x1024xf32, #tpu.memory_space<vmem>>) offsets(%arg5 : memref<32xi32, #tpu.memory_space<vmem>>) semaphore(%arg7 : memref<!tpu.dma_semaphore, #tpu.memory_space<semaphore_mem>>)
    %dma_wait3A = arith.constant 0 : i32
    %dma_wait3A_7 = arith.constant 0 : i32
    %dma_wait3A_8 = tpu.memref_slice %arg2[%dma_wait3A, %dma_wait3A_7] : memref<6144x1024xf32, #tpu.memory_space<hbm>> -> memref<6144x1024xf32, #tpu.memory_space<hbm>>
    tpu.wait_indirect_dma semaphore(%arg7 : memref<!tpu.dma_semaphore, #tpu.memory_space<semaphore_mem>>) src(%dma_wait3A_8 : memref<6144x1024xf32, #tpu.memory_space<hbm>>) dst(%arg6 : memref<32x1024xf32, #tpu.memory_space<vmem>>)
    %add3A_9 = arith.constant 0 : i32
    %add3A_10 = arith.addi %mul3A_2, %add3A_9 : i32
    "tpu.region"() ({
      %run_scoped3A = tpu.sem_alloc : memref<!tpu.dma_semaphore, #tpu.memory_space<semaphore_mem>>
      %dma_start3A_41 = arith.constant 0 : i32
      %dma_start3A_42 = tpu.memref_slice %arg4[%add3A_10, %dma_start3A_41] : memref<4096x1024xf32, #tpu.memory_space<hbm>> -> memref<32x1024xf32, #tpu.memory_space<hbm>>
      %dma_start3A_43 = arith.constant 0 : i32
      %dma_start3A_44 = tpu.memref_slice %arg4[%add3A_10, %dma_start3A_43] : memref<4096x1024xf32, #tpu.memory_space<hbm>> -> memref<32x1024xf32, #tpu.memory_space<hbm>>
      tpu.enqueue_dma source(%arg6 : memref<32x1024xf32, #tpu.memory_space<vmem>>) target(%dma_start3A_44 : memref<32x1024xf32, #tpu.memory_space<hbm>>) target_semaphore(%run_scoped3A : memref<!tpu.dma_semaphore, #tpu.memory_space<semaphore_mem>>)
      %dma_wait3A_45 = arith.constant 0 : i32
      %dma_wait3A_46 = tpu.memref_slice %arg4[%add3A_10, %dma_wait3A_45] : memref<4096x1024xf32, #tpu.memory_space<hbm>> -> memref<32x1024xf32, #tpu.memory_space<hbm>>
      %dma_wait3A_47 = arith.constant 0 : i32
      %dma_wait3A_48 = tpu.memref_slice %arg4[%add3A_10, %dma_wait3A_47] : memref<4096x1024xf32, #tpu.memory_space<hbm>> -> memref<32x1024xf32, #tpu.memory_space<hbm>>
      tpu.wait_dma2 semaphore(%run_scoped3A : memref<!tpu.dma_semaphore, #tpu.memory_space<semaphore_mem>>) src(%arg6 : memref<32x1024xf32, #tpu.memory_space<vmem>>) dst(%dma_wait3A_48 : memref<32x1024xf32, #tpu.memory_space<hbm>>)
      tpu.yield
    }) : () -> ()
    %add3A_11 = arith.constant 32 : i32
    %add3A_12 = arith.addi %mul3A_2, %add3A_11 : i32
    "tpu.region"() ({
      %run_scoped3A = tpu.sem_alloc : memref<!tpu.dma_semaphore, #tpu.memory_space<semaphore_mem>>
      %dma_start3A_41 = tpu.memref_slice %arg3[%add3A_12] : memref<4096xi32, #tpu.memory_space<hbm>> -> memref<32xi32, #tpu.memory_space<hbm>>
      %dma_start3A_42 = tpu.memref_slice %arg3[%add3A_12] : memref<4096xi32, #tpu.memory_space<hbm>> -> memref<32xi32, #tpu.memory_space<hbm>>
      tpu.enqueue_dma source(%dma_start3A_42 : memref<32xi32, #tpu.memory_space<hbm>>) target(%arg5 : memref<32xi32, #tpu.memory_space<vmem>>) target_semaphore(%run_scoped3A : memref<!tpu.dma_semaphore, #tpu.memory_space<semaphore_mem>>)
      %dma_wait3A_43 = tpu.memref_slice %arg3[%add3A_12] : memref<4096xi32, #tpu.memory_space<hbm>> -> memref<32xi32, #tpu.memory_space<hbm>>
      %dma_wait3A_44 = tpu.memref_slice %arg3[%add3A_12] : memref<4096xi32, #tpu.memory_space<hbm>> -> memref<32xi32, #tpu.memory_space<hbm>>
      tpu.wait_dma2 semaphore(%run_scoped3A : memref<!tpu.dma_semaphore, #tpu.memory_space<semaphore_mem>>) src(%dma_wait3A_44 : memref<32xi32, #tpu.memory_space<hbm>>) dst(%arg5 : memref<32xi32, #tpu.memory_space<vmem>>)
      tpu.yield
    }) : () -> ()
    %dma_start3A_13 = arith.constant 0 : i32
    %dma_start3A_14 = arith.constant 0 : i32
    %dma_start3A_15 = tpu.memref_slice %arg2[%dma_start3A_13, %dma_start3A_14] : memref<6144x1024xf32, #tpu.memory_space<hbm>> -> memref<6144x1024xf32, #tpu.memory_space<hbm>>
    tpu.enqueue_indirect_dma source(%dma_start3A_15 : memref<6144x1024xf32, #tpu.memory_space<hbm>>) target(%arg6 : memref<32x1024xf32, #tpu.memory_space<vmem>>) offsets(%arg5 : memref<32xi32, #tpu.memory_space<vmem>>) semaphore(%arg7 : memref<!tpu.dma_semaphore, #tpu.memory_space<semaphore_mem>>)
    %dma_wait3A_16 = arith.constant 0 : i32
    %dma_wait3A_17 = arith.constant 0 : i32
    %dma_wait3A_18 = tpu.memref_slice %arg2[%dma_wait3A_16, %dma_wait3A_17] : memref<6144x1024xf32, #tpu.memory_space<hbm>> -> memref<6144x1024xf32, #tpu.memory_space<hbm>>
    tpu.wait_indirect_dma semaphore(%arg7 : memref<!tpu.dma_semaphore, #tpu.memory_space<semaphore_mem>>) src(%dma_wait3A_18 : memref<6144x1024xf32, #tpu.memory_space<hbm>>) dst(%arg6 : memref<32x1024xf32, #tpu.memory_space<vmem>>)
    %add3A_19 = arith.constant 32 : i32
    %add3A_20 = arith.addi %mul3A_2, %add3A_19 : i32
    "tpu.region"() ({
      %run_scoped3A = tpu.sem_alloc : memref<!tpu.dma_semaphore, #tpu.memory_space<semaphore_mem>>
      %dma_start3A_41 = arith.constant 0 : i32
      %dma_start3A_42 = tpu.memref_slice %arg4[%add3A_20, %dma_start3A_41] : memref<4096x1024xf32, #tpu.memory_space<hbm>> -> memref<32x1024xf32, #tpu.memory_space<hbm>>
      %dma_start3A_43 = arith.constant 0 : i32
      %dma_start3A_44 = tpu.memref_slice %arg4[%add3A_20, %dma_start3A_43] : memref<4096x1024xf32, #tpu.memory_space<hbm>> -> memref<32x1024xf32, #tpu.memory_space<hbm>>
      tpu.enqueue_dma source(%arg6 : memref<32x1024xf32, #tpu.memory_space<vmem>>) target(%dma_start3A_44 : memref<32x1024xf32, #tpu.memory_space<hbm>>) target_semaphore(%run_scoped3A : memref<!tpu.dma_semaphore, #tpu.memory_space<semaphore_mem>>)
      %dma_wait3A_45 = arith.constant 0 : i32
      %dma_wait3A_46 = tpu.memref_slice %arg4[%add3A_20, %dma_wait3A_45] : memref<4096x1024xf32, #tpu.memory_space<hbm>> -> memref<32x1024xf32, #tpu.memory_space<hbm>>
      %dma_wait3A_47 = arith.constant 0 : i32
      %dma_wait3A_48 = tpu.memref_slice %arg4[%add3A_20, %dma_wait3A_47] : memref<4096x1024xf32, #tpu.memory_space<hbm>> -> memref<32x1024xf32, #tpu.memory_space<hbm>>
      tpu.wait_dma2 semaphore(%run_scoped3A : memref<!tpu.dma_semaphore, #tpu.memory_space<semaphore_mem>>) src(%arg6 : memref<32x1024xf32, #tpu.memory_space<vmem>>) dst(%dma_wait3A_48 : memref<32x1024xf32, #tpu.memory_space<hbm>>)
      tpu.yield
    }) : () -> ()
    %add3A_21 = arith.constant 64 : i32
    %add3A_22 = arith.addi %mul3A_2, %add3A_21 : i32
    "tpu.region"() ({
      %run_scoped3A = tpu.sem_alloc : memref<!tpu.dma_semaphore, #tpu.memory_space<semaphore_mem>>
      %dma_start3A_41 = tpu.memref_slice %arg3[%add3A_22] : memref<4096xi32, #tpu.memory_space<hbm>> -> memref<32xi32, #tpu.memory_space<hbm>>
      %dma_start3A_42 = tpu.memref_slice %arg3[%add3A_22] : memref<4096xi32, #tpu.memory_space<hbm>> -> memref<32xi32, #tpu.memory_space<hbm>>
      tpu.enqueue_dma source(%dma_start3A_42 : memref<32xi32, #tpu.memory_space<hbm>>) target(%arg5 : memref<32xi32, #tpu.memory_space<vmem>>) target_semaphore(%run_scoped3A : memref<!tpu.dma_semaphore, #tpu.memory_space<semaphore_mem>>)
      %dma_wait3A_43 = tpu.memref_slice %arg3[%add3A_22] : memref<4096xi32, #tpu.memory_space<hbm>> -> memref<32xi32, #tpu.memory_space<hbm>>
      %dma_wait3A_44 = tpu.memref_slice %arg3[%add3A_22] : memref<4096xi32, #tpu.memory_space<hbm>> -> memref<32xi32, #tpu.memory_space<hbm>>
      tpu.wait_dma2 semaphore(%run_scoped3A : memref<!tpu.dma_semaphore, #tpu.memory_space<semaphore_mem>>) src(%dma_wait3A_44 : memref<32xi32, #tpu.memory_space<hbm>>) dst(%arg5 : memref<32xi32, #tpu.memory_space<vmem>>)
      tpu.yield
    }) : () -> ()
    %dma_start3A_23 = arith.constant 0 : i32
    %dma_start3A_24 = arith.constant 0 : i32
    %dma_start3A_25 = tpu.memref_slice %arg2[%dma_start3A_23, %dma_start3A_24] : memref<6144x1024xf32, #tpu.memory_space<hbm>> -> memref<6144x1024xf32, #tpu.memory_space<hbm>>
    tpu.enqueue_indirect_dma source(%dma_start3A_25 : memref<6144x1024xf32, #tpu.memory_space<hbm>>) target(%arg6 : memref<32x1024xf32, #tpu.memory_space<vmem>>) offsets(%arg5 : memref<32xi32, #tpu.memory_space<vmem>>) semaphore(%arg7 : memref<!tpu.dma_semaphore, #tpu.memory_space<semaphore_mem>>)
    %dma_wait3A_26 = arith.constant 0 : i32
    %dma_wait3A_27 = arith.constant 0 : i32
    %dma_wait3A_28 = tpu.memref_slice %arg2[%dma_wait3A_26, %dma_wait3A_27] : memref<6144x1024xf32, #tpu.memory_space<hbm>> -> memref<6144x1024xf32, #tpu.memory_space<hbm>>
    tpu.wait_indirect_dma semaphore(%arg7 : memref<!tpu.dma_semaphore, #tpu.memory_space<semaphore_mem>>) src(%dma_wait3A_28 : memref<6144x1024xf32, #tpu.memory_space<hbm>>) dst(%arg6 : memref<32x1024xf32, #tpu.memory_space<vmem>>)
    %add3A_29 = arith.constant 64 : i32
    %add3A_30 = arith.addi %mul3A_2, %add3A_29 : i32
    "tpu.region"() ({
      %run_scoped3A = tpu.sem_alloc : memref<!tpu.dma_semaphore, #tpu.memory_space<semaphore_mem>>
      %dma_start3A_41 = arith.constant 0 : i32
      %dma_start3A_42 = tpu.memref_slice %arg4[%add3A_30, %dma_start3A_41] : memref<4096x1024xf32, #tpu.memory_space<hbm>> -> memref<32x1024xf32, #tpu.memory_space<hbm>>
      %dma_start3A_43 = arith.constant 0 : i32
      %dma_start3A_44 = tpu.memref_slice %arg4[%add3A_30, %dma_start3A_43] : memref<4096x1024xf32, #tpu.memory_space<hbm>> -> memref<32x1024xf32, #tpu.memory_space<hbm>>
      tpu.enqueue_dma source(%arg6 : memref<32x1024xf32, #tpu.memory_space<vmem>>) target(%dma_start3A_44 : memref<32x1024xf32, #tpu.memory_space<hbm>>) target_semaphore(%run_scoped3A : memref<!tpu.dma_semaphore, #tpu.memory_space<semaphore_mem>>)
      %dma_wait3A_45 = arith.constant 0 : i32
      %dma_wait3A_46 = tpu.memref_slice %arg4[%add3A_30, %dma_wait3A_45] : memref<4096x1024xf32, #tpu.memory_space<hbm>> -> memref<32x1024xf32, #tpu.memory_space<hbm>>
      %dma_wait3A_47 = arith.constant 0 : i32
      %dma_wait3A_48 = tpu.memref_slice %arg4[%add3A_30, %dma_wait3A_47] : memref<4096x1024xf32, #tpu.memory_space<hbm>> -> memref<32x1024xf32, #tpu.memory_space<hbm>>
      tpu.wait_dma2 semaphore(%run_scoped3A : memref<!tpu.dma_semaphore, #tpu.memory_space<semaphore_mem>>) src(%arg6 : memref<32x1024xf32, #tpu.memory_space<vmem>>) dst(%dma_wait3A_48 : memref<32x1024xf32, #tpu.memory_space<hbm>>)
      tpu.yield
    }) : () -> ()
    %add3A_31 = arith.constant 96 : i32
    %add3A_32 = arith.addi %mul3A_2, %add3A_31 : i32
    "tpu.region"() ({
      %run_scoped3A = tpu.sem_alloc : memref<!tpu.dma_semaphore, #tpu.memory_space<semaphore_mem>>
      %dma_start3A_41 = tpu.memref_slice %arg3[%add3A_32] : memref<4096xi32, #tpu.memory_space<hbm>> -> memref<32xi32, #tpu.memory_space<hbm>>
      %dma_start3A_42 = tpu.memref_slice %arg3[%add3A_32] : memref<4096xi32, #tpu.memory_space<hbm>> -> memref<32xi32, #tpu.memory_space<hbm>>
      tpu.enqueue_dma source(%dma_start3A_42 : memref<32xi32, #tpu.memory_space<hbm>>) target(%arg5 : memref<32xi32, #tpu.memory_space<vmem>>) target_semaphore(%run_scoped3A : memref<!tpu.dma_semaphore, #tpu.memory_space<semaphore_mem>>)
      %dma_wait3A_43 = tpu.memref_slice %arg3[%add3A_32] : memref<4096xi32, #tpu.memory_space<hbm>> -> memref<32xi32, #tpu.memory_space<hbm>>
      %dma_wait3A_44 = tpu.memref_slice %arg3[%add3A_32] : memref<4096xi32, #tpu.memory_space<hbm>> -> memref<32xi32, #tpu.memory_space<hbm>>
      tpu.wait_dma2 semaphore(%run_scoped3A : memref<!tpu.dma_semaphore, #tpu.memory_space<semaphore_mem>>) src(%dma_wait3A_44 : memref<32xi32, #tpu.memory_space<hbm>>) dst(%arg5 : memref<32xi32, #tpu.memory_space<vmem>>)
      tpu.yield
    }) : () -> ()
    %dma_start3A_33 = arith.constant 0 : i32
    %dma_start3A_34 = arith.constant 0 : i32
    %dma_start3A_35 = tpu.memref_slice %arg2[%dma_start3A_33, %dma_start3A_34] : memref<6144x1024xf32, #tpu.memory_space<hbm>> -> memref<6144x1024xf32, #tpu.memory_space<hbm>>
    tpu.enqueue_indirect_dma source(%dma_start3A_35 : memref<6144x1024xf32, #tpu.memory_space<hbm>>) target(%arg6 : memref<32x1024xf32, #tpu.memory_space<vmem>>) offsets(%arg5 : memref<32xi32, #tpu.memory_space<vmem>>) semaphore(%arg7 : memref<!tpu.dma_semaphore, #tpu.memory_space<semaphore_mem>>)
    %dma_wait3A_36 = arith.constant 0 : i32
    %dma_wait3A_37 = arith.constant 0 : i32
    %dma_wait3A_38 = tpu.memref_slice %arg2[%dma_wait3A_36, %dma_wait3A_37] : memref<6144x1024xf32, #tpu.memory_space<hbm>> -> memref<6144x1024xf32, #tpu.memory_space<hbm>>
    tpu.wait_indirect_dma semaphore(%arg7 : memref<!tpu.dma_semaphore, #tpu.memory_space<semaphore_mem>>) src(%dma_wait3A_38 : memref<6144x1024xf32, #tpu.memory_space<hbm>>) dst(%arg6 : memref<32x1024xf32, #tpu.memory_space<vmem>>)
    %add3A_39 = arith.constant 96 : i32
    %add3A_40 = arith.addi %mul3A_2, %add3A_39 : i32
    "tpu.region"() ({
      %run_scoped3A = tpu.sem_alloc : memref<!tpu.dma_semaphore, #tpu.memory_space<semaphore_mem>>
      %dma_start3A_41 = arith.constant 0 : i32
      %dma_start3A_42 = tpu.memref_slice %arg4[%add3A_40, %dma_start3A_41] : memref<4096x1024xf32, #tpu.memory_space<hbm>> -> memref<32x1024xf32, #tpu.memory_space<hbm>>
      %dma_start3A_43 = arith.constant 0 : i32
      %dma_start3A_44 = tpu.memref_slice %arg4[%add3A_40, %dma_start3A_43] : memref<4096x1024xf32, #tpu.memory_space<hbm>> -> memref<32x1024xf32, #tpu.memory_space<hbm>>
      tpu.enqueue_dma source(%arg6 : memref<32x1024xf32, #tpu.memory_space<vmem>>) target(%dma_start3A_44 : memref<32x1024xf32, #tpu.memory_space<hbm>>) target_semaphore(%run_scoped3A : memref<!tpu.dma_semaphore, #tpu.memory_space<semaphore_mem>>)
      %dma_wait3A_45 = arith.constant 0 : i32
      %dma_wait3A_46 = tpu.memref_slice %arg4[%add3A_40, %dma_wait3A_45] : memref<4096x1024xf32, #tpu.memory_space<hbm>> -> memref<32x1024xf32, #tpu.memory_space<hbm>>
      %dma_wait3A_47 = arith.constant 0 : i32
      %dma_wait3A_48 = tpu.memref_slice %arg4[%add3A_40, %dma_wait3A_47] : memref<4096x1024xf32, #tpu.memory_space<hbm>> -> memref<32x1024xf32, #tpu.memory_space<hbm>>
      tpu.wait_dma2 semaphore(%run_scoped3A : memref<!tpu.dma_semaphore, #tpu.memory_space<semaphore_mem>>) src(%arg6 : memref<32x1024xf32, #tpu.memory_space<vmem>>) dst(%dma_wait3A_48 : memref<32x1024xf32, #tpu.memory_space<hbm>>)
      tpu.yield
    }) : () -> ()
    return
  }
}

module attributes {stable_mosaic.version = 14 : i64} {
  func.func @_norm_mm_body(%arg0: i32, %arg1: memref<256x1024xf32, #tpu.memory_space<vmem>>, %arg2: memref<1x1024xf32, #tpu.memory_space<vmem>>, %arg3: memref<1024x3072xf32, #tpu.memory_space<vmem>>, %arg4: memref<256x3072xf32, #tpu.memory_space<vmem>>) attributes {dimension_semantics = [#tpu.dimension_semantics<arbitrary>], iteration_bounds = array<i64: 8>, scalar_prefetch = 0 : i64, scratch_operands = 0 : i64, tpu.core_type = #tpu.core_type<tc>, window_params = [{transform_indices = @transform_0, window_bounds = array<i64: 256, 1024>}, {pipeline_mode = #tpu.pipeline_mode<synchronous>, transform_indices = @transform_1, window_bounds = array<i64: 1, 1024>}, {pipeline_mode = #tpu.pipeline_mode<synchronous>, transform_indices = @transform_2, window_bounds = array<i64: 1024, 3072>}, {transform_indices = @transform_3, window_bounds = array<i64: 256, 3072>}]} {
    %get3A = arith.constant 0 : index
    %get3A_0 = arith.constant 0 : index
    %get3A_1 = vector.load %arg1[%get3A, %get3A_0] : memref<256x1024xf32, #tpu.memory_space<vmem>>, vector<256x1024xf32>
    %mul3A = arith.mulf %get3A_1, %get3A_1 : vector<256x1024xf32>
    %reduce_sum3A = arith.constant dense<0.000000e+00> : vector<256xf32>
    %reduce_sum3A_2 = vector.multi_reduction <add>, %mul3A, %reduce_sum3A [1] : vector<256x1024xf32> to vector<256xf32>
    %broadcast_in_dim3A = vector.shape_cast %reduce_sum3A_2 : vector<256xf32> to vector<256x1xf32>
    %div3A = arith.constant 1.024000e+03 : f32
    %div3A_3 = vector.broadcast %div3A : f32 to vector<256x1xf32>
    %div3A_4 = arith.divf %broadcast_in_dim3A, %div3A_3 : vector<256x1xf32>
    %add3A = arith.constant 9.99999997E-7 : f32
    %add3A_5 = vector.broadcast %add3A : f32 to vector<256x1xf32>
    %add3A_6 = arith.addf %div3A_4, %add3A_5 : vector<256x1xf32>
    %rsqrt3A = math.rsqrt %add3A_6 : vector<256x1xf32>
    %mul3A_7 = vector.broadcast %rsqrt3A : vector<256x1xf32> to vector<256x1024xf32>
    %mul3A_8 = arith.mulf %get3A_1, %mul3A_7 : vector<256x1024xf32>
    %get3A_9 = arith.constant 0 : index
    %get3A_10 = arith.constant 0 : index
    %get3A_11 = vector.load %arg2[%get3A_9, %get3A_10] : memref<1x1024xf32, #tpu.memory_space<vmem>>, vector<1x1024xf32>
    %mul3A_12 = vector.broadcast %get3A_11 : vector<1x1024xf32> to vector<256x1024xf32>
    %mul3A_13 = arith.mulf %mul3A_8, %mul3A_12 : vector<256x1024xf32>
    %get3A_14 = arith.constant 0 : index
    %get3A_15 = arith.constant 0 : index
    %get3A_16 = vector.load %arg3[%get3A_14, %get3A_15] : memref<1024x3072xf32, #tpu.memory_space<vmem>>, vector<1024x3072xf32>
    %dot_general3A = arith.constant dense<0.000000e+00> : vector<256x3072xf32>
    %dot_general3A_17 = tpu.matmul %mul3A_13, %get3A_16, %dot_general3A {dimension_numbers = #tpu.dot_dimension_numbers<[1], [0], [0], [1], [0, 0, 1, 1], [], []>, transpose_lhs_hint = false} : vector<256x1024xf32>, vector<1024x3072xf32>, vector<256x3072xf32> -> vector<256x3072xf32>
    %swap3A = arith.constant 0 : index
    %swap3A_18 = arith.constant 0 : index
    %swap3A_19 = vector.load %arg4[%swap3A, %swap3A_18] : memref<256x3072xf32, #tpu.memory_space<vmem>>, vector<256x3072xf32>
    tpu.vector_store %arg4[%swap3A, %swap3A_18], %dot_general3A_17 {strides = array<i32>} : memref<256x3072xf32, #tpu.memory_space<vmem>>, vector<256x3072xf32>,
    return
  }
  func.func @transform_0(%arg0: i32) -> (i32, i32) {
    %c0_i32 = arith.constant 0 : i32
    %c0_i32_0 = arith.constant 0 : i32
    return %arg0, %c0_i32 : i32, i32
  }
  func.func @transform_1(%arg0: i32) -> (i32, i32) {
    %c0_i32 = arith.constant 0 : i32
    %c0_i32_0 = arith.constant 0 : i32
    %c0_i32_1 = arith.constant 0 : i32
    return %c0_i32, %c0_i32_0 : i32, i32
  }
  func.func @transform_2(%arg0: i32) -> (i32, i32) {
    %c0_i32 = arith.constant 0 : i32
    %c0_i32_0 = arith.constant 0 : i32
    %c0_i32_1 = arith.constant 0 : i32
    return %c0_i32, %c0_i32_0 : i32, i32
  }
  func.func @transform_3(%arg0: i32) -> (i32, i32) {
    %c0_i32 = arith.constant 0 : i32
    %c0_i32_0 = arith.constant 0 : i32
    return %arg0, %c0_i32 : i32, i32
  }
}

module attributes {stable_mosaic.version = 14 : i64} {
  func.func @_attn_body(%arg0: i32, %arg1: i32, %arg2: memref<256x128xf32, #tpu.memory_space<vmem>>, %arg3: memref<2048x128xf32, #tpu.memory_space<vmem>>, %arg4: memref<2048x128xf32, #tpu.memory_space<vmem>>, %arg5: memref<256x64xf32, #tpu.memory_space<vmem>>, %arg6: memref<256x64xf32, #tpu.memory_space<vmem>>, %arg7: memref<2048x64xf32, #tpu.memory_space<vmem>>, %arg8: memref<2048x64xf32, #tpu.memory_space<vmem>>, %arg9: memref<256x128xf32, #tpu.memory_space<vmem>>) attributes {dimension_semantics = [#tpu.dimension_semantics<arbitrary>, #tpu.dimension_semantics<arbitrary>], iteration_bounds = array<i64: 8, 8>, scalar_prefetch = 0 : i64, scratch_operands = 0 : i64, tpu.core_type = #tpu.core_type<tc>, window_params = [{transform_indices = @transform_0, window_bounds = array<i64: 256, 128>}, {transform_indices = @transform_1, window_bounds = array<i64: 2048, 128>}, {transform_indices = @transform_2, window_bounds = array<i64: 2048, 128>}, {transform_indices = @transform_3, window_bounds = array<i64: 256, 64>}, {transform_indices = @transform_4, window_bounds = array<i64: 256, 64>}, {pipeline_mode = #tpu.pipeline_mode<synchronous>, transform_indices = @transform_5, window_bounds = array<i64: 2048, 64>}, {pipeline_mode = #tpu.pipeline_mode<synchronous>, transform_indices = @transform_6, window_bounds = array<i64: 2048, 64>}, {transform_indices = @transform_7, window_bounds = array<i64: 256, 128>}]} {
    %mul3A = arith.constant 256 : i32
    %mul3A_0 = arith.muli %arg1, %mul3A : i32
    %iota3A = tpu.iota {dimensions = array<i32: 0>} : vector<256x2048xi32>
    %add3A = vector.broadcast %mul3A_0 : i32 to vector<256x2048xi32>
    %add3A_1 = arith.addi %add3A, %iota3A : vector<256x2048xi32>
    %iota3A_2 = tpu.iota {dimensions = array<i32: 1>} : vector<256x2048xi32>
    %le3A = arith.cmpi sle, %iota3A_2, %add3A_1 : vector<256x2048xi32>
    %get3A = arith.constant 0 : index
    %get3A_3 = arith.constant 0 : index
    %get3A_4 = vector.load %arg2[%get3A, %get3A_3] : memref<256x128xf32, #tpu.memory_space<vmem>>, vector<256x64xf32>
    %get3A_5 = arith.constant 0 : index
    %get3A_6 = arith.constant 0 : index
    %get3A_7 = vector.load %arg5[%get3A_5, %get3A_6] : memref<256x64xf32, #tpu.memory_space<vmem>>, vector<256x64xf32>
    %get3A_8 = arith.constant 0 : index
    %get3A_9 = arith.constant 0 : index
    %get3A_10 = vector.load %arg6[%get3A_8, %get3A_9] : memref<256x64xf32, #tpu.memory_space<vmem>>, vector<256x64xf32>
    %slice3A = vector.extract_strided_slice %get3A_4 {offsets = [0, 0], sizes = [256, 32], strides = [1, 1]} : vector<256x64xf32> to vector<256x32xf32>
    %slice3A_11 = vector.extract_strided_slice %get3A_4 {offsets = [0, 32], sizes = [256, 32], strides = [1, 1]} : vector<256x64xf32> to vector<256x32xf32>
    %neg3A = arith.constant 0.000000e+00 : f32
    %neg3A_12 = vector.broadcast %neg3A : f32 to vector<256x32xf32>
    %neg3A_13 = arith.subf %neg3A_12, %slice3A_11 : vector<256x32xf32>
    %concatenate3A = tpu.concatenate %neg3A_13, %slice3A in 1 : vector<256x32xf32>, vector<256x32xf32> -> vector<256x64xf32>
    %mul3A_14 = arith.mulf %get3A_4, %get3A_7 : vector<256x64xf32>
    %mul3A_15 = arith.mulf %concatenate3A, %get3A_10 : vector<256x64xf32>
    %add3A_16 = arith.addf %mul3A_14, %mul3A_15 : vector<256x64xf32>
    %get3A_17 = arith.constant 0 : index
    %get3A_18 = arith.constant 0 : index
    %get3A_19 = vector.load %arg3[%get3A_17, %get3A_18] : memref<2048x128xf32, #tpu.memory_space<vmem>>, vector<2048x64xf32>
    %get3A_20 = arith.constant 0 : index
    %get3A_21 = arith.constant 0 : index
    %get3A_22 = vector.load %arg7[%get3A_20, %get3A_21] : memref<2048x64xf32, #tpu.memory_space<vmem>>, vector<2048x64xf32>
    %get3A_23 = arith.constant 0 : index
    %get3A_24 = arith.constant 0 : index
    %get3A_25 = vector.load %arg8[%get3A_23, %get3A_24] : memref<2048x64xf32, #tpu.memory_space<vmem>>, vector<2048x64xf32>
    %slice3A_26 = vector.extract_strided_slice %get3A_19 {offsets = [0, 0], sizes = [2048, 32], strides = [1, 1]} : vector<2048x64xf32> to vector<2048x32xf32>
    %slice3A_27 = vector.extract_strided_slice %get3A_19 {offsets = [0, 32], sizes = [2048, 32], strides = [1, 1]} : vector<2048x64xf32> to vector<2048x32xf32>
    %neg3A_28 = arith.constant 0.000000e+00 : f32
    %neg3A_29 = vector.broadcast %neg3A_28 : f32 to vector<2048x32xf32>
    %neg3A_30 = arith.subf %neg3A_29, %slice3A_27 : vector<2048x32xf32>
    %concatenate3A_31 = tpu.concatenate %neg3A_30, %slice3A_26 in 1 : vector<2048x32xf32>, vector<2048x32xf32> -> vector<2048x64xf32>
    %mul3A_32 = arith.mulf %get3A_19, %get3A_22 : vector<2048x64xf32>
    %mul3A_33 = arith.mulf %concatenate3A_31, %get3A_25 : vector<2048x64xf32>
    %add3A_34 = arith.addf %mul3A_32, %mul3A_33 : vector<2048x64xf32>
    %dot_general3A = arith.constant dense<0.000000e+00> : vector<256x2048xf32>
    %dot_general3A_35 = tpu.matmul %add3A_16, %add3A_34, %dot_general3A {dimension_numbers = #tpu.dot_dimension_numbers<[1], [1], [0], [0], [0, 0, 1, 0], [], []>, transpose_lhs_hint = false} : vector<256x64xf32>, vector<2048x64xf32>, vector<256x2048xf32> -> vector<256x2048xf32>
    %mul3A_36 = arith.constant 1.250000e-01 : f32
    %mul3A_37 = vector.broadcast %mul3A_36 : f32 to vector<256x2048xf32>
    %mul3A_38 = arith.mulf %dot_general3A_35, %mul3A_37 : vector<256x2048xf32>
    %jit3A = arith.constant -3.40282347E+38 : f32
    %broadcast_in_dim3A = vector.broadcast %jit3A : f32 to vector<256x2048xf32>
    %select_n3A = arith.select %le3A, %mul3A_38, %broadcast_in_dim3A : vector<256x2048xi1>, vector<256x2048xf32>
    %reduce_max3A = arith.constant dense<0xFF800000> : vector<256xf32>
    %reduce_max3A_39 = vector.multi_reduction <maximumf>, %select_n3A, %reduce_max3A [1] : vector<256x2048xf32> to vector<256xf32>
    %broadcast_in_dim3A_40 = vector.shape_cast %reduce_max3A_39 : vector<256xf32> to vector<256x1xf32>
    %sub3A = vector.broadcast %broadcast_in_dim3A_40 : vector<256x1xf32> to vector<256x2048xf32>
    %sub3A_41 = arith.subf %select_n3A, %sub3A : vector<256x2048xf32>
    %exp3A = math.exp %sub3A_41 : vector<256x2048xf32>
    %reduce_sum3A = arith.constant dense<0.000000e+00> : vector<256xf32>
    %reduce_sum3A_42 = vector.multi_reduction <add>, %exp3A, %reduce_sum3A [1] : vector<256x2048xf32> to vector<256xf32>
    %broadcast_in_dim3A_43 = vector.shape_cast %reduce_sum3A_42 : vector<256xf32> to vector<256x1xf32>
    %get3A_44 = arith.constant 0 : index
    %get3A_45 = arith.constant 0 : index
    %get3A_46 = vector.load %arg4[%get3A_44, %get3A_45] : memref<2048x128xf32, #tpu.memory_space<vmem>>, vector<2048x64xf32>
    %dot_general3A_47 = arith.constant dense<0.000000e+00> : vector<256x64xf32>
    %dot_general3A_48 = tpu.matmul %exp3A, %get3A_46, %dot_general3A_47 {dimension_numbers = #tpu.dot_dimension_numbers<[1], [0], [0], [1], [0, 0, 1, 1], [], []>, transpose_lhs_hint = false} : vector<256x2048xf32>, vector<2048x64xf32>, vector<256x64xf32> -> vector<256x64xf32>
    %div3A = vector.broadcast %broadcast_in_dim3A_43 : vector<256x1xf32> to vector<256x64xf32>
    %div3A_49 = arith.divf %dot_general3A_48, %div3A : vector<256x64xf32>
    %swap3A = arith.constant 0 : index
    %swap3A_50 = arith.constant 0 : index
    %swap3A_51 = vector.load %arg9[%swap3A, %swap3A_50] : memref<256x128xf32, #tpu.memory_space<vmem>>, vector<256x64xf32>
    tpu.vector_store %arg9[%swap3A, %swap3A_50], %div3A_49 {strides = array<i32>} : memref<256x128xf32, #tpu.memory_space<vmem>>, vector<256x64xf32>,
    %get3A_52 = arith.constant 0 : index
    %get3A_53 = arith.constant 64 : index
    %get3A_54 = vector.load %arg2[%get3A_52, %get3A_53] : memref<256x128xf32, #tpu.memory_space<vmem>>, vector<256x64xf32>
    %get3A_55 = arith.constant 0 : index
    %get3A_56 = arith.constant 0 : index
    %get3A_57 = vector.load %arg5[%get3A_55, %get3A_56] : memref<256x64xf32, #tpu.memory_space<vmem>>, vector<256x64xf32>
    %get3A_58 = arith.constant 0 : index
    %get3A_59 = arith.constant 0 : index
    %get3A_60 = vector.load %arg6[%get3A_58, %get3A_59] : memref<256x64xf32, #tpu.memory_space<vmem>>, vector<256x64xf32>
    %slice3A_61 = vector.extract_strided_slice %get3A_54 {offsets = [0, 0], sizes = [256, 32], strides = [1, 1]} : vector<256x64xf32> to vector<256x32xf32>
    %slice3A_62 = vector.extract_strided_slice %get3A_54 {offsets = [0, 32], sizes = [256, 32], strides = [1, 1]} : vector<256x64xf32> to vector<256x32xf32>
    %neg3A_63 = arith.constant 0.000000e+00 : f32
    %neg3A_64 = vector.broadcast %neg3A_63 : f32 to vector<256x32xf32>
    %neg3A_65 = arith.subf %neg3A_64, %slice3A_62 : vector<256x32xf32>
    %concatenate3A_66 = tpu.concatenate %neg3A_65, %slice3A_61 in 1 : vector<256x32xf32>, vector<256x32xf32> -> vector<256x64xf32>
    %mul3A_67 = arith.mulf %get3A_54, %get3A_57 : vector<256x64xf32>
    %mul3A_68 = arith.mulf %concatenate3A_66, %get3A_60 : vector<256x64xf32>
    %add3A_69 = arith.addf %mul3A_67, %mul3A_68 : vector<256x64xf32>
    %get3A_70 = arith.constant 0 : index
    %get3A_71 = arith.constant 64 : index
    %get3A_72 = vector.load %arg3[%get3A_70, %get3A_71] : memref<2048x128xf32, #tpu.memory_space<vmem>>, vector<2048x64xf32>
    %get3A_73 = arith.constant 0 : index
    %get3A_74 = arith.constant 0 : index
    %get3A_75 = vector.load %arg7[%get3A_73, %get3A_74] : memref<2048x64xf32, #tpu.memory_space<vmem>>, vector<2048x64xf32>
    %get3A_76 = arith.constant 0 : index
    %get3A_77 = arith.constant 0 : index
    %get3A_78 = vector.load %arg8[%get3A_76, %get3A_77] : memref<2048x64xf32, #tpu.memory_space<vmem>>, vector<2048x64xf32>
    %slice3A_79 = vector.extract_strided_slice %get3A_72 {offsets = [0, 0], sizes = [2048, 32], strides = [1, 1]} : vector<2048x64xf32> to vector<2048x32xf32>
    %slice3A_80 = vector.extract_strided_slice %get3A_72 {offsets = [0, 32], sizes = [2048, 32], strides = [1, 1]} : vector<2048x64xf32> to vector<2048x32xf32>
    %neg3A_81 = arith.constant 0.000000e+00 : f32
    %neg3A_82 = vector.broadcast %neg3A_81 : f32 to vector<2048x32xf32>
    %neg3A_83 = arith.subf %neg3A_82, %slice3A_80 : vector<2048x32xf32>
    %concatenate3A_84 = tpu.concatenate %neg3A_83, %slice3A_79 in 1 : vector<2048x32xf32>, vector<2048x32xf32> -> vector<2048x64xf32>
    %mul3A_85 = arith.mulf %get3A_72, %get3A_75 : vector<2048x64xf32>
    %mul3A_86 = arith.mulf %concatenate3A_84, %get3A_78 : vector<2048x64xf32>
    %add3A_87 = arith.addf %mul3A_85, %mul3A_86 : vector<2048x64xf32>
    %dot_general3A_88 = arith.constant dense<0.000000e+00> : vector<256x2048xf32>
    %dot_general3A_89 = tpu.matmul %add3A_69, %add3A_87, %dot_general3A_88 {dimension_numbers = #tpu.dot_dimension_numbers<[1], [1], [0], [0], [0, 0, 1, 0], [], []>, transpose_lhs_hint = false} : vector<256x64xf32>, vector<2048x64xf32>, vector<256x2048xf32> -> vector<256x2048xf32>
    %mul3A_90 = arith.constant 1.250000e-01 : f32
    %mul3A_91 = vector.broadcast %mul3A_90 : f32 to vector<256x2048xf32>
    %mul3A_92 = arith.mulf %dot_general3A_89, %mul3A_91 : vector<256x2048xf32>
    %jit3A_93 = arith.constant -3.40282347E+38 : f32
    %broadcast_in_dim3A_94 = vector.broadcast %jit3A_93 : f32 to vector<256x2048xf32>
    %select_n3A_95 = arith.select %le3A, %mul3A_92, %broadcast_in_dim3A_94 : vector<256x2048xi1>, vector<256x2048xf32>
    %reduce_max3A_96 = arith.constant dense<0xFF800000> : vector<256xf32>
    %reduce_max3A_97 = vector.multi_reduction <maximumf>, %select_n3A_95, %reduce_max3A_96 [1] : vector<256x2048xf32> to vector<256xf32>
    %broadcast_in_dim3A_98 = vector.shape_cast %reduce_max3A_97 : vector<256xf32> to vector<256x1xf32>
    %sub3A_99 = vector.broadcast %broadcast_in_dim3A_98 : vector<256x1xf32> to vector<256x2048xf32>
    %sub3A_100 = arith.subf %select_n3A_95, %sub3A_99 : vector<256x2048xf32>
    %exp3A_101 = math.exp %sub3A_100 : vector<256x2048xf32>
    %reduce_sum3A_102 = arith.constant dense<0.000000e+00> : vector<256xf32>
    %reduce_sum3A_103 = vector.multi_reduction <add>, %exp3A_101, %reduce_sum3A_102 [1] : vector<256x2048xf32> to vector<256xf32>
    %broadcast_in_dim3A_104 = vector.shape_cast %reduce_sum3A_103 : vector<256xf32> to vector<256x1xf32>
    %get3A_105 = arith.constant 0 : index
    %get3A_106 = arith.constant 64 : index
    %get3A_107 = vector.load %arg4[%get3A_105, %get3A_106] : memref<2048x128xf32, #tpu.memory_space<vmem>>, vector<2048x64xf32>
    %dot_general3A_108 = arith.constant dense<0.000000e+00> : vector<256x64xf32>
    %dot_general3A_109 = tpu.matmul %exp3A_101, %get3A_107, %dot_general3A_108 {dimension_numbers = #tpu.dot_dimension_numbers<[1], [0], [0], [1], [0, 0, 1, 1], [], []>, transpose_lhs_hint = false} : vector<256x2048xf32>, vector<2048x64xf32>, vector<256x64xf32> -> vector<256x64xf32>
    %div3A_110 = vector.broadcast %broadcast_in_dim3A_104 : vector<256x1xf32> to vector<256x64xf32>
    %div3A_111 = arith.divf %dot_general3A_109, %div3A_110 : vector<256x64xf32>
    %swap3A_112 = arith.constant 0 : index
    %swap3A_113 = arith.constant 64 : index
    %swap3A_114 = vector.load %arg9[%swap3A_112, %swap3A_113] : memref<256x128xf32, #tpu.memory_space<vmem>>, vector<256x64xf32>
    tpu.vector_store %arg9[%swap3A_112, %swap3A_113], %div3A_111 {strides = array<i32>} : memref<256x128xf32, #tpu.memory_space<vmem>>, vector<256x64xf32>,
    return
  }
  func.func @transform_0(%arg0: i32, %arg1: i32) -> (i32, i32) {
    %c0_i32 = arith.constant 0 : i32
    return %arg1, %arg0 : i32, i32
  }
  func.func @transform_1(%arg0: i32, %arg1: i32) -> (i32, i32) {
    %add3A = arith.constant 8 : i32
    %add3A_0 = arith.addi %add3A, %arg0 : i32
    %c0_i32 = arith.constant 0 : i32
    %c0_i32_1 = arith.constant 0 : i32
    return %c0_i32, %add3A_0 : i32, i32
  }
  func.func @transform_2(%arg0: i32, %arg1: i32) -> (i32, i32) {
    %add3A = arith.constant 16 : i32
    %add3A_0 = arith.addi %add3A, %arg0 : i32
    %c0_i32 = arith.constant 0 : i32
    %c0_i32_1 = arith.constant 0 : i32
    return %c0_i32, %add3A_0 : i32, i32
  }
  func.func @transform_3(%arg0: i32, %arg1: i32) -> (i32, i32) {
    %c0_i32 = arith.constant 0 : i32
    %c0_i32_0 = arith.constant 0 : i32
    return %arg1, %c0_i32 : i32, i32
  }
  func.func @transform_4(%arg0: i32, %arg1: i32) -> (i32, i32) {
    %c0_i32 = arith.constant 0 : i32
    %c0_i32_0 = arith.constant 0 : i32
    return %arg1, %c0_i32 : i32, i32
  }
  func.func @transform_5(%arg0: i32, %arg1: i32) -> (i32, i32) {
    %c0_i32 = arith.constant 0 : i32
    %c0_i32_0 = arith.constant 0 : i32
    %c0_i32_1 = arith.constant 0 : i32
    return %c0_i32, %c0_i32_0 : i32, i32
  }
  func.func @transform_6(%arg0: i32, %arg1: i32) -> (i32, i32) {
    %c0_i32 = arith.constant 0 : i32
    %c0_i32_0 = arith.constant 0 : i32
    %c0_i32_1 = arith.constant 0 : i32
    return %c0_i32, %c0_i32_0 : i32, i32
  }
  func.func @transform_7(%arg0: i32, %arg1: i32) -> (i32, i32) {
    %c0_i32 = arith.constant 0 : i32
    return %arg1, %arg0 : i32, i32
  }
}

module attributes {stable_mosaic.version = 14 : i64} {
  func.func @_mm_res_body(%arg0: i32, %arg1: memref<256x1024xf32, #tpu.memory_space<vmem>>, %arg2: memref<1024x1024xf32, #tpu.memory_space<vmem>>, %arg3: memref<256x1024xf32, #tpu.memory_space<vmem>>, %arg4: memref<256x1024xf32, #tpu.memory_space<vmem>>) attributes {dimension_semantics = [#tpu.dimension_semantics<arbitrary>], iteration_bounds = array<i64: 8>, scalar_prefetch = 0 : i64, scratch_operands = 0 : i64, tpu.core_type = #tpu.core_type<tc>, window_params = [{transform_indices = @transform_0, window_bounds = array<i64: 256, 1024>}, {pipeline_mode = #tpu.pipeline_mode<synchronous>, transform_indices = @transform_1, window_bounds = array<i64: 1024, 1024>}, {transform_indices = @transform_2, window_bounds = array<i64: 256, 1024>}, {transform_indices = @transform_3, window_bounds = array<i64: 256, 1024>}]} {
    %get3A = arith.constant 0 : index
    %get3A_0 = arith.constant 0 : index
    %get3A_1 = vector.load %arg1[%get3A, %get3A_0] : memref<256x1024xf32, #tpu.memory_space<vmem>>, vector<256x1024xf32>
    %get3A_2 = arith.constant 0 : index
    %get3A_3 = arith.constant 0 : index
    %get3A_4 = vector.load %arg2[%get3A_2, %get3A_3] : memref<1024x1024xf32, #tpu.memory_space<vmem>>, vector<1024x1024xf32>
    %dot_general3A = arith.constant dense<0.000000e+00> : vector<256x1024xf32>
    %dot_general3A_5 = tpu.matmul %get3A_1, %get3A_4, %dot_general3A {dimension_numbers = #tpu.dot_dimension_numbers<[1], [0], [0], [1], [0, 0, 1, 1], [], []>, transpose_lhs_hint = false} : vector<256x1024xf32>, vector<1024x1024xf32>, vector<256x1024xf32> -> vector<256x1024xf32>
    %get3A_6 = arith.constant 0 : index
    %get3A_7 = arith.constant 0 : index
    %get3A_8 = vector.load %arg3[%get3A_6, %get3A_7] : memref<256x1024xf32, #tpu.memory_space<vmem>>, vector<256x1024xf32>
    %add3A = arith.addf %dot_general3A_5, %get3A_8 : vector<256x1024xf32>
    %swap3A = arith.constant 0 : index
    %swap3A_9 = arith.constant 0 : index
    %swap3A_10 = vector.load %arg4[%swap3A, %swap3A_9] : memref<256x1024xf32, #tpu.memory_space<vmem>>, vector<256x1024xf32>
    tpu.vector_store %arg4[%swap3A, %swap3A_9], %add3A {strides = array<i32>} : memref<256x1024xf32, #tpu.memory_space<vmem>>, vector<256x1024xf32>,
    return
  }
  func.func @transform_0(%arg0: i32) -> (i32, i32) {
    %c0_i32 = arith.constant 0 : i32
    %c0_i32_0 = arith.constant 0 : i32
    return %arg0, %c0_i32 : i32, i32
  }
  func.func @transform_1(%arg0: i32) -> (i32, i32) {
    %c0_i32 = arith.constant 0 : i32
    %c0_i32_0 = arith.constant 0 : i32
    %c0_i32_1 = arith.constant 0 : i32
    return %c0_i32, %c0_i32_0 : i32, i32
  }
  func.func @transform_2(%arg0: i32) -> (i32, i32) {
    %c0_i32 = arith.constant 0 : i32
    %c0_i32_0 = arith.constant 0 : i32
    return %arg0, %c0_i32 : i32, i32
  }
  func.func @transform_3(%arg0: i32) -> (i32, i32) {
    %c0_i32 = arith.constant 0 : i32
    %c0_i32_0 = arith.constant 0 : i32
    return %arg0, %c0_i32 : i32, i32
  }
}

module attributes {stable_mosaic.version = 14 : i64} {
  func.func @_norm_router_body(%arg0: i32, %arg1: memref<256x1024xf32, #tpu.memory_space<vmem>>, %arg2: memref<1x1024xf32, #tpu.memory_space<vmem>>, %arg3: memref<1024x128xf32, #tpu.memory_space<vmem>>, %arg4: memref<256x1024xf32, #tpu.memory_space<vmem>>, %arg5: memref<256x128xf32, #tpu.memory_space<vmem>>) attributes {dimension_semantics = [#tpu.dimension_semantics<arbitrary>], iteration_bounds = array<i64: 8>, scalar_prefetch = 0 : i64, scratch_operands = 0 : i64, tpu.core_type = #tpu.core_type<tc>, window_params = [{transform_indices = @transform_0, window_bounds = array<i64: 256, 1024>}, {pipeline_mode = #tpu.pipeline_mode<synchronous>, transform_indices = @transform_1, window_bounds = array<i64: 1, 1024>}, {pipeline_mode = #tpu.pipeline_mode<synchronous>, transform_indices = @transform_2, window_bounds = array<i64: 1024, 128>}, {transform_indices = @transform_3, window_bounds = array<i64: 256, 1024>}, {transform_indices = @transform_4, window_bounds = array<i64: 256, 128>}]} {
    %get3A = arith.constant 0 : index
    %get3A_0 = arith.constant 0 : index
    %get3A_1 = vector.load %arg1[%get3A, %get3A_0] : memref<256x1024xf32, #tpu.memory_space<vmem>>, vector<256x1024xf32>
    %mul3A = arith.mulf %get3A_1, %get3A_1 : vector<256x1024xf32>
    %reduce_sum3A = arith.constant dense<0.000000e+00> : vector<256xf32>
    %reduce_sum3A_2 = vector.multi_reduction <add>, %mul3A, %reduce_sum3A [1] : vector<256x1024xf32> to vector<256xf32>
    %broadcast_in_dim3A = vector.shape_cast %reduce_sum3A_2 : vector<256xf32> to vector<256x1xf32>
    %div3A = arith.constant 1.024000e+03 : f32
    %div3A_3 = vector.broadcast %div3A : f32 to vector<256x1xf32>
    %div3A_4 = arith.divf %broadcast_in_dim3A, %div3A_3 : vector<256x1xf32>
    %add3A = arith.constant 9.99999997E-7 : f32
    %add3A_5 = vector.broadcast %add3A : f32 to vector<256x1xf32>
    %add3A_6 = arith.addf %div3A_4, %add3A_5 : vector<256x1xf32>
    %rsqrt3A = math.rsqrt %add3A_6 : vector<256x1xf32>
    %mul3A_7 = vector.broadcast %rsqrt3A : vector<256x1xf32> to vector<256x1024xf32>
    %mul3A_8 = arith.mulf %get3A_1, %mul3A_7 : vector<256x1024xf32>
    %get3A_9 = arith.constant 0 : index
    %get3A_10 = arith.constant 0 : index
    %get3A_11 = vector.load %arg2[%get3A_9, %get3A_10] : memref<1x1024xf32, #tpu.memory_space<vmem>>, vector<1x1024xf32>
    %mul3A_12 = vector.broadcast %get3A_11 : vector<1x1024xf32> to vector<256x1024xf32>
    %mul3A_13 = arith.mulf %mul3A_8, %mul3A_12 : vector<256x1024xf32>
    %swap3A = arith.constant 0 : index
    %swap3A_14 = arith.constant 0 : index
    %swap3A_15 = vector.load %arg4[%swap3A, %swap3A_14] : memref<256x1024xf32, #tpu.memory_space<vmem>>, vector<256x1024xf32>
    tpu.vector_store %arg4[%swap3A, %swap3A_14], %mul3A_13 {strides = array<i32>} : memref<256x1024xf32, #tpu.memory_space<vmem>>, vector<256x1024xf32>,
    %get3A_16 = arith.constant 0 : index
    %get3A_17 = arith.constant 0 : index
    %get3A_18 = vector.load %arg3[%get3A_16, %get3A_17] : memref<1024x128xf32, #tpu.memory_space<vmem>>, vector<1024x128xf32>
    %dot_general3A = arith.constant dense<0.000000e+00> : vector<256x128xf32>
    %dot_general3A_19 = tpu.matmul %mul3A_13, %get3A_18, %dot_general3A {dimension_numbers = #tpu.dot_dimension_numbers<[1], [0], [0], [1], [0, 0, 1, 1], [], []>, transpose_lhs_hint = false} : vector<256x1024xf32>, vector<1024x128xf32>, vector<256x128xf32> -> vector<256x128xf32>
    %iota3A = tpu.iota {dimensions = array<i32: 1>} : vector<256x128xi32>
    %convert_element_type3A = arith.sitofp %iota3A : vector<256x128xi32> to vector<256x128xf32>
    %lt3A = arith.constant 8 : i32
    %lt3A_20 = vector.broadcast %lt3A : i32 to vector<256x128xi32>
    %lt3A_21 = arith.cmpi slt, %iota3A, %lt3A_20 : vector<256x128xi32>
    %jit3A = arith.constant -3.40282347E+38 : f32
    %broadcast_in_dim3A_22 = vector.broadcast %jit3A : f32 to vector<256x128xf32>
    %select_n3A = arith.select %lt3A_21, %dot_general3A_19, %broadcast_in_dim3A_22 : vector<256x128xi1>, vector<256x128xf32>
    %reduce_max3A = arith.constant dense<0xFF800000> : vector<256xf32>
    %reduce_max3A_23 = vector.multi_reduction <maximumf>, %select_n3A, %reduce_max3A [1] : vector<256x128xf32> to vector<256xf32>
    %broadcast_in_dim3A_24 = vector.shape_cast %reduce_max3A_23 : vector<256xf32> to vector<256x1xf32>
    %eq3A = vector.broadcast %broadcast_in_dim3A_24 : vector<256x1xf32> to vector<256x128xf32>
    %eq3A_25 = arith.cmpf oeq, %select_n3A, %eq3A : vector<256x128xf32>
    %jit3A_26 = arith.constant 1.000000e+09 : f32
    %broadcast_in_dim3A_27 = vector.broadcast %jit3A_26 : f32 to vector<256x128xf32>
    %select_n3A_28 = arith.select %eq3A_25, %convert_element_type3A, %broadcast_in_dim3A_27 : vector<256x128xi1>, vector<256x128xf32>
    %reduce_min3A = arith.constant dense<0x7F800000> : vector<256xf32>
    %reduce_min3A_29 = vector.multi_reduction <minimumf>, %select_n3A_28, %reduce_min3A [1] : vector<256x128xf32> to vector<256xf32>
    %broadcast_in_dim3A_30 = vector.shape_cast %reduce_min3A_29 : vector<256xf32> to vector<256x1xf32>
    %eq3A_31 = vector.broadcast %broadcast_in_dim3A_30 : vector<256x1xf32> to vector<256x128xf32>
    %eq3A_32 = arith.cmpf oeq, %convert_element_type3A, %eq3A_31 : vector<256x128xf32>
    %jit3A_33 = arith.constant -3.40282347E+38 : f32
    %broadcast_in_dim3A_34 = vector.broadcast %jit3A_33 : f32 to vector<256x128xf32>
    %select_n3A_35 = arith.select %eq3A_32, %broadcast_in_dim3A_34, %select_n3A : vector<256x128xi1>, vector<256x128xf32>
    %reduce_max3A_36 = arith.constant dense<0xFF800000> : vector<256xf32>
    %reduce_max3A_37 = vector.multi_reduction <maximumf>, %select_n3A_35, %reduce_max3A_36 [1] : vector<256x128xf32> to vector<256xf32>
    %broadcast_in_dim3A_38 = vector.shape_cast %reduce_max3A_37 : vector<256xf32> to vector<256x1xf32>
    %eq3A_39 = vector.broadcast %broadcast_in_dim3A_38 : vector<256x1xf32> to vector<256x128xf32>
    %eq3A_40 = arith.cmpf oeq, %select_n3A_35, %eq3A_39 : vector<256x128xf32>
    %jit3A_41 = arith.constant 1.000000e+09 : f32
    %broadcast_in_dim3A_42 = vector.broadcast %jit3A_41 : f32 to vector<256x128xf32>
    %select_n3A_43 = arith.select %eq3A_40, %convert_element_type3A, %broadcast_in_dim3A_42 : vector<256x128xi1>, vector<256x128xf32>
    %reduce_min3A_44 = arith.constant dense<0x7F800000> : vector<256xf32>
    %reduce_min3A_45 = vector.multi_reduction <minimumf>, %select_n3A_43, %reduce_min3A_44 [1] : vector<256x128xf32> to vector<256xf32>
    %broadcast_in_dim3A_46 = vector.shape_cast %reduce_min3A_45 : vector<256xf32> to vector<256x1xf32>
    %sub3A = arith.subf %broadcast_in_dim3A_38, %broadcast_in_dim3A_24 : vector<256x1xf32>
    %exp3A = math.exp %sub3A : vector<256x1xf32>
    %add3A_47 = arith.constant 1.000000e+00 : f32
    %add3A_48 = vector.broadcast %add3A_47 : f32 to vector<256x1xf32>
    %add3A_49 = arith.addf %add3A_48, %exp3A : vector<256x1xf32>
    %div3A_50 = arith.constant 1.000000e+00 : f32
    %div3A_51 = vector.broadcast %div3A_50 : f32 to vector<256x1xf32>
    %div3A_52 = arith.divf %div3A_51, %add3A_49 : vector<256x1xf32>
    %sub3A_53 = arith.constant 1.000000e+00 : f32
    %sub3A_54 = vector.broadcast %sub3A_53 : f32 to vector<256x1xf32>
    %sub3A_55 = arith.subf %sub3A_54, %div3A_52 : vector<256x1xf32>
    %eq3A_56 = arith.constant 0 : i32
    %eq3A_57 = vector.broadcast %eq3A_56 : i32 to vector<256x128xi32>
    %eq3A_58 = arith.cmpi eq, %iota3A, %eq3A_57 : vector<256x128xi32>
    %convert_element_type3A_59 = arith.extui %eq3A_58 : vector<256x128xi1> to vector<256x128xi32>
    %convert_element_type3A_60 = arith.sitofp %convert_element_type3A_59 : vector<256x128xi32> to vector<256x128xf32>
    %mul3A_61 = vector.broadcast %div3A_52 : vector<256x1xf32> to vector<256x128xf32>
    %mul3A_62 = arith.mulf %mul3A_61, %convert_element_type3A_60 : vector<256x128xf32>
    %eq3A_63 = arith.constant 1 : i32
    %eq3A_64 = vector.broadcast %eq3A_63 : i32 to vector<256x128xi32>
    %eq3A_65 = arith.cmpi eq, %iota3A, %eq3A_64 : vector<256x128xi32>
    %convert_element_type3A_66 = arith.extui %eq3A_65 : vector<256x128xi1> to vector<256x128xi32>
    %convert_element_type3A_67 = arith.sitofp %convert_element_type3A_66 : vector<256x128xi32> to vector<256x128xf32>
    %mul3A_68 = vector.broadcast %sub3A_55 : vector<256x1xf32> to vector<256x128xf32>
    %mul3A_69 = arith.mulf %mul3A_68, %convert_element_type3A_67 : vector<256x128xf32>
    %add3A_70 = arith.addf %mul3A_62, %mul3A_69 : vector<256x128xf32>
    %eq3A_71 = arith.constant 2 : i32
    %eq3A_72 = vector.broadcast %eq3A_71 : i32 to vector<256x128xi32>
    %eq3A_73 = arith.cmpi eq, %iota3A, %eq3A_72 : vector<256x128xi32>
    %convert_element_type3A_74 = arith.extui %eq3A_73 : vector<256x128xi1> to vector<256x128xi32>
    %convert_element_type3A_75 = arith.sitofp %convert_element_type3A_74 : vector<256x128xi32> to vector<256x128xf32>
    %mul3A_76 = vector.broadcast %broadcast_in_dim3A_30 : vector<256x1xf32> to vector<256x128xf32>
    %mul3A_77 = arith.mulf %mul3A_76, %convert_element_type3A_75 : vector<256x128xf32>
    %add3A_78 = arith.addf %add3A_70, %mul3A_77 : vector<256x128xf32>
    %eq3A_79 = arith.constant 3 : i32
    %eq3A_80 = vector.broadcast %eq3A_79 : i32 to vector<256x128xi32>
    %eq3A_81 = arith.cmpi eq, %iota3A, %eq3A_80 : vector<256x128xi32>
    %convert_element_type3A_82 = arith.extui %eq3A_81 : vector<256x128xi1> to vector<256x128xi32>
    %convert_element_type3A_83 = arith.sitofp %convert_element_type3A_82 : vector<256x128xi32> to vector<256x128xf32>
    %mul3A_84 = vector.broadcast %broadcast_in_dim3A_46 : vector<256x1xf32> to vector<256x128xf32>
    %mul3A_85 = arith.mulf %mul3A_84, %convert_element_type3A_83 : vector<256x128xf32>
    %add3A_86 = arith.addf %add3A_78, %mul3A_85 : vector<256x128xf32>
    %swap3A_87 = arith.constant 0 : index
    %swap3A_88 = arith.constant 0 : index
    %swap3A_89 = vector.load %arg5[%swap3A_87, %swap3A_88] : memref<256x128xf32, #tpu.memory_space<vmem>>, vector<256x128xf32>
    tpu.vector_store %arg5[%swap3A_87, %swap3A_88], %add3A_86 {strides = array<i32>} : memref<256x128xf32, #tpu.memory_space<vmem>>, vector<256x128xf32>,
    return
  }
  func.func @transform_0(%arg0: i32) -> (i32, i32) {
    %c0_i32 = arith.constant 0 : i32
    %c0_i32_0 = arith.constant 0 : i32
    return %arg0, %c0_i32 : i32, i32
  }
  func.func @transform_1(%arg0: i32) -> (i32, i32) {
    %c0_i32 = arith.constant 0 : i32
    %c0_i32_0 = arith.constant 0 : i32
    %c0_i32_1 = arith.constant 0 : i32
    return %c0_i32, %c0_i32_0 : i32, i32
  }
  func.func @transform_2(%arg0: i32) -> (i32, i32) {
    %c0_i32 = arith.constant 0 : i32
    %c0_i32_0 = arith.constant 0 : i32
    %c0_i32_1 = arith.constant 0 : i32
    return %c0_i32, %c0_i32_0 : i32, i32
  }
  func.func @transform_3(%arg0: i32) -> (i32, i32) {
    %c0_i32 = arith.constant 0 : i32
    %c0_i32_0 = arith.constant 0 : i32
    return %arg0, %c0_i32 : i32, i32
  }
  func.func @transform_4(%arg0: i32) -> (i32, i32) {
    %c0_i32 = arith.constant 0 : i32
    %c0_i32_0 = arith.constant 0 : i32
    return %arg0, %c0_i32 : i32, i32
  }
}

module attributes {stable_mosaic.version = 14 : i64} {
  func.func @_gmm_body(%arg0: i32, %arg1: memref<24xi32, #tpu.memory_space<smem>>, %arg2: memref<256x1024xf32, #tpu.memory_space<vmem>>, %arg3: memref<1x1024x1024xf32, #tpu.memory_space<vmem>>, %arg4: memref<1x512x1024xf32, #tpu.memory_space<vmem>>, %arg5: memref<1x1x256xf32, #tpu.memory_space<vmem>>, %arg6: memref<256x1024xf32, #tpu.memory_space<vmem>>) attributes {dimension_semantics = [#tpu.dimension_semantics<arbitrary>], iteration_bounds = array<i64: 24>, scalar_prefetch = 1 : i64, scratch_operands = 0 : i64, tpu.core_type = #tpu.core_type<tc>, window_params = [{transform_indices = @transform_0, window_bounds = array<i64: 256, 1024>}, {transform_indices = @transform_1, window_bounds = array<i64: 1, 1024, 1024>}, {transform_indices = @transform_2, window_bounds = array<i64: 1, 512, 1024>}, {transform_indices = @transform_3, window_bounds = array<i64: 1, 1, 256>}, {transform_indices = @transform_4, window_bounds = array<i64: 256, 1024>}]} {
    %get3A = arith.constant 0 : index
    %get3A_0 = arith.constant 0 : index
    %get3A_1 = vector.load %arg2[%get3A, %get3A_0] : memref<256x1024xf32, #tpu.memory_space<vmem>>, vector<256x1024xf32>
    %get3A_2 = arith.constant 0 : index
    %get3A_3 = arith.constant 0 : index
    %get3A_4 = arith.constant 0 : index
    %get3A_5 = vector.load %arg3[%get3A_2, %get3A_3, %get3A_4] : memref<1x1024x1024xf32, #tpu.memory_space<vmem>>, vector<1x1024x1024xf32>
    %get3A_6 = vector.shape_cast %get3A_5 : vector<1x1024x1024xf32> to vector<1024x1024xf32>
    %dot_general3A = arith.constant dense<0.000000e+00> : vector<256x1024xf32>
    %dot_general3A_7 = tpu.matmul %get3A_1, %get3A_6, %dot_general3A {dimension_numbers = #tpu.dot_dimension_numbers<[1], [0], [0], [1], [0, 0, 1, 1], [], []>, transpose_lhs_hint = false} : vector<256x1024xf32>, vector<1024x1024xf32>, vector<256x1024xf32> -> vector<256x1024xf32>
    %slice3A = vector.extract_strided_slice %dot_general3A_7 {offsets = [0, 0], sizes = [256, 512], strides = [1, 1]} : vector<256x1024xf32> to vector<256x512xf32>
    %slice3A_8 = vector.extract_strided_slice %dot_general3A_7 {offsets = [0, 512], sizes = [256, 512], strides = [1, 1]} : vector<256x1024xf32> to vector<256x512xf32>
    %neg3A = arith.constant 0.000000e+00 : f32
    %neg3A_9 = vector.broadcast %neg3A : f32 to vector<256x512xf32>
    %neg3A_10 = arith.subf %neg3A_9, %slice3A : vector<256x512xf32>
    %exp3A = math.exp %neg3A_10 : vector<256x512xf32>
    %add3A = arith.constant 1.000000e+00 : f32
    %add3A_11 = vector.broadcast %add3A : f32 to vector<256x512xf32>
    %add3A_12 = arith.addf %add3A_11, %exp3A : vector<256x512xf32>
    %div3A = arith.divf %slice3A, %add3A_12 : vector<256x512xf32>
    %mul3A = arith.mulf %div3A, %slice3A_8 : vector<256x512xf32>
    %get3A_13 = arith.constant 0 : index
    %get3A_14 = arith.constant 0 : index
    %get3A_15 = arith.constant 0 : index
    %get3A_16 = vector.load %arg4[%get3A_13, %get3A_14, %get3A_15] : memref<1x512x1024xf32, #tpu.memory_space<vmem>>, vector<1x512x1024xf32>
    %get3A_17 = vector.shape_cast %get3A_16 : vector<1x512x1024xf32> to vector<512x1024xf32>
    %dot_general3A_18 = arith.constant dense<0.000000e+00> : vector<256x1024xf32>
    %dot_general3A_19 = tpu.matmul %mul3A, %get3A_17, %dot_general3A_18 {dimension_numbers = #tpu.dot_dimension_numbers<[1], [0], [0], [1], [0, 0, 1, 1], [], []>, transpose_lhs_hint = false} : vector<256x512xf32>, vector<512x1024xf32>, vector<256x1024xf32> -> vector<256x1024xf32>
    %get3A_20 = arith.constant 0 : index
    %get3A_21 = arith.constant 0 : index
    %get3A_22 = arith.constant 0 : index
    %get3A_23 = vector.load %arg5[%get3A_20, %get3A_21, %get3A_22] : memref<1x1x256xf32, #tpu.memory_space<vmem>>, vector<1x1x256xf32>
    %get3A_24 = vector.shape_cast %get3A_23 : vector<1x1x256xf32> to vector<256xf32>
    %broadcast_in_dim3A = vector.shape_cast %get3A_24 : vector<256xf32> to vector<256x1xf32>
    %mul3A_25 = vector.broadcast %broadcast_in_dim3A : vector<256x1xf32> to vector<256x1024xf32>
    %mul3A_26 = arith.mulf %dot_general3A_19, %mul3A_25 : vector<256x1024xf32>
    %swap3A = arith.constant 0 : index
    %swap3A_27 = arith.constant 0 : index
    %swap3A_28 = vector.load %arg6[%swap3A, %swap3A_27] : memref<256x1024xf32, #tpu.memory_space<vmem>>, vector<256x1024xf32>
    tpu.vector_store %arg6[%swap3A, %swap3A_27], %mul3A_26 {strides = array<i32>} : memref<256x1024xf32, #tpu.memory_space<vmem>>, vector<256x1024xf32>,
    return
  }
  func.func @transform_0(%arg0: i32, %arg1: memref<24xi32, #tpu.memory_space<smem>>) -> (i32, i32) {
    %c0_i32 = arith.constant 0 : i32
    %c0_i32_0 = arith.constant 0 : i32
    return %arg0, %c0_i32 : i32, i32
  }
  func.func @transform_1(%arg0: i32, %arg1: memref<24xi32, #tpu.memory_space<smem>>) -> (i32, i32, i32) {
    %get3A = arith.index_cast %arg0 : i32 to index
    %get3A_0 = memref.load %arg1[%get3A] : memref<24xi32, #tpu.memory_space<smem>>
    %c0_i32 = arith.constant 0 : i32
    %c0_i32_1 = arith.constant 0 : i32
    %c0_i32_2 = arith.constant 0 : i32
    return %get3A_0, %c0_i32, %c0_i32_1 : i32, i32, i32
  }
  func.func @transform_2(%arg0: i32, %arg1: memref<24xi32, #tpu.memory_space<smem>>) -> (i32, i32, i32) {
    %get3A = arith.index_cast %arg0 : i32 to index
    %get3A_0 = memref.load %arg1[%get3A] : memref<24xi32, #tpu.memory_space<smem>>
    %c0_i32 = arith.constant 0 : i32
    %c0_i32_1 = arith.constant 0 : i32
    %c0_i32_2 = arith.constant 0 : i32
    return %get3A_0, %c0_i32, %c0_i32_1 : i32, i32, i32
  }
  func.func @transform_3(%arg0: i32, %arg1: memref<24xi32, #tpu.memory_space<smem>>) -> (i32, i32, i32) {
    %c0_i32 = arith.constant 0 : i32
    %c0_i32_0 = arith.constant 0 : i32
    %c0_i32_1 = arith.constant 0 : i32
    return %arg0, %c0_i32, %c0_i32_0 : i32, i32, i32
  }
  func.func @transform_4(%arg0: i32, %arg1: memref<24xi32, #tpu.memory_space<smem>>) -> (i32, i32) {
    %c0_i32 = arith.constant 0 : i32
    %c0_i32_0 = arith.constant 0 : i32
    return %arg0, %c0_i32 : i32, i32
  }
}

module attributes {stable_mosaic.version = 14 : i64} {
  func.func @_swiglu_body(%arg0: i32, %arg1: memref<256x1024xf32, #tpu.memory_space<vmem>>, %arg2: memref<1024x2048xf32, #tpu.memory_space<vmem>>, %arg3: memref<256x1024xf32, #tpu.memory_space<vmem>>) attributes {dimension_semantics = [#tpu.dimension_semantics<arbitrary>], iteration_bounds = array<i64: 8>, scalar_prefetch = 0 : i64, scratch_operands = 0 : i64, tpu.core_type = #tpu.core_type<tc>, window_params = [{transform_indices = @transform_0, window_bounds = array<i64: 256, 1024>}, {pipeline_mode = #tpu.pipeline_mode<synchronous>, transform_indices = @transform_1, window_bounds = array<i64: 1024, 2048>}, {transform_indices = @transform_2, window_bounds = array<i64: 256, 1024>}]} {
    %get3A = arith.constant 0 : index
    %get3A_0 = arith.constant 0 : index
    %get3A_1 = vector.load %arg1[%get3A, %get3A_0] : memref<256x1024xf32, #tpu.memory_space<vmem>>, vector<256x1024xf32>
    %get3A_2 = arith.constant 0 : index
    %get3A_3 = arith.constant 0 : index
    %get3A_4 = vector.load %arg2[%get3A_2, %get3A_3] : memref<1024x2048xf32, #tpu.memory_space<vmem>>, vector<1024x2048xf32>
    %dot_general3A = arith.constant dense<0.000000e+00> : vector<256x2048xf32>
    %dot_general3A_5 = tpu.matmul %get3A_1, %get3A_4, %dot_general3A {dimension_numbers = #tpu.dot_dimension_numbers<[1], [0], [0], [1], [0, 0, 1, 1], [], []>, transpose_lhs_hint = false} : vector<256x1024xf32>, vector<1024x2048xf32>, vector<256x2048xf32> -> vector<256x2048xf32>
    %slice3A = vector.extract_strided_slice %dot_general3A_5 {offsets = [0, 0], sizes = [256, 1024], strides = [1, 1]} : vector<256x2048xf32> to vector<256x1024xf32>
    %slice3A_6 = vector.extract_strided_slice %dot_general3A_5 {offsets = [0, 1024], sizes = [256, 1024], strides = [1, 1]} : vector<256x2048xf32> to vector<256x1024xf32>
    %neg3A = arith.constant 0.000000e+00 : f32
    %neg3A_7 = vector.broadcast %neg3A : f32 to vector<256x1024xf32>
    %neg3A_8 = arith.subf %neg3A_7, %slice3A : vector<256x1024xf32>
    %exp3A = math.exp %neg3A_8 : vector<256x1024xf32>
    %add3A = arith.constant 1.000000e+00 : f32
    %add3A_9 = vector.broadcast %add3A : f32 to vector<256x1024xf32>
    %add3A_10 = arith.addf %add3A_9, %exp3A : vector<256x1024xf32>
    %div3A = arith.divf %slice3A, %add3A_10 : vector<256x1024xf32>
    %mul3A = arith.mulf %div3A, %slice3A_6 : vector<256x1024xf32>
    %swap3A = arith.constant 0 : index
    %swap3A_11 = arith.constant 0 : index
    %swap3A_12 = vector.load %arg3[%swap3A, %swap3A_11] : memref<256x1024xf32, #tpu.memory_space<vmem>>, vector<256x1024xf32>
    tpu.vector_store %arg3[%swap3A, %swap3A_11], %mul3A {strides = array<i32>} : memref<256x1024xf32, #tpu.memory_space<vmem>>, vector<256x1024xf32>,
    return
  }
  func.func @transform_0(%arg0: i32) -> (i32, i32) {
    %c0_i32 = arith.constant 0 : i32
    %c0_i32_0 = arith.constant 0 : i32
    return %arg0, %c0_i32 : i32, i32
  }
  func.func @transform_1(%arg0: i32) -> (i32, i32) {
    %c0_i32 = arith.constant 0 : i32
    %c0_i32_0 = arith.constant 0 : i32
    %c0_i32_1 = arith.constant 0 : i32
    return %c0_i32, %c0_i32_0 : i32, i32
  }
  func.func @transform_2(%arg0: i32) -> (i32, i32) {
    %c0_i32 = arith.constant 0 : i32
    %c0_i32_0 = arith.constant 0 : i32
    return %arg0, %c0_i32 : i32, i32
  }
}

module attributes {stable_mosaic.version = 14 : i64} {
  func.func @_final_body(%arg0: i32, %arg1: memref<256x1024xf32, #tpu.memory_space<vmem>>, %arg2: memref<1024x1024xf32, #tpu.memory_space<vmem>>, %arg3: memref<256x1024xf32, #tpu.memory_space<vmem>>, %arg4: memref<256x2048xf32, #tpu.memory_space<vmem>>, %arg5: memref<256x1024xf32, #tpu.memory_space<vmem>>) attributes {dimension_semantics = [#tpu.dimension_semantics<arbitrary>], iteration_bounds = array<i64: 8>, scalar_prefetch = 0 : i64, scratch_operands = 0 : i64, tpu.core_type = #tpu.core_type<tc>, window_params = [{transform_indices = @transform_0, window_bounds = array<i64: 256, 1024>}, {pipeline_mode = #tpu.pipeline_mode<synchronous>, transform_indices = @transform_1, window_bounds = array<i64: 1024, 1024>}, {transform_indices = @transform_2, window_bounds = array<i64: 256, 1024>}, {transform_indices = @transform_3, window_bounds = array<i64: 256, 2048>}, {transform_indices = @transform_4, window_bounds = array<i64: 256, 1024>}]} {
    %get3A = arith.constant 0 : index
    %get3A_0 = arith.constant 0 : index
    %get3A_1 = vector.load %arg4[%get3A, %get3A_0] : memref<256x2048xf32, #tpu.memory_space<vmem>>, vector<256x2048xf32>
    %get3A_2 = arith.constant 0 : index
    %get3A_3 = arith.constant 0 : index
    %get3A_4 = vector.load %arg1[%get3A_2, %get3A_3] : memref<256x1024xf32, #tpu.memory_space<vmem>>, vector<256x1024xf32>
    %get3A_5 = arith.constant 0 : index
    %get3A_6 = arith.constant 0 : index
    %get3A_7 = vector.load %arg2[%get3A_5, %get3A_6] : memref<1024x1024xf32, #tpu.memory_space<vmem>>, vector<1024x1024xf32>
    %dot_general3A = arith.constant dense<0.000000e+00> : vector<256x1024xf32>
    %dot_general3A_8 = tpu.matmul %get3A_4, %get3A_7, %dot_general3A {dimension_numbers = #tpu.dot_dimension_numbers<[1], [0], [0], [1], [0, 0, 1, 1], [], []>, transpose_lhs_hint = false} : vector<256x1024xf32>, vector<1024x1024xf32>, vector<256x1024xf32> -> vector<256x1024xf32>
    %get3A_9 = arith.constant 0 : index
    %get3A_10 = arith.constant 0 : index
    %get3A_11 = vector.load %arg3[%get3A_9, %get3A_10] : memref<256x1024xf32, #tpu.memory_space<vmem>>, vector<256x1024xf32>
    %add3A = arith.addf %dot_general3A_8, %get3A_11 : vector<256x1024xf32>
    %slice3A = vector.extract_strided_slice %get3A_1 {offsets = [0, 0], sizes = [256, 1024], strides = [1, 1]} : vector<256x2048xf32> to vector<256x1024xf32>
    %add3A_12 = arith.addf %add3A, %slice3A : vector<256x1024xf32>
    %slice3A_13 = vector.extract_strided_slice %get3A_1 {offsets = [0, 1024], sizes = [256, 1024], strides = [1, 1]} : vector<256x2048xf32> to vector<256x1024xf32>
    %add3A_14 = arith.addf %add3A_12, %slice3A_13 : vector<256x1024xf32>
    %swap3A = arith.constant 0 : index
    %swap3A_15 = arith.constant 0 : index
    %swap3A_16 = vector.load %arg5[%swap3A, %swap3A_15] : memref<256x1024xf32, #tpu.memory_space<vmem>>, vector<256x1024xf32>
    tpu.vector_store %arg5[%swap3A, %swap3A_15], %add3A_14 {strides = array<i32>} : memref<256x1024xf32, #tpu.memory_space<vmem>>, vector<256x1024xf32>,
    return
  }
  func.func @transform_0(%arg0: i32) -> (i32, i32) {
    %c0_i32 = arith.constant 0 : i32
    %c0_i32_0 = arith.constant 0 : i32
    return %arg0, %c0_i32 : i32, i32
  }
  func.func @transform_1(%arg0: i32) -> (i32, i32) {
    %c0_i32 = arith.constant 0 : i32
    %c0_i32_0 = arith.constant 0 : i32
    %c0_i32_1 = arith.constant 0 : i32
    return %c0_i32, %c0_i32_0 : i32, i32
  }
  func.func @transform_2(%arg0: i32) -> (i32, i32) {
    %c0_i32 = arith.constant 0 : i32
    %c0_i32_0 = arith.constant 0 : i32
    return %arg0, %c0_i32 : i32, i32
  }
  func.func @transform_3(%arg0: i32) -> (i32, i32) {
    %c0_i32 = arith.constant 0 : i32
    %c0_i32_0 = arith.constant 0 : i32
    return %arg0, %c0_i32 : i32, i32
  }
  func.func @transform_4(%arg0: i32) -> (i32, i32) {
    %c0_i32 = arith.constant 0 : i32
    %c0_i32_0 = arith.constant 0 : i32
    return %arg0, %c0_i32 : i32, i32
  }
}

</mosaic_0001>

<sc_bundles>
// kernel: gather_offload_async_start.1
scs
__scs_entry_jumppad:
0x0: {  	(pc) =	sbr.rel $0x88, $3  }
0x1: {  	(tag) =	ssettag $0x0;
	lr =	simm.s32 $0x1  }
0x2: {  	[smem:$0x3F92] =	sst lr;
	_ =	strace $0xD0000000  }
0x3: {  	_ = 	snop  }
0x4: {  	_ = 	snop  }
0x5: {  	_ = 	snop  }
0x6: {  	_ = 	snop  }
0x7: {  	_ = 	snop  }
__scs_overlays_trampoline_lowered:
0x8: {  	[smem:$0x3FA1] =	sst s0  }
0x9: {  	[smem:$0x3FA2] =	sst s1  }
0xa: {  	[smem:$0x3FA3] =	sst s2  }
0xb: {  	[smem:$0x3FA4] =	sst s3  }
0xc: {  	[smem:$0x3FA5] =	sst s4  }
0xd: {  	[smem:$0x3FA6] =	sst s5  }
0xe: {  	[smem:$0x3FA7] =	sst s6  }
0xf: {  	[smem:$0x3FA8] =	sst s7  }
0x10: {  	[smem:$0x3FA9] =	sst s8  }
0x11: {  	[smem:$0x3FAA] =	sst s9;
	s0 =	simm.s32 @!p0 $0x0  }
0x12: {  	s1 =	sld [smem:$0x3F90];
	s0 =	simm.s32 @p0 $0x1  }
0x13: {  	[smem:$0x3FAB] =	sst s0;
	s0 =	simm.s32 @!p1 $0x0  }
0x14: {  	s2 =	sld [smem:$0x3F8F];
	s0 =	simm.s32 @p1 $0x1  }
0x15: {  	[smem:$0x3FAC] =	sst s0;
	s0 =	simm.s32 @!p2 $0x0  }
0x16: {  	s3 =	sld [smem:$0x3FDB];
	s0 =	simm.s32 @p2 $0x1  }
0x17: {  	s4 =	simm.s32 $0x1BF5;
	[smem:$0x3FAE] =	sst s0  }
0x18: {  	s0 =	sld [smem:$0x3F91];
	_ =	swait.ge [sflag:s4], $0x0  }
0x19: {  	s7 =	sld [smem:$0x3F92]  }
0x1a: {  	s8 =	sadd.s32 $0xFFFFE003, lr  }
0x1b: {  	s9 =	sadd.s32 $0xFFFFFEF7, lr;
	s5 =	simm.s32 $0xFFFFFFFF;
	p2 =	slt.u32 s8, $0xFFFFF086  }
0x1c: {  	p1 =	slt.u32 s9, $0xF7A;
	s5 =	simm.s32 @!p2 $0x0  }
0x1d: {  	s5 =	simm.s32 @p1 $0x1;
	p0 =	seq.s32 s7, s2  }
0x1e: {  	s7 =	smul.u32 @!p0 $0xF7A, s2;
	p2 =	seq.s32 @!p0 s5, $0x0  }
0x1f: {  	s9 =	smul.u32 $0xF7A, s1;
	s8 =	simm.s32 @!p0 $0x1BF5;
	p2 =	por !p2, p0  }
0x20: {  	[sflag:s8] =	ssyncset.s32 @!p0 $0xFFFFF086;
	s6 =	sadd.s32 @!p0 s3, s7;
	s7 =	simm.s32 @!p0 $0x108  }
0x21: {  	s3 =	sadd.s32 s3, s9;
	s6 =	sadd.s32 @!p0 $0x88, s6;
	s7 =	simm.s32 @p2 $0x1082  }
0x22: {  	[simem:s7], [sflag:s8] =	dma.local @!p0 [hbm:s6], $0xF7A  }
0x23: {  	s9 =	sor.u32 $0xD0000000, s2;
	s6 =	simm.s32 $0x108;
	_ =	swait.ge @!p0 [sflag:s8], $0x0  }
0x24: {  	s3 =	sadd.s32 $0x88, s3;
	s6 =	simm.s32 @!p1 $0x1082;
	[sflag:s4] =	ssyncset.s32 $0xFFFFF086  }
0x25: {  	[simem:s6], [sflag:s4] =	dma.local [hbm:s3], $0xF7A  }
0x26: {  	[smem:$0x3F92] =	sst s1;
	(tag) =	ssettag s2;
	_ =	strace s9  }
0x27: {  	s1 =	sld [smem:$0x3FA2]  }
0x28: {  	s2 =	sld [smem:$0x3FA3]  }
0x29: {  	s4 =	sld [smem:$0x3FA5]  }
0x2a: {  	p0 =	seq.s32 s5, $0x0;
	s5 =	sld [smem:$0x3FA6]  }
0x2b: {  	s6 =	sld [smem:$0x3FA7]  }
0x2c: {  	s7 =	sld [smem:$0x3FA8]  }
0x2d: {  	s3 =	simm.s32 $0x108;
	s8 =	sld [smem:$0x3FA9]  }
0x2e: {  	s3 =	simm.s32 @!p0 $0x1082;
	s9 =	sld [smem:$0x3FAA]  }
0x2f: {  	lr =	sadd.s32 s0, s3;
	s0 =	sld [smem:$0x3FA1]  }
0x30: {  	s3 =	sld [smem:$0x3FA4]  }
0x31: {  	[smem:$0x3FAD] =	sst s10  }
0x32: {  	s10 =	sld [smem:$0x3FAB];
	_ =	sdelay $0x3  }
0x33: {  	p0 =	seq.s32 s10, $0x1;
	s10 =	sld [smem:$0x3FAD];
	_ =	sdelay $0x3  }
0x34: {  	[smem:$0x3FAD] =	sst s10  }
0x35: {  	s10 =	sld [smem:$0x3FAC];
	_ =	sdelay $0x3  }
0x36: {  	p1 =	seq.s32 s10, $0x1;
	s10 =	sld [smem:$0x3FAD];
	_ =	sdelay $0x3  }
0x37: {  	[smem:$0x3FAD] =	sst s10  }
0x38: {  	s10 =	sld [smem:$0x3FAE]  }
0x39: {  	_ = 	snop;
	(pc) =	sbr.ind lr, $3  }
0x3a: {  	_ = 	snop  }
0x3b: {  	_ = 	snop  }
0x3c: {  	p2 =	seq.s32 s10, $0x1;
	s10 =	sld [smem:$0x3FAD]  }
0x3d: {  	_ =	shalt  }
0x3e: {  	_ =	shalt  }
0x3f: {  	_ =	shalt  }
0x40: {  	_ =	shalt  }
0x41: {  	_ =	shalt  }
0x42: {  	_ =	shalt  }
0x43: {  	_ =	shalt  }
0x44: {  	_ =	shalt  }
0x45: {  	_ =	shalt  }
0x46: {  	_ =	shalt  }
0x47: {  	_ =	shalt  }
0x48: {  	_ =	shalt  }
0x49: {  	_ =	shalt  }
0x4a: {  	_ =	shalt  }
0x4b: {  	_ =	shalt  }
0x4c: {  	_ =	shalt  }
0x4d: {  	_ =	shalt  }
0x4e: {  	_ =	shalt  }
0x4f: {  	_ =	shalt  }
0x50: {  	_ =	shalt  }
0x51: {  	_ =	shalt  }
0x52: {  	_ =	shalt  }
0x53: {  	_ =	shalt  }
0x54: {  	_ =	shalt  }
0x55: {  	_ =	shalt  }
0x56: {  	_ =	shalt  }
0x57: {  	_ =	shalt  }
0x58: {  	_ =	shalt  }
0x59: {  	_ =	shalt  }
0x5a: {  	_ =	shalt  }
0x5b: {  	_ =	shalt  }
0x5c: {  	_ =	shalt  }
0x5d: {  	_ =	shalt  }
0x5e: {  	_ =	shalt  }
0x5f: {  	_ =	shalt  }
0x60: {  	_ =	shalt  }
0x61: {  	_ =	shalt  }
0x62: {  	_ =	shalt  }
0x63: {  	_ =	shalt  }
0x64: {  	_ =	shalt  }
0x65: {  	_ =	shalt  }
0x66: {  	_ =	shalt  }
0x67: {  	_ =	shalt  }
0x68: {  	_ =	shalt  }
0x69: {  	_ =	shalt  }
0x6a: {  	_ =	shalt  }
0x6b: {  	_ =	shalt  }
0x6c: {  	_ =	shalt  }
0x6d: {  	_ =	shalt  }
0x6e: {  	_ =	shalt  }
0x6f: {  	_ =	shalt  }
0x70: {  	_ =	shalt  }
0x71: {  	_ =	shalt  }
0x72: {  	_ =	shalt  }
0x73: {  	_ =	shalt  }
0x74: {  	_ =	shalt  }
0x75: {  	_ =	shalt  }
0x76: {  	_ =	shalt  }
0x77: {  	_ =	shalt  }
0x78: {  	_ =	shalt  }
0x79: {  	_ =	shalt  }
0x7a: {  	_ =	shalt  }
0x7b: {  	_ =	shalt  }
0x7c: {  	_ =	shalt  }
0x7d: {  	_ =	shalt  }
0x7e: {  	_ =	shalt  }
0x7f: {  	_ =	shalt  }
0x80: {  	_ =	shalt  }
0x81: {  	_ =	shalt  }
0x82: {  	_ =	shalt  }
0x83: {  	_ =	shalt  }
0x84: {  	_ =	shalt  }
0x85: {  	_ =	shalt  }
0x86: {  	_ =	shalt  }
0x87: {  	_ =	shalt  }
.Lfunc_end0:
.L_simem_size_0:
called_computation.2_lowered:
.L_overlay_start_0:
0x88: {  	s2 =	sld [smem:$0x3FD9]  }
0x89: {  	s3 =	sld [smem:$0x3FFE];
	_ =	sdelay $0x1  }
0x8a: {  	s1 =	srdreg.scid  }
0x8b: {  	s0 =	sand.u32 $0x1, s1  }
0x8c: {  	s16 =	sshll.u32 s0, $0xA;
	s2 =	sadd.s32 s3, s2  }
0x8d: {  	s2 =	sadd.s32 s2, s16  }
0x8e: {  	[smem:$0x3FB9] =	sst s2  }
0x8f: {  	_ = 	snop  }
0x90: {  	(tm) =	ssettm $0x1  }
0x91: {  	s17 =	sld [smem:$0x3FFB];
	_ =	sdelay $0x3  }
0x92: {  	_ =	strace s17  }
0x93: {  	s2 =	sld [smem:$0x3FFC];
	_ =	sdelay $0x3  }
0x94: {  	_ =	strace s2  }
0x95: {  	s2 =	sld [smem:$0x3FFD];
	_ =	sdelay $0x3  }
0x96: {  	_ =	strace s2  }
0x97: {  	_ =	strace $0x8FFFFFFF  }
0x98: {  	s18 =	sld [smem:$0x3FDB];
	_ =	sdelay $0x1  }
0x99: {  	s19 =	simm.s32 $_scs_section_size  }
0x9a: {  	s4 =	simm.s32 $_size__tile_overlayer_lowered;
	s5 =	simm.s32 $_tile_overlayer_lowered  }
0x9b: {  	s22 =	simm.s32 $0x1BFF;
	s21 =	sshll.u32 s5, $0x1;
	s2 =	sadd.s32 s19, s18  }
0x9c: {  	s6 =	simm.s32 $0x0;
	s20 =	sshll.u32 s4, $0x1;
	s4 =	sadd.s32 s21, s2  }
0x9d: {  	[timem:s6], [sflag:s22] =	dma.local [hbm:s4], s20  }
0x9e: {  	_ =	swait.ge [sflag:s22], s20  }
0x9f: {  	s3 =	ssub.s32 $0x0, s20;
	[sflag:s22] =	ssyncset.done $0x0  }
0xa0: {  	[sflag:s22] =	ssyncadd.s32 s3;
	_ =	sdelay $0x1  }
0xa1: {  	s23 =	simm.s32 $0x1B8B  }
0xa2: {  	_ =	swait.ge [sflag:s23], $0x1  }
0xa3: {  	[sflag:s23] =	ssyncset.done $0x0  }
0xa4: {  	s25 =	simm.s32 $0x1B8E;
	s24 =	sld [smem:$0x3FFE];
	[sflag:s23] =	ssyncadd.s32 $0xFFFFFFFF  }
0xa5: {  	s26 =	simm.s32 $execute0_lowered;
	[smem:$0x3FD2] =	sst s25  }
0xa6: {  	s4 =	sshll.u32 s26, $0x1;
	_ =	strace $0x8000004C;
	[dreg:$0x1] =	wrdreg $0xFFFFFFFF  }
0xa7: {  	s28 =	simm.s32 $_size_execute0_lowered;
	s2 =	sadd.s32 s2, s4;
	[dreg:$0x0] =	wrdreg $0x0  }
0xa8: {  	s4 =	sshll.u32 s28, $0x1;
	[dreg:$0x2] =	wrdreg s2  }
0xa9: {  	[dreg:$0x3] =	wrdreg s4  }
0xaa: {  	[dreg:$0x4] =	wrdreg $0xC0  }
0xab: {  	_ =	task [dreg:s6], $0x5FFFF  }
0xac: {  	[dreg:$0x1] =	wrdreg $0xFFFFFFFF  }
0xad: {  	[dreg:$0x0] =	wrdreg $0x60  }
0xae: {  	[dreg:$0x2] =	wrdreg s24  }
0xaf: {  	[dreg:$0x3] =	wrdreg $0x9  }
0xb0: {  	_ =	task.clear_ibuf [dreg:s6], $0x4FFFF;
	_ =	strace $0x9000004C  }
0xb1: {  	s29 =	simm.s32 $0x9;
	_ =	strace $0x8000004E  }
0xb2: {  	_ =	swait.ge [sflag:s29], $0x1  }
0xb3: {  	[sflag:s29] =	ssyncadd.s32 $0xFFFFFFFF  }
0xb4: {  	_ =	strace $0x9000004E  }
0xb5: {  	_ =	sfence  }
0xb6: {  	s30 =	sld [smem:$0x0];
	_ =	sdelay $0x2  }
0xb7: {  	s31 =	sshll.u32 s1, $0xD;
	s1 =	sshrl.u32 s1, $0x2  }
0xb8: {  	s3 =	sand.u32 $0x4000, s31;
	s1 =	sadd.s32 s1, s30  }
0xb9: {  	s0 =	sor.u32 s3, s0;
	s1 =	sshll.u32 s1, $0x11  }
0xba: {  	s0 =	sor.u32 s1, s0  }
0xbb: {  	s0 =	sadd.s32 $0x8F2B, s0  }
0xbc: {  	[sflag:s0] =	ssyncadd.remote.s32 $0x1  }
0xbd: {  	_ =	sfence.sel $0xFFFF  }
0xbe: {  	[dreg:$0x0] =	wrdreg $0xFFFFFFFF;
	(pc) =	sbr.abs _section_cstart, $3  }
0xbf: {  	[dreg:$0x1] =	wrdreg $0xFFFFFFFF  }
0xc0: {  	_ =	task.clear_ibuf [dreg:s6], $0x2FFFF;
	_ =	strace $0x9FFFFFFF  }
0xc1: {  	(tm) =	ssettm $0x7FFFFFFF  }
tec
execute0_lowered:
.L_overlay_start_1:
0x0: {  	(tag) =	ssettag $0x1  }
0x1: {  	s0 =	srdreg.scid;
	s5 =	rddreg [dreg:$0x0]  }
0x2: {  	s1 =	stileid.u32;
	s6 =	simm.s32 $0x1;
	s9 =	simm.s32 $0x1  }
0x3: {  	s10 =	simm.s32 $0x3;
	s13 =	simm.s32 $0x0;
	s2 =	sshll.u32 s0, $0x6  }
0x4: {  	s12 =	simm.s32 $0x0;
	s3 =	sshll.u32 s1, $0x7;
	s2 =	sand.u32 $0x40, s2  }
0x5: {  	s0 =	rddreg [dreg:$0x1];
	_ =	strace $0x8000004D;
	s2 =	sor.u32 s3, s2  }
0x6: {  	s4 =	sadd.s32 $0x43E00, s5;
	[sflag:s6] =	ssyncpa.u1 $0x0;
	s8 =	ssub.s32 $0x1000, s2  }
.Ltmp0:
0x7: {  	s3 =	sadd.s32 $0x43400, s5;
	s7 =	sand.u32 $0x7C0, s8;
	(pc) =	sbr.rel .LBB2_1-.Ltmp0, $4  }
0x8: {  	s5 =	sadd.s32 $0x43A00, s5;
	s11 =	smov.u32 s2;
	p0 =	sne.s32 s7, $0x0  }
0x9: {  	s8 =	sshrl.u32 s8, $0xB;
	s7 =	simm.s32 $0x2;
	s9 =	simm.s32 @!p0 $0x0  }
0xa: {  	[sflag:s7] =	ssyncpa.u1 $0x0;
	p0 =	por $0x0, $0x0;
	s8 =	sadd.s32 s9, s8  }
0xb: {  	vm0 =	vmmov $0xffff;
	[sflag:s10] =	ssyncpa.u1 $0x0;
	s10 =	simm.s32 $0x0;
	s9 =	sadd.s32 $0x1, s8  }
.LBB2_4:
0xc: {  	v2 =	vnsel vm1, $0x0, v2  }
0xd: {  	vm1 =	vgt.s32 v0, $0x0;
	v2 =	vmin.u32 v2, $0xFFF  }
0xe: {  	v0 =	vnsel vm1, $0x0, v0  }
0xf: {  	v0 =	vmin.u32 v0, $0xFFF  }
0x10: {  	[tilespmem:s15], [sflag:$0x1] =	stream.indirect_vreg.gather [hbm4b:s3+s10], $0x1, v1, vm0, $0x4038;
	[tilespmem:$0x100] =	vst v63  }
0x11: {  	(ifvalue) =	ssetifvalue $0x7FFFFFFF  }
0x12: {  	[tilespmem:s16], [sflag:$0x1] =	stream.indirect_vreg.gather [hbm4b:s3+s10], $0x1, v2, vm0, $0x4038;
	[tilespmem:$0x100] =	vst v63  }
0x13: {  	s29 =	sadd.s32 $0x10, s16;
	(ifvalue) =	ssetifvalue $0x7FFFFFFF  }
0x14: {  	[tilespmem:s29], [sflag:$0x1] =	stream.indirect_vreg.gather [hbm4b:s3+s10], $0x1, v0, vm0, $0x4038;
	[tilespmem:$0x100] =	vst v63  }
0x15: {  	_ =	swait.ge [sflag:s6], $0x40  }
0x16: {  	s30 =	sshrl.u32 s13, $0x3;
	[sflag:s6] =	ssyncset.done $0x0  }
0x17: {  	s31 =	sand.u32 $0x7, s13;
	s15 =	sadd.s32 s5, s30;
	[sflag:s6] =	ssyncadd.s32 $0xFFFFFFC0  }
0x18: {  	[hbm4b:s15+s31] =	stream.linear.scatter [tilespmem:s14], [sflag:$0x3], $0x40, $0x38;
	[tilespmem:$0x100] =	vst v63  }
.LBB2_5:
0x19: {  	s15 =	sadd.s32 $0x800, s11  }
0x1a: {  	p2 =	sgt.s32 s15, $0xFFF  }
0x1b: {  	s15 =	smov.u32 @p2 s2;
	p2 =	sne.s32 s12, s9  }
.Ltmp1:
0x1c: {  	p1 =	slt.u32 s12, $0x2;
	(pc) =	sbr.rel @!p2 .LBB2_6-.Ltmp1, $4  }
0x1d: {  	s14 =	simm.s32 @!p1 $0x3  }
0x1e: {  	s16 =	sadd.s32 $0x1, s12;
	_ =	swait.ge @!p1 [sflag:s14], $0x40  }
0x1f: {  	s13 =	smov.u32 s11;
	p0 =	por !p0, !p0;
	[sflag:s14] =	ssyncset.done @!p1 $0x0  }
0x20: {  	s12 =	smov.u32 s16;
	s11 =	smov.u32 s15;
	[sflag:s14] =	ssyncadd.s32 @!p1 $0xFFFFFFC0  }
.LBB2_1:
0x21: {  	p1 =	sge.u32 s12, s8  }
0x22: {  	s14 =	sxor.u32 @!p1 $0xFFFFFFFF, s12  }
0x23: {  	s31 =	sadd.s32 $0xFFFFFFFF, s12;
	s15 =	sshrl.u32 @!p1 s11, $0x3;
	s14 =	sshll.u32 @!p1 s14, $0x6  }
0x24: {  	s16 =	sand.u32 @!p1 $0x7, s11;
	s15 =	sadd.s32 @!p1 s4, s15;
	s14 =	sand.u32 @!p1 $0x40, s14  }
0x25: {  	[tilespmem:s14], [sflag:$0x2] =	stream.linear.gather @!p1 [hbm4b:s15+s16], $0x40, $0x38;
	[tilespmem:$0x100] =	vst v63  }
0x26: {  	p1 =	sge.u32 s31, s8  }
.Ltmp2:
0x27: {  	_ = 	snop;
	(pc) =	sbr.rel @p1 .LBB2_5-.Ltmp2, $1  }
0x28: {  	_ =	sdelay $0x3  }
0x29: {  	s14 =	simm.s32 $0x1  }
0x2a: {  	_ =	swait.ge [sflag:s7], $0x40;
	s14 =	simm.s32 @!p0 $0x0  }
0x2b: {  	[sflag:s7] =	ssyncset.done $0x0;
	s14 =	sshll.u32 s14, $0x6  }
0x2c: {  	[sflag:s7] =	ssyncadd.s32 $0xFFFFFFC0;
	(ifvalue) =	ssetifvalue $0x7FFFFFFF;
	v0 =	vld.msk [tilespmem:s14+$0x0 ss:$0x1], $0xffff;
	_ =	sdelay $0x4  }
0x2d: {  	s15 =	sadd.s32 $0x10, s14;
	vm1 =	vgt.s32 v0, $0x0  }
0x2e: {  	v2 =	vld.msk [tilespmem:s15+$0x0 ss:$0x1], $0xffff;
	v1 =	vnsel vm1, $0x0, v0  }
0x2f: {  	v1 =	vmin.u32 v1, $0xFFF;
	_ =	sdelay $0x1  }
0x30: {  	s16 =	sshll.u32 s12, $0x6;
	s18 =	simm.s32 $0x20  }
0x31: {  	s16 =	sand.u32 $0x40, s16;
	s17 =	sadd.s32 $0x10, s15;
	s15 =	sor.u32 $0x80, s14  }
0x32: {  	s14 =	sor.u32 $0x80, s16;
	s16 =	sadd.s32 $0x10, s15;
	v0 =	vld.msk [tilespmem:s17+$0x0 ss:$0x1], $0xffff;
	vm1 =	vgt.s32 v2, $0x0;
	(ifvalue) =	ssetifvalue $0x7FFFFFFF  }
.LBB2_3:
0x33: {  	[tilespmem:s15], [sflag:$0x1] =	stream.indirect_vreg.gather [hbm4b:s3+s10], $0x1, v1, vm0, $0x4038;
	[tilespmem:$0x100] =	vst v63  }
0x34: {  	s18 =	sadd.s32 $0x10, s18  }
0x35: {  	v2 =	vnsel vm1, $0x0, v2;
	p1 =	slt.u32 s18, $0x30  }
.Ltmp3:
0x36: {  	s15 =	smov.u32 s16;
	v1 =	vmin.u32 v2, $0xFFF;
	(pc) =	sbr.rel @p1 .LBB2_3-.Ltmp3, $3  }
0x37: {  	_ =	sdelay $0x1  }
0x38: {  	s17 =	sadd.s32 $0x10, s17  }
0x39: {  	vm1 =	vgt.s32 v0, $0x0;
	s16 =	sadd.s32 $0x10, s16;
	v2 =	vmov v0;
	(ifvalue) =	ssetifvalue $0x7FFFFFFF;
	v0 =	vld.msk [tilespmem:s17+$0x0 ss:$0x1], $0xffff  }
.Ltmp4:
0x3a: {  	_ = 	snop;
	(pc) =	sbr.rel .LBB2_4-.Ltmp4, $1  }
0x3b: {  	_ =	sdelay $0x3  }
.LBB2_6:
0x3c: {  	_ =	sfence.sel $0x180000  }
0x3d: {  	s2 =	simm.s32 $0x2;
	[bflag:$0x0] =	sbarrier.arrive $0xFFFF  }
0x3e: {  	s30 =	simm.s32 $0x3;
	[sflag:s2] =	ssyncpa.u1 $0x1  }
0x3f: {  	s31 =	simm.s32 $0x1;
	[sflag:s30] =	ssyncpa.u1 $0x1  }
0x40: {  	[sflag:s31] =	ssyncpa.u1 $0x1  }
0x41: {  	p0 =	sne.s32 s1, $0x0;
	_ =	strace $0x9000004D  }
0x42: {  	s0 =	sadd.s32 @!p0 $0x100000, s0;
	[bflag:$0x2] =	sbarrier.arrive $0xFFFF  }
0x43: {  	[sflag:s0] =	ssyncadd.tile.s32 @!p0 $0x1;
	_ =	shalt  }
.Lfunc_end2:
_tile_overlayer_lowered:
.L_overlay_start_2:
0x44: {  	(tag) =	ssettag $0x2  }
0x45: {  	s0 =	rddreg [dreg:$0x0];
	s2 =	stileid.u32  }
0x46: {  	s1 =	rddreg [dreg:$0x1];
	p0 =	sne.s32 s2, $0x0  }
0x47: {  	s3 =	rddreg [dreg:$0x2];
	[bflag:$0x3] =	sbarrier.arrive $0xFFFF;
	s2 =	simm.s32 @!p0 $0x1C01  }
0x48: {  	[timem:s3], [sflag:s2] =	dma.local @!p0 [hbm:s0], s1  }
0x49: {  	s0 =	simm.s32 @!p0 $0x1  }
0x4a: {  	_ =	swait.ge @!p0 [sflag:s0], s1  }
0x4b: {  	s1 =	ssub.s32 @!p0 $0x0, s1;
	[sflag:s0] =	ssyncset.done @!p0 $0x0  }
0x4c: {  	[sflag:s0] =	ssyncadd.s32 @!p0 s1  }
0x4d: {  	[bflag:$0x3] =	sbarrier.arrive $0xFFFF  }
0x4e: {  	_ =	shalt  }

// kernel: gather_offload_async_start
scs
__scs_entry_jumppad:
0x0: {  	(pc) =	sbr.rel $0x88, $3  }
0x1: {  	(tag) =	ssettag $0x0;
	lr =	simm.s32 $0x1  }
0x2: {  	[smem:$0x3F92] =	sst lr;
	_ =	strace $0xD0000000  }
0x3: {  	_ = 	snop  }
0x4: {  	_ = 	snop  }
0x5: {  	_ = 	snop  }
0x6: {  	_ = 	snop  }
0x7: {  	_ = 	snop  }
__scs_overlays_trampoline_lowered:
0x8: {  	[smem:$0x3FA1] =	sst s0  }
0x9: {  	[smem:$0x3FA2] =	sst s1  }
0xa: {  	[smem:$0x3FA3] =	sst s2  }
0xb: {  	[smem:$0x3FA4] =	sst s3  }
0xc: {  	[smem:$0x3FA5] =	sst s4  }
0xd: {  	[smem:$0x3FA6] =	sst s5  }
0xe: {  	[smem:$0x3FA7] =	sst s6  }
0xf: {  	[smem:$0x3FA8] =	sst s7  }
0x10: {  	[smem:$0x3FA9] =	sst s8  }
0x11: {  	[smem:$0x3FAA] =	sst s9;
	s0 =	simm.s32 @!p0 $0x0  }
0x12: {  	s1 =	sld [smem:$0x3F90];
	s0 =	simm.s32 @p0 $0x1  }
0x13: {  	[smem:$0x3FAB] =	sst s0;
	s0 =	simm.s32 @!p1 $0x0  }
0x14: {  	s2 =	sld [smem:$0x3F8F];
	s0 =	simm.s32 @p1 $0x1  }
0x15: {  	[smem:$0x3FAC] =	sst s0;
	s0 =	simm.s32 @!p2 $0x0  }
0x16: {  	s3 =	sld [smem:$0x3FDB];
	s0 =	simm.s32 @p2 $0x1  }
0x17: {  	s4 =	simm.s32 $0x1BF5;
	[smem:$0x3FAE] =	sst s0  }
0x18: {  	s0 =	sld [smem:$0x3F91];
	_ =	swait.ge [sflag:s4], $0x0  }
0x19: {  	s7 =	sld [smem:$0x3F92]  }
0x1a: {  	s8 =	sadd.s32 $0xFFFFE003, lr  }
0x1b: {  	s9 =	sadd.s32 $0xFFFFFEF7, lr;
	s5 =	simm.s32 $0xFFFFFFFF;
	p2 =	slt.u32 s8, $0xFFFFF086  }
0x1c: {  	p1 =	slt.u32 s9, $0xF7A;
	s5 =	simm.s32 @!p2 $0x0  }
0x1d: {  	s5 =	simm.s32 @p1 $0x1;
	p0 =	seq.s32 s7, s2  }
0x1e: {  	s7 =	smul.u32 @!p0 $0xF7A, s2;
	p2 =	seq.s32 @!p0 s5, $0x0  }
0x1f: {  	s9 =	smul.u32 $0xF7A, s1;
	s8 =	simm.s32 @!p0 $0x1BF5;
	p2 =	por !p2, p0  }
0x20: {  	[sflag:s8] =	ssyncset.s32 @!p0 $0xFFFFF086;
	s6 =	sadd.s32 @!p0 s3, s7;
	s7 =	simm.s32 @!p0 $0x108  }
0x21: {  	s3 =	sadd.s32 s3, s9;
	s6 =	sadd.s32 @!p0 $0x88, s6;
	s7 =	simm.s32 @p2 $0x1082  }
0x22: {  	[simem:s7], [sflag:s8] =	dma.local @!p0 [hbm:s6], $0xF7A  }
0x23: {  	s9 =	sor.u32 $0xD0000000, s2;
	s6 =	simm.s32 $0x108;
	_ =	swait.ge @!p0 [sflag:s8], $0x0  }
0x24: {  	s3 =	sadd.s32 $0x88, s3;
	s6 =	simm.s32 @!p1 $0x1082;
	[sflag:s4] =	ssyncset.s32 $0xFFFFF086  }
0x25: {  	[simem:s6], [sflag:s4] =	dma.local [hbm:s3], $0xF7A  }
0x26: {  	[smem:$0x3F92] =	sst s1;
	(tag) =	ssettag s2;
	_ =	strace s9  }
0x27: {  	s1 =	sld [smem:$0x3FA2]  }
0x28: {  	s2 =	sld [smem:$0x3FA3]  }
0x29: {  	s4 =	sld [smem:$0x3FA5]  }
0x2a: {  	p0 =	seq.s32 s5, $0x0;
	s5 =	sld [smem:$0x3FA6]  }
0x2b: {  	s6 =	sld [smem:$0x3FA7]  }
0x2c: {  	s7 =	sld [smem:$0x3FA8]  }
0x2d: {  	s3 =	simm.s32 $0x108;
	s8 =	sld [smem:$0x3FA9]  }
0x2e: {  	s3 =	simm.s32 @!p0 $0x1082;
	s9 =	sld [smem:$0x3FAA]  }
0x2f: {  	lr =	sadd.s32 s0, s3;
	s0 =	sld [smem:$0x3FA1]  }
0x30: {  	s3 =	sld [smem:$0x3FA4]  }
0x31: {  	[smem:$0x3FAD] =	sst s10  }
0x32: {  	s10 =	sld [smem:$0x3FAB];
	_ =	sdelay $0x3  }
0x33: {  	p0 =	seq.s32 s10, $0x1;
	s10 =	sld [smem:$0x3FAD];
	_ =	sdelay $0x3  }
0x34: {  	[smem:$0x3FAD] =	sst s10  }
0x35: {  	s10 =	sld [smem:$0x3FAC];
	_ =	sdelay $0x3  }
0x36: {  	p1 =	seq.s32 s10, $0x1;
	s10 =	sld [smem:$0x3FAD];
	_ =	sdelay $0x3  }
0x37: {  	[smem:$0x3FAD] =	sst s10  }
0x38: {  	s10 =	sld [smem:$0x3FAE]  }
0x39: {  	_ = 	snop;
	(pc) =	sbr.ind lr, $3  }
0x3a: {  	_ = 	snop  }
0x3b: {  	_ = 	snop  }
0x3c: {  	p2 =	seq.s32 s10, $0x1;
	s10 =	sld [smem:$0x3FAD]  }
0x3d: {  	_ =	shalt  }
0x3e: {  	_ =	shalt  }
0x3f: {  	_ =	shalt  }
0x40: {  	_ =	shalt  }
0x41: {  	_ =	shalt  }
0x42: {  	_ =	shalt  }
0x43: {  	_ =	shalt  }
0x44: {  	_ =	shalt  }
0x45: {  	_ =	shalt  }
0x46: {  	_ =	shalt  }
0x47: {  	_ =	shalt  }
0x48: {  	_ =	shalt  }
0x49: {  	_ =	shalt  }
0x4a: {  	_ =	shalt  }
0x4b: {  	_ =	shalt  }
0x4c: {  	_ =	shalt  }
0x4d: {  	_ =	shalt  }
0x4e: {  	_ =	shalt  }
0x4f: {  	_ =	shalt  }
0x50: {  	_ =	shalt  }
0x51: {  	_ =	shalt  }
0x52: {  	_ =	shalt  }
0x53: {  	_ =	shalt  }
0x54: {  	_ =	shalt  }
0x55: {  	_ =	shalt  }
0x56: {  	_ =	shalt  }
0x57: {  	_ =	shalt  }
0x58: {  	_ =	shalt  }
0x59: {  	_ =	shalt  }
0x5a: {  	_ =	shalt  }
0x5b: {  	_ =	shalt  }
0x5c: {  	_ =	shalt  }
0x5d: {  	_ =	shalt  }
0x5e: {  	_ =	shalt  }
0x5f: {  	_ =	shalt  }
0x60: {  	_ =	shalt  }
0x61: {  	_ =	shalt  }
0x62: {  	_ =	shalt  }
0x63: {  	_ =	shalt  }
0x64: {  	_ =	shalt  }
0x65: {  	_ =	shalt  }
0x66: {  	_ =	shalt  }
0x67: {  	_ =	shalt  }
0x68: {  	_ =	shalt  }
0x69: {  	_ =	shalt  }
0x6a: {  	_ =	shalt  }
0x6b: {  	_ =	shalt  }
0x6c: {  	_ =	shalt  }
0x6d: {  	_ =	shalt  }
0x6e: {  	_ =	shalt  }
0x6f: {  	_ =	shalt  }
0x70: {  	_ =	shalt  }
0x71: {  	_ =	shalt  }
0x72: {  	_ =	shalt  }
0x73: {  	_ =	shalt  }
0x74: {  	_ =	shalt  }
0x75: {  	_ =	shalt  }
0x76: {  	_ =	shalt  }
0x77: {  	_ =	shalt  }
0x78: {  	_ =	shalt  }
0x79: {  	_ =	shalt  }
0x7a: {  	_ =	shalt  }
0x7b: {  	_ =	shalt  }
0x7c: {  	_ =	shalt  }
0x7d: {  	_ =	shalt  }
0x7e: {  	_ =	shalt  }
0x7f: {  	_ =	shalt  }
0x80: {  	_ =	shalt  }
0x81: {  	_ =	shalt  }
0x82: {  	_ =	shalt  }
0x83: {  	_ =	shalt  }
0x84: {  	_ =	shalt  }
0x85: {  	_ =	shalt  }
0x86: {  	_ =	shalt  }
0x87: {  	_ =	shalt  }
.Lfunc_end0:
.L_simem_size_0:
called_computation.1_lowered:
.L_overlay_start_0:
0x88: {  	s2 =	sld [smem:$0x3FD9]  }
0x89: {  	s3 =	sld [smem:$0x3FFE];
	_ =	sdelay $0x1  }
0x8a: {  	s1 =	srdreg.scid  }
0x8b: {  	s0 =	sand.u32 $0x1, s1  }
0x8c: {  	s16 =	sshll.u32 s0, $0xA;
	s2 =	sadd.s32 s3, s2  }
0x8d: {  	s2 =	sadd.s32 s2, s16  }
0x8e: {  	[smem:$0x3FB9] =	sst s2  }
0x8f: {  	_ = 	snop  }
0x90: {  	(tm) =	ssettm $0x1  }
0x91: {  	s17 =	sld [smem:$0x3FFB];
	_ =	sdelay $0x3  }
0x92: {  	_ =	strace s17  }
0x93: {  	s2 =	sld [smem:$0x3FFC];
	_ =	sdelay $0x3  }
0x94: {  	_ =	strace s2  }
0x95: {  	s2 =	sld [smem:$0x3FFD];
	_ =	sdelay $0x3  }
0x96: {  	_ =	strace s2  }
0x97: {  	_ =	strace $0x8FFFFFFF  }
0x98: {  	s18 =	sld [smem:$0x3FDB];
	_ =	sdelay $0x1  }
0x99: {  	s19 =	simm.s32 $_scs_section_size  }
0x9a: {  	s4 =	simm.s32 $_size__tile_overlayer_lowered;
	s5 =	simm.s32 $_tile_overlayer_lowered  }
0x9b: {  	s22 =	simm.s32 $0x1BFF;
	s21 =	sshll.u32 s5, $0x1;
	s2 =	sadd.s32 s19, s18  }
0x9c: {  	s6 =	simm.s32 $0x0;
	s20 =	sshll.u32 s4, $0x1;
	s4 =	sadd.s32 s21, s2  }
0x9d: {  	[timem:s6], [sflag:s22] =	dma.local [hbm:s4], s20  }
0x9e: {  	_ =	swait.ge [sflag:s22], s20  }
0x9f: {  	s3 =	ssub.s32 $0x0, s20;
	[sflag:s22] =	ssyncset.done $0x0  }
0xa0: {  	[sflag:s22] =	ssyncadd.s32 s3;
	_ =	sdelay $0x1  }
0xa1: {  	s23 =	simm.s32 $0x1B8B  }
0xa2: {  	_ =	swait.ge [sflag:s23], $0x1  }
0xa3: {  	[sflag:s23] =	ssyncset.done $0x0  }
0xa4: {  	s25 =	simm.s32 $0x1B8E;
	s24 =	sld [smem:$0x3FFE];
	[sflag:s23] =	ssyncadd.s32 $0xFFFFFFFF  }
0xa5: {  	s26 =	simm.s32 $execute0_lowered;
	[smem:$0x3FD2] =	sst s25  }
0xa6: {  	s4 =	sshll.u32 s26, $0x1;
	_ =	strace $0x80000049;
	[dreg:$0x1] =	wrdreg $0xFFFFFFFF  }
0xa7: {  	s28 =	simm.s32 $_size_execute0_lowered;
	s2 =	sadd.s32 s2, s4;
	[dreg:$0x0] =	wrdreg $0x0  }
0xa8: {  	s4 =	sshll.u32 s28, $0x1;
	[dreg:$0x2] =	wrdreg s2  }
0xa9: {  	[dreg:$0x3] =	wrdreg s4  }
0xaa: {  	[dreg:$0x4] =	wrdreg $0xC0  }
0xab: {  	_ =	task [dreg:s6], $0x5FFFF  }
0xac: {  	[dreg:$0x1] =	wrdreg $0xFFFFFFFF  }
0xad: {  	[dreg:$0x0] =	wrdreg $0x60  }
0xae: {  	[dreg:$0x2] =	wrdreg s24  }
0xaf: {  	[dreg:$0x3] =	wrdreg $0x9  }
0xb0: {  	_ =	task.clear_ibuf [dreg:s6], $0x4FFFF;
	_ =	strace $0x90000049  }
0xb1: {  	s29 =	simm.s32 $0x9;
	_ =	strace $0x8000004B  }
0xb2: {  	_ =	swait.ge [sflag:s29], $0x1  }
0xb3: {  	[sflag:s29] =	ssyncadd.s32 $0xFFFFFFFF  }
0xb4: {  	_ =	strace $0x9000004B  }
0xb5: {  	_ =	sfence  }
0xb6: {  	s30 =	sld [smem:$0x0];
	_ =	sdelay $0x2  }
0xb7: {  	s31 =	sshll.u32 s1, $0xD;
	s1 =	sshrl.u32 s1, $0x2  }
0xb8: {  	s3 =	sand.u32 $0x4000, s31;
	s1 =	sadd.s32 s1, s30  }
0xb9: {  	s0 =	sor.u32 s3, s0;
	s1 =	sshll.u32 s1, $0x11  }
0xba: {  	s0 =	sor.u32 s1, s0  }
0xbb: {  	s0 =	sadd.s32 $0x8F2B, s0  }
0xbc: {  	[sflag:s0] =	ssyncadd.remote.s32 $0x1  }
0xbd: {  	_ =	sfence.sel $0xFFFF  }
0xbe: {  	[dreg:$0x0] =	wrdreg $0xFFFFFFFF;
	(pc) =	sbr.abs _section_cstart, $3  }
0xbf: {  	[dreg:$0x1] =	wrdreg $0xFFFFFFFF  }
0xc0: {  	_ =	task.clear_ibuf [dreg:s6], $0x2FFFF;
	_ =	strace $0x9FFFFFFF  }
0xc1: {  	(tm) =	ssettm $0x7FFFFFFF  }
tec
execute0_lowered:
.L_overlay_start_1:
0x0: {  	(tag) =	ssettag $0x1  }
0x1: {  	s0 =	srdreg.scid;
	s5 =	rddreg [dreg:$0x0]  }
0x2: {  	s1 =	stileid.u32;
	s6 =	simm.s32 $0x1;
	s9 =	simm.s32 $0x1  }
0x3: {  	s10 =	simm.s32 $0x3;
	s13 =	simm.s32 $0x0;
	s2 =	sshll.u32 s0, $0x6  }
0x4: {  	s12 =	simm.s32 $0x0;
	s3 =	sshll.u32 s1, $0x7;
	s2 =	sand.u32 $0x40, s2  }
0x5: {  	s0 =	rddreg [dreg:$0x1];
	_ =	strace $0x8000004A;
	s2 =	sor.u32 s3, s2  }
0x6: {  	s4 =	sadd.s32 $0x43E00, s5;
	[sflag:s6] =	ssyncpa.u1 $0x0;
	s8 =	ssub.s32 $0x1000, s2  }
.Ltmp0:
0x7: {  	s3 =	sadd.s32 $0x43600, s5;
	s7 =	sand.u32 $0x7C0, s8;
	(pc) =	sbr.rel .LBB2_1-.Ltmp0, $4  }
0x8: {  	s5 =	sadd.s32 $0x44600, s5;
	s11 =	smov.u32 s2;
	p0 =	sne.s32 s7, $0x0  }
0x9: {  	s8 =	sshrl.u32 s8, $0xB;
	s7 =	simm.s32 $0x2;
	s9 =	simm.s32 @!p0 $0x0  }
0xa: {  	[sflag:s7] =	ssyncpa.u1 $0x0;
	p0 =	por $0x0, $0x0;
	s8 =	sadd.s32 s9, s8  }
0xb: {  	vm0 =	vmmov $0xffff;
	[sflag:s10] =	ssyncpa.u1 $0x0;
	s10 =	simm.s32 $0x0;
	s9 =	sadd.s32 $0x1, s8  }
.LBB2_4:
0xc: {  	v2 =	vnsel vm1, $0x0, v2  }
0xd: {  	vm1 =	vgt.s32 v0, $0x0;
	v2 =	vmin.u32 v2, $0xFFF  }
0xe: {  	v0 =	vnsel vm1, $0x0, v0  }
0xf: {  	v0 =	vmin.u32 v0, $0xFFF  }
0x10: {  	[tilespmem:s15], [sflag:$0x1] =	stream.indirect_vreg.gather [hbm4b:s3+s10], $0x1, v1, vm0, $0x4038;
	[tilespmem:$0x100] =	vst v63  }
0x11: {  	(ifvalue) =	ssetifvalue $0x7FFFFFFF  }
0x12: {  	[tilespmem:s16], [sflag:$0x1] =	stream.indirect_vreg.gather [hbm4b:s3+s10], $0x1, v2, vm0, $0x4038;
	[tilespmem:$0x100] =	vst v63  }
0x13: {  	s29 =	sadd.s32 $0x10, s16;
	(ifvalue) =	ssetifvalue $0x7FFFFFFF  }
0x14: {  	[tilespmem:s29], [sflag:$0x1] =	stream.indirect_vreg.gather [hbm4b:s3+s10], $0x1, v0, vm0, $0x4038;
	[tilespmem:$0x100] =	vst v63  }
0x15: {  	_ =	swait.ge [sflag:s6], $0x40  }
0x16: {  	s30 =	sshrl.u32 s13, $0x3;
	[sflag:s6] =	ssyncset.done $0x0  }
0x17: {  	s31 =	sand.u32 $0x7, s13;
	s15 =	sadd.s32 s5, s30;
	[sflag:s6] =	ssyncadd.s32 $0xFFFFFFC0  }
0x18: {  	[hbm4b:s15+s31] =	stream.linear.scatter [tilespmem:s14], [sflag:$0x3], $0x40, $0x38;
	[tilespmem:$0x100] =	vst v63  }
.LBB2_5:
0x19: {  	s15 =	sadd.s32 $0x800, s11  }
0x1a: {  	p2 =	sgt.s32 s15, $0xFFF  }
0x1b: {  	s15 =	smov.u32 @p2 s2;
	p2 =	sne.s32 s12, s9  }
.Ltmp1:
0x1c: {  	p1 =	slt.u32 s12, $0x2;
	(pc) =	sbr.rel @!p2 .LBB2_6-.Ltmp1, $4  }
0x1d: {  	s14 =	simm.s32 @!p1 $0x3  }
0x1e: {  	s16 =	sadd.s32 $0x1, s12;
	_ =	swait.ge @!p1 [sflag:s14], $0x40  }
0x1f: {  	s13 =	smov.u32 s11;
	p0 =	por !p0, !p0;
	[sflag:s14] =	ssyncset.done @!p1 $0x0  }
0x20: {  	s12 =	smov.u32 s16;
	s11 =	smov.u32 s15;
	[sflag:s14] =	ssyncadd.s32 @!p1 $0xFFFFFFC0  }
.LBB2_1:
0x21: {  	p1 =	sge.u32 s12, s8  }
0x22: {  	s14 =	sxor.u32 @!p1 $0xFFFFFFFF, s12  }
0x23: {  	s31 =	sadd.s32 $0xFFFFFFFF, s12;
	s15 =	sshrl.u32 @!p1 s11, $0x3;
	s14 =	sshll.u32 @!p1 s14, $0x6  }
0x24: {  	s16 =	sand.u32 @!p1 $0x7, s11;
	s15 =	sadd.s32 @!p1 s4, s15;
	s14 =	sand.u32 @!p1 $0x40, s14  }
0x25: {  	[tilespmem:s14], [sflag:$0x2] =	stream.linear.gather @!p1 [hbm4b:s15+s16], $0x40, $0x38;
	[tilespmem:$0x100] =	vst v63  }
0x26: {  	p1 =	sge.u32 s31, s8  }
.Ltmp2:
0x27: {  	_ = 	snop;
	(pc) =	sbr.rel @p1 .LBB2_5-.Ltmp2, $1  }
0x28: {  	_ =	sdelay $0x3  }
0x29: {  	s14 =	simm.s32 $0x1  }
0x2a: {  	_ =	swait.ge [sflag:s7], $0x40;
	s14 =	simm.s32 @!p0 $0x0  }
0x2b: {  	[sflag:s7] =	ssyncset.done $0x0;
	s14 =	sshll.u32 s14, $0x6  }
0x2c: {  	[sflag:s7] =	ssyncadd.s32 $0xFFFFFFC0;
	(ifvalue) =	ssetifvalue $0x7FFFFFFF;
	v0 =	vld.msk [tilespmem:s14+$0x0 ss:$0x1], $0xffff;
	_ =	sdelay $0x4  }
0x2d: {  	s15 =	sadd.s32 $0x10, s14;
	vm1 =	vgt.s32 v0, $0x0  }
0x2e: {  	v2 =	vld.msk [tilespmem:s15+$0x0 ss:$0x1], $0xffff;
	v1 =	vnsel vm1, $0x0, v0  }
0x2f: {  	v1 =	vmin.u32 v1, $0xFFF;
	_ =	sdelay $0x1  }
0x30: {  	s16 =	sshll.u32 s12, $0x6;
	s18 =	simm.s32 $0x20  }
0x31: {  	s16 =	sand.u32 $0x40, s16;
	s17 =	sadd.s32 $0x10, s15;
	s15 =	sor.u32 $0x80, s14  }
0x32: {  	s14 =	sor.u32 $0x80, s16;
	s16 =	sadd.s32 $0x10, s15;
	v0 =	vld.msk [tilespmem:s17+$0x0 ss:$0x1], $0xffff;
	vm1 =	vgt.s32 v2, $0x0;
	(ifvalue) =	ssetifvalue $0x7FFFFFFF  }
.LBB2_3:
0x33: {  	[tilespmem:s15], [sflag:$0x1] =	stream.indirect_vreg.gather [hbm4b:s3+s10], $0x1, v1, vm0, $0x4038;
	[tilespmem:$0x100] =	vst v63  }
0x34: {  	s18 =	sadd.s32 $0x10, s18  }
0x35: {  	v2 =	vnsel vm1, $0x0, v2;
	p1 =	slt.u32 s18, $0x30  }
.Ltmp3:
0x36: {  	s15 =	smov.u32 s16;
	v1 =	vmin.u32 v2, $0xFFF;
	(pc) =	sbr.rel @p1 .LBB2_3-.Ltmp3, $3  }
0x37: {  	_ =	sdelay $0x1  }
0x38: {  	s17 =	sadd.s32 $0x10, s17  }
0x39: {  	vm1 =	vgt.s32 v0, $0x0;
	s16 =	sadd.s32 $0x10, s16;
	v2 =	vmov v0;
	(ifvalue) =	ssetifvalue $0x7FFFFFFF;
	v0 =	vld.msk [tilespmem:s17+$0x0 ss:$0x1], $0xffff  }
.Ltmp4:
0x3a: {  	_ = 	snop;
	(pc) =	sbr.rel .LBB2_4-.Ltmp4, $1  }
0x3b: {  	_ =	sdelay $0x3  }
.LBB2_6:
0x3c: {  	_ =	sfence.sel $0x180000  }
0x3d: {  	s2 =	simm.s32 $0x2;
	[bflag:$0x0] =	sbarrier.arrive $0xFFFF  }
0x3e: {  	s30 =	simm.s32 $0x3;
	[sflag:s2] =	ssyncpa.u1 $0x1  }
0x3f: {  	s31 =	simm.s32 $0x1;
	[sflag:s30] =	ssyncpa.u1 $0x1  }
0x40: {  	[sflag:s31] =	ssyncpa.u1 $0x1  }
0x41: {  	p0 =	sne.s32 s1, $0x0;
	_ =	strace $0x9000004A  }
0x42: {  	s0 =	sadd.s32 @!p0 $0x100000, s0;
	[bflag:$0x2] =	sbarrier.arrive $0xFFFF  }
0x43: {  	[sflag:s0] =	ssyncadd.tile.s32 @!p0 $0x1;
	_ =	shalt  }
.Lfunc_end2:
_tile_overlayer_lowered:
.L_overlay_start_2:
0x44: {  	(tag) =	ssettag $0x2  }
0x45: {  	s0 =	rddreg [dreg:$0x0];
	s2 =	stileid.u32  }
0x46: {  	s1 =	rddreg [dreg:$0x1];
	p0 =	sne.s32 s2, $0x0  }
0x47: {  	s3 =	rddreg [dreg:$0x2];
	[bflag:$0x3] =	sbarrier.arrive $0xFFFF;
	s2 =	simm.s32 @!p0 $0x1C01  }
0x48: {  	[timem:s3], [sflag:s2] =	dma.local @!p0 [hbm:s0], s1  }
0x49: {  	s0 =	simm.s32 @!p0 $0x1  }
0x4a: {  	_ =	swait.ge @!p0 [sflag:s0], s1  }
0x4b: {  	s1 =	ssub.s32 @!p0 $0x0, s1;
	[sflag:s0] =	ssyncset.done @!p0 $0x0  }
0x4c: {  	[sflag:s0] =	ssyncadd.s32 @!p0 s1  }
0x4d: {  	[bflag:$0x3] =	sbarrier.arrive $0xFFFF  }
0x4e: {  	_ =	shalt  }

// kernel: kernel.11.cloned.1.call-start
scs
__scs_entry_jumppad:
0x0: {  	(pc) =	sbr.rel $0x88, $3  }
0x1: {  	(tag) =	ssettag $0x0;
	lr =	simm.s32 $0x1  }
0x2: {  	[smem:$0x3F92] =	sst lr;
	_ =	strace $0xD0000000  }
0x3: {  	_ = 	snop  }
0x4: {  	_ = 	snop  }
0x5: {  	_ = 	snop  }
0x6: {  	_ = 	snop  }
0x7: {  	_ = 	snop  }
__scs_overlays_trampoline_lowered:
0x8: {  	[smem:$0x3FA1] =	sst s0  }
0x9: {  	[smem:$0x3FA2] =	sst s1  }
0xa: {  	[smem:$0x3FA3] =	sst s2  }
0xb: {  	[smem:$0x3FA4] =	sst s3  }
0xc: {  	[smem:$0x3FA5] =	sst s4  }
0xd: {  	[smem:$0x3FA6] =	sst s5  }
0xe: {  	[smem:$0x3FA7] =	sst s6  }
0xf: {  	[smem:$0x3FA8] =	sst s7  }
0x10: {  	[smem:$0x3FA9] =	sst s8  }
0x11: {  	[smem:$0x3FAA] =	sst s9;
	s0 =	simm.s32 @!p0 $0x0  }
0x12: {  	s1 =	sld [smem:$0x3F90];
	s0 =	simm.s32 @p0 $0x1  }
0x13: {  	[smem:$0x3FAB] =	sst s0;
	s0 =	simm.s32 @!p1 $0x0  }
0x14: {  	s2 =	sld [smem:$0x3F8F];
	s0 =	simm.s32 @p1 $0x1  }
0x15: {  	[smem:$0x3FAC] =	sst s0;
	s0 =	simm.s32 @!p2 $0x0  }
0x16: {  	s3 =	sld [smem:$0x3FDB];
	s0 =	simm.s32 @p2 $0x1  }
0x17: {  	s4 =	simm.s32 $0x1BF5;
	[smem:$0x3FAE] =	sst s0  }
0x18: {  	s0 =	sld [smem:$0x3F91];
	_ =	swait.ge [sflag:s4], $0x0  }
0x19: {  	s7 =	sld [smem:$0x3F92]  }
0x1a: {  	s8 =	sadd.s32 $0xFFFFE003, lr  }
0x1b: {  	s9 =	sadd.s32 $0xFFFFFEF7, lr;
	s5 =	simm.s32 $0xFFFFFFFF;
	p2 =	slt.u32 s8, $0xFFFFF086  }
0x1c: {  	p1 =	slt.u32 s9, $0xF7A;
	s5 =	simm.s32 @!p2 $0x0  }
0x1d: {  	s5 =	simm.s32 @p1 $0x1;
	p0 =	seq.s32 s7, s2  }
0x1e: {  	s7 =	smul.u32 @!p0 $0xF7A, s2;
	p2 =	seq.s32 @!p0 s5, $0x0  }
0x1f: {  	s9 =	smul.u32 $0xF7A, s1;
	s8 =	simm.s32 @!p0 $0x1BF5;
	p2 =	por !p2, p0  }
0x20: {  	[sflag:s8] =	ssyncset.s32 @!p0 $0xFFFFF086;
	s6 =	sadd.s32 @!p0 s3, s7;
	s7 =	simm.s32 @!p0 $0x108  }
0x21: {  	s3 =	sadd.s32 s3, s9;
	s6 =	sadd.s32 @!p0 $0x88, s6;
	s7 =	simm.s32 @p2 $0x1082  }
0x22: {  	[simem:s7], [sflag:s8] =	dma.local @!p0 [hbm:s6], $0xF7A  }
0x23: {  	s9 =	sor.u32 $0xD0000000, s2;
	s6 =	simm.s32 $0x108;
	_ =	swait.ge @!p0 [sflag:s8], $0x0  }
0x24: {  	s3 =	sadd.s32 $0x88, s3;
	s6 =	simm.s32 @!p1 $0x1082;
	[sflag:s4] =	ssyncset.s32 $0xFFFFF086  }
0x25: {  	[simem:s6], [sflag:s4] =	dma.local [hbm:s3], $0xF7A  }
0x26: {  	[smem:$0x3F92] =	sst s1;
	(tag) =	ssettag s2;
	_ =	strace s9  }
0x27: {  	s1 =	sld [smem:$0x3FA2]  }
0x28: {  	s2 =	sld [smem:$0x3FA3]  }
0x29: {  	s4 =	sld [smem:$0x3FA5]  }
0x2a: {  	p0 =	seq.s32 s5, $0x0;
	s5 =	sld [smem:$0x3FA6]  }
0x2b: {  	s6 =	sld [smem:$0x3FA7]  }
0x2c: {  	s7 =	sld [smem:$0x3FA8]  }
0x2d: {  	s3 =	simm.s32 $0x108;
	s8 =	sld [smem:$0x3FA9]  }
0x2e: {  	s3 =	simm.s32 @!p0 $0x1082;
	s9 =	sld [smem:$0x3FAA]  }
0x2f: {  	lr =	sadd.s32 s0, s3;
	s0 =	sld [smem:$0x3FA1]  }
0x30: {  	s3 =	sld [smem:$0x3FA4]  }
0x31: {  	[smem:$0x3FAD] =	sst s10  }
0x32: {  	s10 =	sld [smem:$0x3FAB];
	_ =	sdelay $0x3  }
0x33: {  	p0 =	seq.s32 s10, $0x1;
	s10 =	sld [smem:$0x3FAD];
	_ =	sdelay $0x3  }
0x34: {  	[smem:$0x3FAD] =	sst s10  }
0x35: {  	s10 =	sld [smem:$0x3FAC];
	_ =	sdelay $0x3  }
0x36: {  	p1 =	seq.s32 s10, $0x1;
	s10 =	sld [smem:$0x3FAD];
	_ =	sdelay $0x3  }
0x37: {  	[smem:$0x3FAD] =	sst s10  }
0x38: {  	s10 =	sld [smem:$0x3FAE]  }
0x39: {  	_ = 	snop;
	(pc) =	sbr.ind lr, $3  }
0x3a: {  	_ = 	snop  }
0x3b: {  	_ = 	snop  }
0x3c: {  	p2 =	seq.s32 s10, $0x1;
	s10 =	sld [smem:$0x3FAD]  }
0x3d: {  	_ =	shalt  }
0x3e: {  	_ =	shalt  }
0x3f: {  	_ =	shalt  }
0x40: {  	_ =	shalt  }
0x41: {  	_ =	shalt  }
0x42: {  	_ =	shalt  }
0x43: {  	_ =	shalt  }
0x44: {  	_ =	shalt  }
0x45: {  	_ =	shalt  }
0x46: {  	_ =	shalt  }
0x47: {  	_ =	shalt  }
0x48: {  	_ =	shalt  }
0x49: {  	_ =	shalt  }
0x4a: {  	_ =	shalt  }
0x4b: {  	_ =	shalt  }
0x4c: {  	_ =	shalt  }
0x4d: {  	_ =	shalt  }
0x4e: {  	_ =	shalt  }
0x4f: {  	_ =	shalt  }
0x50: {  	_ =	shalt  }
0x51: {  	_ =	shalt  }
0x52: {  	_ =	shalt  }
0x53: {  	_ =	shalt  }
0x54: {  	_ =	shalt  }
0x55: {  	_ =	shalt  }
0x56: {  	_ =	shalt  }
0x57: {  	_ =	shalt  }
0x58: {  	_ =	shalt  }
0x59: {  	_ =	shalt  }
0x5a: {  	_ =	shalt  }
0x5b: {  	_ =	shalt  }
0x5c: {  	_ =	shalt  }
0x5d: {  	_ =	shalt  }
0x5e: {  	_ =	shalt  }
0x5f: {  	_ =	shalt  }
0x60: {  	_ =	shalt  }
0x61: {  	_ =	shalt  }
0x62: {  	_ =	shalt  }
0x63: {  	_ =	shalt  }
0x64: {  	_ =	shalt  }
0x65: {  	_ =	shalt  }
0x66: {  	_ =	shalt  }
0x67: {  	_ =	shalt  }
0x68: {  	_ =	shalt  }
0x69: {  	_ =	shalt  }
0x6a: {  	_ =	shalt  }
0x6b: {  	_ =	shalt  }
0x6c: {  	_ =	shalt  }
0x6d: {  	_ =	shalt  }
0x6e: {  	_ =	shalt  }
0x6f: {  	_ =	shalt  }
0x70: {  	_ =	shalt  }
0x71: {  	_ =	shalt  }
0x72: {  	_ =	shalt  }
0x73: {  	_ =	shalt  }
0x74: {  	_ =	shalt  }
0x75: {  	_ =	shalt  }
0x76: {  	_ =	shalt  }
0x77: {  	_ =	shalt  }
0x78: {  	_ =	shalt  }
0x79: {  	_ =	shalt  }
0x7a: {  	_ =	shalt  }
0x7b: {  	_ =	shalt  }
0x7c: {  	_ =	shalt  }
0x7d: {  	_ =	shalt  }
0x7e: {  	_ =	shalt  }
0x7f: {  	_ =	shalt  }
0x80: {  	_ =	shalt  }
0x81: {  	_ =	shalt  }
0x82: {  	_ =	shalt  }
0x83: {  	_ =	shalt  }
0x84: {  	_ =	shalt  }
0x85: {  	_ =	shalt  }
0x86: {  	_ =	shalt  }
0x87: {  	_ =	shalt  }
.Lfunc_end0:
.L_simem_size_0:
called_computation.3_lowered:
.L_overlay_start_0:
0x88: {  	s2 =	sld [smem:$0x3FD9]  }
0x89: {  	s3 =	sld [smem:$0x3FFE];
	_ =	sdelay $0x1  }
0x8a: {  	s1 =	srdreg.scid  }
0x8b: {  	s0 =	sand.u32 $0x1, s1  }
0x8c: {  	s17 =	sshll.u32 s0, $0xA;
	s2 =	sadd.s32 s3, s2  }
0x8d: {  	s2 =	sadd.s32 s2, s17  }
0x8e: {  	[smem:$0x3FB9] =	sst s2  }
0x8f: {  	_ = 	snop  }
0x90: {  	s18 =	sld [smem:$0x3FD0];
	(tm) =	ssettm $0x1  }
0x91: {  	s19 =	sld [smem:$0x3FFB];
	_ =	sdelay $0x3  }
0x92: {  	_ =	strace s19  }
0x93: {  	s2 =	sld [smem:$0x3FFC];
	_ =	sdelay $0x3  }
0x94: {  	_ =	strace s2  }
0x95: {  	s2 =	sld [smem:$0x3FFD];
	_ =	sdelay $0x3  }
0x96: {  	_ =	strace s2  }
0x97: {  	_ =	strace $0x8FFFFFFF  }
0x98: {  	s20 =	sld [smem:$0x3FDB];
	_ =	sdelay $0x1  }
0x99: {  	s4 =	simm.s32 $_scs_section_size  }
0x9a: {  	s5 =	simm.s32 $_size__tile_overlayer_lowered;
	s6 =	simm.s32 $_tile_overlayer_lowered  }
0x9b: {  	s7 =	simm.s32 $0x1BFF;
	s21 =	sshll.u32 s6, $0x1;
	s4 =	sadd.s32 s4, s20  }
0x9c: {  	s22 =	simm.s32 $0x0;
	s5 =	sshll.u32 s5, $0x1;
	s6 =	sadd.s32 s21, s4  }
0x9d: {  	[timem:s22], [sflag:s7] =	dma.local [hbm:s6], s5  }
0x9e: {  	_ =	swait.ge [sflag:s7], s5  }
0x9f: {  	s5 =	ssub.s32 $0x0, s5;
	[sflag:s7] =	ssyncset.done $0x0  }
0xa0: {  	[sflag:s7] =	ssyncadd.s32 s5;
	_ =	sdelay $0x1  }
0xa1: {  	s23 =	simm.s32 $0x1B8B  }
0xa2: {  	_ =	swait.ge [sflag:s23], $0x1  }
0xa3: {  	[sflag:s23] =	ssyncset.done $0x0  }
0xa4: {  	[sflag:s23] =	ssyncadd.s32 $0xFFFFFFFF  }
0xa5: {  	s5 =	sld [smem:$0x0]  }
0xa6: {  	s6 =	sand.u32 $0xFFFFFFFE, s1  }
0xa7: {  	p0 =	sne.s32 s1, s6  }
0xa8: {  	s6 =	sshll.u32 @p0 s6, $0xE  }
0xa9: {  	s6 =	sadd.s32 @p0 $0x11B8D, s6;
	s7 =	sshll.u32 @p0 s5, $0x11  }
0xaa: {  	s6 =	sor.u32 @p0 s7, s6  }
0xab: {  	[sflag:s6] =	ssyncadd.remote.s32 @p0 $0x1;
	_ =	sdelay $0x1  }
0xac: {  	s6 =	simm.s32 @p0 $0x1B8D  }
0xad: {  	_ =	swait.eq @p0 [sflag:s6], $0x1  }
0xae: {  	[sflag:s6] =	ssyncadd.s32 @p0 $0xFFFFFFFF  }
0xaf: {  	s7 =	sshll.u32 @!p0 s1, $0xE  }
0xb0: {  	s7 =	sor.u32 @!p0 $0x4000, s7;
	s6 =	simm.s32 @!p0 $0x1B8D  }
0xb1: {  	s5 =	sshll.u32 @!p0 s5, $0x11;
	s7 =	sadd.s32 @!p0 $0x11B8D, s7;
	_ =	swait.eq @!p0 [sflag:s6], $0x1  }
0xb2: {  	s5 =	sor.u32 @!p0 s5, s7;
	[sflag:s6] =	ssyncadd.s32 @!p0 $0xFFFFFFFF  }
0xb3: {  	s25 =	simm.s32 $0x1B8E;
	s24 =	sld [smem:$0x3FFE];
	[sflag:s5] =	ssyncadd.remote.s32 @!p0 $0x1  }
0xb4: {  	s26 =	simm.s32 $execute0_lowered;
	[smem:$0x3FD2] =	sst s25  }
0xb5: {  	s6 =	sshll.u32 s26, $0x1;
	_ =	strace $0x8000004F;
	[dreg:$0x1] =	wrdreg $0xFFFFFFFF  }
0xb6: {  	s28 =	simm.s32 $_size_execute0_lowered;
	s4 =	sadd.s32 s4, s6;
	[dreg:$0x0] =	wrdreg $0x0  }
0xb7: {  	s6 =	sshll.u32 s28, $0x1;
	[dreg:$0x2] =	wrdreg s4  }
0xb8: {  	[dreg:$0x3] =	wrdreg s6  }
0xb9: {  	[dreg:$0x4] =	wrdreg $0xC0  }
0xba: {  	_ =	task [dreg:s22], $0x5FFFF  }
0xbb: {  	[dreg:$0x1] =	wrdreg $0xFFFFFFFF  }
0xbc: {  	[dreg:$0x0] =	wrdreg $0x60  }
0xbd: {  	[dreg:$0x2] =	wrdreg s18  }
0xbe: {  	[dreg:$0x3] =	wrdreg s24  }
0xbf: {  	[dreg:$0x4] =	wrdreg $0xA  }
0xc0: {  	_ =	task.clear_ibuf [dreg:s22], $0x5FFFF;
	_ =	strace $0x9000004F  }
0xc1: {  	s29 =	simm.s32 $0xA;
	_ =	strace $0x80000051  }
0xc2: {  	_ =	swait.ge [sflag:s29], $0x1  }
0xc3: {  	[sflag:s29] =	ssyncadd.s32 $0xFFFFFFFF  }
0xc4: {  	_ =	strace $0x90000051  }
0xc5: {  	_ =	sfence  }
0xc6: {  	s30 =	sld [smem:$0x0];
	_ =	sdelay $0x2  }
0xc7: {  	s31 =	sshll.u32 s1, $0xD;
	s1 =	sshrl.u32 s1, $0x2  }
0xc8: {  	s4 =	sand.u32 $0x4000, s31;
	s1 =	sadd.s32 s1, s30  }
0xc9: {  	s0 =	sor.u32 s4, s0;
	s1 =	sshll.u32 s1, $0x11  }
0xca: {  	s0 =	sor.u32 s1, s0  }
0xcb: {  	s0 =	sadd.s32 $0x8F2B, s0  }
0xcc: {  	[sflag:s0] =	ssyncadd.remote.s32 $0x1  }
0xcd: {  	_ =	sfence.sel $0xFFFF  }
0xce: {  	[dreg:$0x0] =	wrdreg $0xFFFFFFFF;
	(pc) =	sbr.abs _section_cstart, $3  }
0xcf: {  	[dreg:$0x1] =	wrdreg $0xFFFFFFFF  }
0xd0: {  	_ =	task.clear_ibuf [dreg:s22], $0x2FFFF;
	_ =	strace $0x9FFFFFFF  }
0xd1: {  	(tm) =	ssettm $0x7FFFFFFF  }
tec
execute0_lowered:
.L_overlay_start_1:
0x0: {  	(tag) =	ssettag $0x1  }
0x1: {  	s2 =	rddreg [dreg:$0x0];
	s1 =	srdreg.scid  }
0x2: {  	s0 =	stileid.u32;
	s4 =	rddreg [dreg:$0x1]  }
0x3: {  	s3 =	simm.s32 $0x0;
	s15 =	simm.s32 $0x80;
	s16 =	simm.s32 $0x880  }
0x4: {  	s17 =	simm.s32 $0x1080;
	s28 =	simm.s32 $0x6080;
	s29 =	simm.s32 $0x6880  }
0x5: {  	s30 =	simm.s32 $0x7080;
	s1 =	sand.u32 $0x1, s1;
	s5 =	sshll.u32 s0, $0x1  }
0x6: {  	s31 =	simm.s32 $0x7880;
	[smem:$0x7FF] =	sst s3;
	s5 =	sor.u32 s1, s5  }
0x7: {  	s11 =	sadd.s32 $0x43600, s4;
	s1 =	ssub.s32 $0x2, s1;
	s10 =	smul.u32 $0xC0, s5  }
0x8: {  	s12 =	sadd.s32 $0x44000, s4;
	s6 =	sshrl.u32 s1, $0x1;
	s5 =	smul.u32 $0x6000, s5  }
0x9: {  	s4 =	sadd.s32 $0x100, s2;
	_ =	strace $0x80000050;
	s1 =	ssub.s32 s1, s6  }
0xa: {  	s7 =	sshrl.u32 s10, $0x3;
	s5 =	sadd.s32 s12, s5;
	s19 =	sor.u32 $0x20, s10  }
0xb: {  	s21 =	sadd.s32 $0x40, s10;
	s24 =	sadd.s32 $0x60, s10;
	s13 =	sadd.s32 $0x80, s10  }
0xc: {  	s14 =	sadd.s32 $0xA0, s10;
	s18 =	sadd.s32 s11, s7;
	[dreg:$0x4] =	wrdreg s5  }
0xd: {  	s20 =	sshrl.u32 s19, $0x3;
	s6 =	sshll.u32 s19, $0x7;
	s23 =	sshrl.u32 s21, $0x3  }
0xe: {  	s7 =	sshll.u32 s21, $0x7;
	s8 =	sshrl.u32 s24, $0x3;
	s9 =	sshll.u32 s24, $0x7  }
0xf: {  	s25 =	sshrl.u32 s13, $0x3;
	s13 =	sshll.u32 s13, $0x7;
	s26 =	sshrl.u32 s14, $0x3  }
0x10: {  	s14 =	sshll.u32 s14, $0x7;
	s19 =	simm.s32 $0x2080;
	s21 =	simm.s32 $0x3080  }
0x11: {  	s24 =	simm.s32 $0x4880;
	[dreg:$0x3] =	wrdreg s18;
	s5 =	sadd.s32 s11, s20  }
0x12: {  	s22 =	sadd.s32 s12, s6;
	s6 =	sadd.s32 s11, s23;
	s7 =	sadd.s32 s12, s7  }
0x13: {  	s10 =	sadd.s32 s12, s13;
	s13 =	smax.u32 s1, $0x1;
	[dreg:$0x5] =	wrdreg s5  }
0x14: {  	s18 =	simm.s32 $0x1880;
	s20 =	simm.s32 $0x2880;
	[dreg:$0x6] =	wrdreg s22  }
0x15: {  	s23 =	simm.s32 $0x4080;
	s1 =	simm.s32 $0x1;
	[dreg:$0x7] =	wrdreg s6  }
0x16: {  	s5 =	sadd.s32 $0x200, s2;
	s6 =	sadd.s32 $0x300, s2;
	[dreg:$0x8] =	wrdreg s7  }
0x17: {  	v2 =	vlaneseq.u32;
	s7 =	sadd.s32 s11, s8;
	s8 =	sadd.s32 s12, s9;
	s9 =	sadd.s32 s11, s25  }
0x18: {  	vm0 =	vmmov $0xffff;
	v1 =	vshrl.u32 v2, $0x3;
	s11 =	sadd.s32 s11, s26;
	s12 =	sadd.s32 s12, s14;
	s14 =	simm.s32 $0x2  }
0x19: {  	v0 =	vand.u32 $0x7, v2;
	v2 =	vor.u32 $0x8, v2;
	v1 =	vmul.u32 $0x8, v1;
	s22 =	simm.s32 $0x3880;
	s25 =	simm.s32 $0x5080;
	s26 =	simm.s32 $0x5880  }
.LBB2_1:
0x1a: {  	s0 =	rddreg [dreg:$0x3]  }
0x1b: {  	[tilespmem:s3], [sflag:$0x2] =	stream.linear.gather [hbm4b:s0+s3], $0x20, $0x38;
	[tilespmem:$0x8080] =	vst v63  }
0x1c: {  	_ =	swait.ge [sflag:s14], $0x20  }
0x1d: {  	[sflag:s14] =	ssyncset.done $0x0  }
0x1e: {  	[sflag:s14] =	ssyncadd.s32 $0xFFFFFFE0  }
0x1f: {  	v3 =	vld [tilespmem:$0x0];
	_ =	sdelay $0x4  }
0x20: {  	v4 =	vshll.u32 v3, $0x3  }
0x21: {  	v3 =	vand.u32 $0x7, v3;
	v4 =	vand.u32 $0xFFFFFFC0, v4  }
0x22: {  	v3 =	vor.u32 v3, v4  }
0x23: {  	v4 =	vperm.xlane v3, v0;
	_ =	sdelay $0x1  }
0x24: {  	v4 =	vadd.s32 v1, v4;
	_ =	sdelay $0x4  }
0x25: {  	[tilespmem:s15], [sflag:$0x1] =	stream.indirect_vreg.gather [hbm4b:s2+s3], $0x80, v4, vm0, $0xb8;
	[tilespmem:$0x8080] =	vst v63  }
0x26: {  	v3 =	vperm.xlane v3, v2  }
0x27: {  	[tilespmem:s16], [sflag:$0x1] =	stream.indirect_vreg.gather [hbm4b:s4+s3], $0x80, v4, vm0, $0xb8;
	[tilespmem:$0x8080] =	vst v63  }
0x28: {  	v3 =	vadd.s32 v1, v3  }
0x29: {  	[tilespmem:s17], [sflag:$0x1] =	stream.indirect_vreg.gather [hbm4b:s5+s3], $0x80, v4, vm0, $0xb8;
	[tilespmem:$0x8080] =	vst v63  }
0x2a: {  	_ = 	snop  }
0x2b: {  	[tilespmem:s18], [sflag:$0x1] =	stream.indirect_vreg.gather [hbm4b:s6+s3], $0x80, v4, vm0, $0xb8;
	[tilespmem:$0x8080] =	vst v63  }
0x2c: {  	_ = 	snop  }
0x2d: {  	[tilespmem:s19], [sflag:$0x1] =	stream.indirect_vreg.gather [hbm4b:s2+s3], $0x80, v3, vm0, $0xb8;
	[tilespmem:$0x8080] =	vst v63  }
0x2e: {  	_ = 	snop  }
0x2f: {  	[tilespmem:s20], [sflag:$0x1] =	stream.indirect_vreg.gather [hbm4b:s4+s3], $0x80, v3, vm0, $0xb8;
	[tilespmem:$0x8080] =	vst v63  }
0x30: {  	_ = 	snop  }
0x31: {  	[tilespmem:s21], [sflag:$0x1] =	stream.indirect_vreg.gather [hbm4b:s5+s3], $0x80, v3, vm0, $0xb8;
	[tilespmem:$0x8080] =	vst v63  }
0x32: {  	_ = 	snop  }
0x33: {  	[tilespmem:s22], [sflag:$0x1] =	stream.indirect_vreg.gather [hbm4b:s6+s3], $0x80, v3, vm0, $0xb8;
	[tilespmem:$0x8080] =	vst v63  }
0x34: {  	v3 =	vld [tilespmem:$0x10];
	_ =	sdelay $0x4  }
0x35: {  	v53 =	vshll.u32 v3, $0x3  }
0x36: {  	v3 =	vand.u32 $0x7, v3;
	v4 =	vand.u32 $0xFFFFFFC0, v53  }
0x37: {  	v3 =	vor.u32 v3, v4  }
0x38: {  	v4 =	vperm.xlane v3, v0;
	_ =	sdelay $0x1  }
0x39: {  	v4 =	vadd.s32 v1, v4;
	_ =	sdelay $0x4  }
0x3a: {  	[tilespmem:s23], [sflag:$0x1] =	stream.indirect_vreg.gather [hbm4b:s2+s3], $0x80, v4, vm0, $0xb8;
	[tilespmem:$0x8080] =	vst v63  }
0x3b: {  	v3 =	vperm.xlane v3, v2  }
0x3c: {  	[tilespmem:s24], [sflag:$0x1] =	stream.indirect_vreg.gather [hbm4b:s4+s3], $0x80, v4, vm0, $0xb8;
	[tilespmem:$0x8080] =	vst v63  }
0x3d: {  	v3 =	vadd.s32 v1, v3  }
0x3e: {  	[tilespmem:s25], [sflag:$0x1] =	stream.indirect_vreg.gather [hbm4b:s5+s3], $0x80, v4, vm0, $0xb8;
	[tilespmem:$0x8080] =	vst v63  }
0x3f: {  	_ = 	snop  }
0x40: {  	[tilespmem:s26], [sflag:$0x1] =	stream.indirect_vreg.gather [hbm4b:s6+s3], $0x80, v4, vm0, $0xb8;
	[tilespmem:$0x8080] =	vst v63  }
0x41: {  	_ = 	snop  }
0x42: {  	[tilespmem:s28], [sflag:$0x1] =	stream.indirect_vreg.gather [hbm4b:s2+s3], $0x80, v3, vm0, $0xb8;
	[tilespmem:$0x8080] =	vst v63  }
0x43: {  	_ = 	snop  }
0x44: {  	[tilespmem:s29], [sflag:$0x1] =	stream.indirect_vreg.gather [hbm4b:s4+s3], $0x80, v3, vm0, $0xb8;
	[tilespmem:$0x8080] =	vst v63  }
0x45: {  	_ = 	snop  }
0x46: {  	[tilespmem:s30], [sflag:$0x1] =	stream.indirect_vreg.gather [hbm4b:s5+s3], $0x80, v3, vm0, $0xb8;
	[tilespmem:$0x8080] =	vst v63  }
0x47: {  	_ = 	snop  }
0x48: {  	[tilespmem:s31], [sflag:$0x1] =	stream.indirect_vreg.gather [hbm4b:s6+s3], $0x80, v3, vm0, $0xb8;
	[tilespmem:$0x8080] =	vst v63  }
0x49: {  	_ =	swait.ge [sflag:s1], $0x8000  }
0x4a: {  	[sflag:s1] =	ssyncset.done $0x0  }
0x4b: {  	s0 =	rddreg [dreg:$0x4];
	[sflag:s1] =	ssyncadd.s32 $0xFFFF8000  }
0x4c: {  	[hbm4b:s0+s3] =	stream.linear.scatter [tilespmem:s15], [sflag:$0x2], $0x8000, $0x38;
	[tilespmem:$0x8080] =	vst v63  }
0x4d: {  	_ =	swait.ge [sflag:s14], $0x8000  }
0x4e: {  	[sflag:s14] =	ssyncset.done $0x0  }
0x4f: {  	s0 =	rddreg [dreg:$0x5];
	[sflag:s14] =	ssyncadd.s32 $0xFFFF8000  }
0x50: {  	[tilespmem:s3], [sflag:$0x2] =	stream.linear.gather [hbm4b:s0+s3], $0x20, $0x38;
	[tilespmem:$0x8080] =	vst v63  }
0x51: {  	_ =	swait.ge [sflag:s14], $0x20  }
0x52: {  	[sflag:s14] =	ssyncset.done $0x0  }
0x53: {  	[sflag:s14] =	ssyncadd.s32 $0xFFFFFFE0  }
0x54: {  	v3 =	vld [tilespmem:$0x0];
	_ =	sdelay $0x4  }
0x55: {  	v54 =	vshll.u32 v3, $0x3  }
0x56: {  	v3 =	vand.u32 $0x7, v3;
	v4 =	vand.u32 $0xFFFFFFC0, v54  }
0x57: {  	v3 =	vor.u32 v3, v4  }
0x58: {  	v4 =	vperm.xlane v3, v0;
	_ =	sdelay $0x1  }
0x59: {  	v4 =	vadd.s32 v1, v4;
	_ =	sdelay $0x4  }
0x5a: {  	[tilespmem:s15], [sflag:$0x1] =	stream.indirect_vreg.gather [hbm4b:s2+s3], $0x80, v4, vm0, $0xb8;
	[tilespmem:$0x8080] =	vst v63  }
0x5b: {  	v3 =	vperm.xlane v3, v2  }
0x5c: {  	[tilespmem:s16], [sflag:$0x1] =	stream.indirect_vreg.gather [hbm4b:s4+s3], $0x80, v4, vm0, $0xb8;
	[tilespmem:$0x8080] =	vst v63  }
0x5d: {  	v3 =	vadd.s32 v1, v3  }
0x5e: {  	[tilespmem:s17], [sflag:$0x1] =	stream.indirect_vreg.gather [hbm4b:s5+s3], $0x80, v4, vm0, $0xb8;
	[tilespmem:$0x8080] =	vst v63  }
0x5f: {  	_ = 	snop  }
0x60: {  	[tilespmem:s18], [sflag:$0x1] =	stream.indirect_vreg.gather [hbm4b:s6+s3], $0x80, v4, vm0, $0xb8;
	[tilespmem:$0x8080] =	vst v63  }
0x61: {  	_ = 	snop  }
0x62: {  	[tilespmem:s19], [sflag:$0x1] =	stream.indirect_vreg.gather [hbm4b:s2+s3], $0x80, v3, vm0, $0xb8;
	[tilespmem:$0x8080] =	vst v63  }
0x63: {  	_ = 	snop  }
0x64: {  	[tilespmem:s20], [sflag:$0x1] =	stream.indirect_vreg.gather [hbm4b:s4+s3], $0x80, v3, vm0, $0xb8;
	[tilespmem:$0x8080] =	vst v63  }
0x65: {  	_ = 	snop  }
0x66: {  	[tilespmem:s21], [sflag:$0x1] =	stream.indirect_vreg.gather [hbm4b:s5+s3], $0x80, v3, vm0, $0xb8;
	[tilespmem:$0x8080] =	vst v63  }
0x67: {  	_ = 	snop  }
0x68: {  	[tilespmem:s22], [sflag:$0x1] =	stream.indirect_vreg.gather [hbm4b:s6+s3], $0x80, v3, vm0, $0xb8;
	[tilespmem:$0x8080] =	vst v63  }
0x69: {  	v3 =	vld [tilespmem:$0x10];
	_ =	sdelay $0x4  }
0x6a: {  	v55 =	vshll.u32 v3, $0x3  }
0x6b: {  	v3 =	vand.u32 $0x7, v3;
	v4 =	vand.u32 $0xFFFFFFC0, v55  }
0x6c: {  	v3 =	vor.u32 v3, v4  }
0x6d: {  	v4 =	vperm.xlane v3, v0;
	_ =	sdelay $0x1  }
0x6e: {  	v4 =	vadd.s32 v1, v4;
	_ =	sdelay $0x4  }
0x6f: {  	[tilespmem:s23], [sflag:$0x1] =	stream.indirect_vreg.gather [hbm4b:s2+s3], $0x80, v4, vm0, $0xb8;
	[tilespmem:$0x8080] =	vst v63  }
0x70: {  	v3 =	vperm.xlane v3, v2  }
0x71: {  	[tilespmem:s24], [sflag:$0x1] =	stream.indirect_vreg.gather [hbm4b:s4+s3], $0x80, v4, vm0, $0xb8;
	[tilespmem:$0x8080] =	vst v63  }
0x72: {  	v3 =	vadd.s32 v1, v3  }
0x73: {  	[tilespmem:s25], [sflag:$0x1] =	stream.indirect_vreg.gather [hbm4b:s5+s3], $0x80, v4, vm0, $0xb8;
	[tilespmem:$0x8080] =	vst v63  }
0x74: {  	_ = 	snop  }
0x75: {  	[tilespmem:s26], [sflag:$0x1] =	stream.indirect_vreg.gather [hbm4b:s6+s3], $0x80, v4, vm0, $0xb8;
	[tilespmem:$0x8080] =	vst v63  }
0x76: {  	_ = 	snop  }
0x77: {  	[tilespmem:s28], [sflag:$0x1] =	stream.indirect_vreg.gather [hbm4b:s2+s3], $0x80, v3, vm0, $0xb8;
	[tilespmem:$0x8080] =	vst v63  }
0x78: {  	_ = 	snop  }
0x79: {  	[tilespmem:s29], [sflag:$0x1] =	stream.indirect_vreg.gather [hbm4b:s4+s3], $0x80, v3, vm0, $0xb8;
	[tilespmem:$0x8080] =	vst v63  }
0x7a: {  	_ = 	snop  }
0x7b: {  	[tilespmem:s30], [sflag:$0x1] =	stream.indirect_vreg.gather [hbm4b:s5+s3], $0x80, v3, vm0, $0xb8;
	[tilespmem:$0x8080] =	vst v63  }
0x7c: {  	_ = 	snop  }
0x7d: {  	[tilespmem:s31], [sflag:$0x1] =	stream.indirect_vreg.gather [hbm4b:s6+s3], $0x80, v3, vm0, $0xb8;
	[tilespmem:$0x8080] =	vst v63  }
0x7e: {  	_ =	swait.ge [sflag:s1], $0x8000  }
0x7f: {  	[sflag:s1] =	ssyncset.done $0x0  }
0x80: {  	s0 =	rddreg [dreg:$0x6];
	[sflag:s1] =	ssyncadd.s32 $0xFFFF8000  }
0x81: {  	[hbm4b:s0+s3] =	stream.linear.scatter [tilespmem:s15], [sflag:$0x2], $0x8000, $0x38;
	[tilespmem:$0x8080] =	vst v63  }
0x82: {  	_ =	swait.ge [sflag:s14], $0x8000  }
0x83: {  	[sflag:s14] =	ssyncset.done $0x0  }
0x84: {  	s0 =	rddreg [dreg:$0x7];
	[sflag:s14] =	ssyncadd.s32 $0xFFFF8000  }
0x85: {  	[tilespmem:s3], [sflag:$0x2] =	stream.linear.gather [hbm4b:s0+s3], $0x20, $0x38;
	[tilespmem:$0x8080] =	vst v63  }
0x86: {  	_ =	swait.ge [sflag:s14], $0x20  }
0x87: {  	[sflag:s14] =	ssyncset.done $0x0  }
0x88: {  	[sflag:s14] =	ssyncadd.s32 $0xFFFFFFE0  }
0x89: {  	v3 =	vld [tilespmem:$0x0];
	_ =	sdelay $0x4  }
0x8a: {  	v56 =	vshll.u32 v3, $0x3  }
0x8b: {  	v3 =	vand.u32 $0x7, v3;
	v4 =	vand.u32 $0xFFFFFFC0, v56  }
0x8c: {  	v3 =	vor.u32 v3, v4  }
0x8d: {  	v4 =	vperm.xlane v3, v0;
	_ =	sdelay $0x1  }
0x8e: {  	v4 =	vadd.s32 v1, v4;
	_ =	sdelay $0x4  }
0x8f: {  	[tilespmem:s15], [sflag:$0x1] =	stream.indirect_vreg.gather [hbm4b:s2+s3], $0x80, v4, vm0, $0xb8;
	[tilespmem:$0x8080] =	vst v63  }
0x90: {  	v3 =	vperm.xlane v3, v2  }
0x91: {  	[tilespmem:s16], [sflag:$0x1] =	stream.indirect_vreg.gather [hbm4b:s4+s3], $0x80, v4, vm0, $0xb8;
	[tilespmem:$0x8080] =	vst v63  }
0x92: {  	v3 =	vadd.s32 v1, v3  }
0x93: {  	[tilespmem:s17], [sflag:$0x1] =	stream.indirect_vreg.gather [hbm4b:s5+s3], $0x80, v4, vm0, $0xb8;
	[tilespmem:$0x8080] =	vst v63  }
0x94: {  	_ = 	snop  }
0x95: {  	[tilespmem:s18], [sflag:$0x1] =	stream.indirect_vreg.gather [hbm4b:s6+s3], $0x80, v4, vm0, $0xb8;
	[tilespmem:$0x8080] =	vst v63  }
0x96: {  	_ = 	snop  }
0x97: {  	[tilespmem:s19], [sflag:$0x1] =	stream.indirect_vreg.gather [hbm4b:s2+s3], $0x80, v3, vm0, $0xb8;
	[tilespmem:$0x8080] =	vst v63  }
0x98: {  	_ = 	snop  }
0x99: {  	[tilespmem:s20], [sflag:$0x1] =	stream.indirect_vreg.gather [hbm4b:s4+s3], $0x80, v3, vm0, $0xb8;
	[tilespmem:$0x8080] =	vst v63  }
0x9a: {  	_ = 	snop  }
0x9b: {  	[tilespmem:s21], [sflag:$0x1] =	stream.indirect_vreg.gather [hbm4b:s5+s3], $0x80, v3, vm0, $0xb8;
	[tilespmem:$0x8080] =	vst v63  }
0x9c: {  	_ = 	snop  }
0x9d: {  	[tilespmem:s22], [sflag:$0x1] =	stream.indirect_vreg.gather [hbm4b:s6+s3], $0x80, v3, vm0, $0xb8;
	[tilespmem:$0x8080] =	vst v63  }
0x9e: {  	v3 =	vld [tilespmem:$0x10];
	_ =	sdelay $0x4  }
0x9f: {  	v57 =	vshll.u32 v3, $0x3  }
0xa0: {  	v3 =	vand.u32 $0x7, v3;
	v4 =	vand.u32 $0xFFFFFFC0, v57  }
0xa1: {  	v3 =	vor.u32 v3, v4  }
0xa2: {  	v4 =	vperm.xlane v3, v0;
	_ =	sdelay $0x1  }
0xa3: {  	v4 =	vadd.s32 v1, v4;
	_ =	sdelay $0x4  }
0xa4: {  	[tilespmem:s23], [sflag:$0x1] =	stream.indirect_vreg.gather [hbm4b:s2+s3], $0x80, v4, vm0, $0xb8;
	[tilespmem:$0x8080] =	vst v63  }
0xa5: {  	v3 =	vperm.xlane v3, v2  }
0xa6: {  	[tilespmem:s24], [sflag:$0x1] =	stream.indirect_vreg.gather [hbm4b:s4+s3], $0x80, v4, vm0, $0xb8;
	[tilespmem:$0x8080] =	vst v63  }
0xa7: {  	v3 =	vadd.s32 v1, v3  }
0xa8: {  	[tilespmem:s25], [sflag:$0x1] =	stream.indirect_vreg.gather [hbm4b:s5+s3], $0x80, v4, vm0, $0xb8;
	[tilespmem:$0x8080] =	vst v63  }
0xa9: {  	_ = 	snop  }
0xaa: {  	[tilespmem:s26], [sflag:$0x1] =	stream.indirect_vreg.gather [hbm4b:s6+s3], $0x80, v4, vm0, $0xb8;
	[tilespmem:$0x8080] =	vst v63  }
0xab: {  	_ = 	snop  }
0xac: {  	[tilespmem:s28], [sflag:$0x1] =	stream.indirect_vreg.gather [hbm4b:s2+s3], $0x80, v3, vm0, $0xb8;
	[tilespmem:$0x8080] =	vst v63  }
0xad: {  	_ = 	snop  }
0xae: {  	[tilespmem:s29], [sflag:$0x1] =	stream.indirect_vreg.gather [hbm4b:s4+s3], $0x80, v3, vm0, $0xb8;
	[tilespmem:$0x8080] =	vst v63  }
0xaf: {  	_ = 	snop  }
0xb0: {  	[tilespmem:s30], [sflag:$0x1] =	stream.indirect_vreg.gather [hbm4b:s5+s3], $0x80, v3, vm0, $0xb8;
	[tilespmem:$0x8080] =	vst v63  }
0xb1: {  	_ = 	snop  }
0xb2: {  	[tilespmem:s31], [sflag:$0x1] =	stream.indirect_vreg.gather [hbm4b:s6+s3], $0x80, v3, vm0, $0xb8;
	[tilespmem:$0x8080] =	vst v63  }
0xb3: {  	_ =	swait.ge [sflag:s1], $0x8000  }
0xb4: {  	[sflag:s1] =	ssyncset.done $0x0  }
0xb5: {  	s0 =	rddreg [dreg:$0x8];
	[sflag:s1] =	ssyncadd.s32 $0xFFFF8000  }
0xb6: {  	[hbm4b:s0+s3] =	stream.linear.scatter [tilespmem:s15], [sflag:$0x2], $0x8000, $0x38;
	[tilespmem:$0x8080] =	vst v63  }
0xb7: {  	_ =	swait.ge [sflag:s14], $0x8000  }
0xb8: {  	[sflag:s14] =	ssyncset.done $0x0  }
0xb9: {  	[sflag:s14] =	ssyncadd.s32 $0xFFFF8000  }
0xba: {  	[tilespmem:s3], [sflag:$0x2] =	stream.linear.gather [hbm4b:s7+s3], $0x20, $0x38;
	[tilespmem:$0x8080] =	vst v63  }
0xbb: {  	_ =	swait.ge [sflag:s14], $0x20  }
0xbc: {  	[sflag:s14] =	ssyncset.done $0x0  }
0xbd: {  	[sflag:s14] =	ssyncadd.s32 $0xFFFFFFE0  }
0xbe: {  	v3 =	vld [tilespmem:$0x0];
	_ =	sdelay $0x4  }
0xbf: {  	v58 =	vshll.u32 v3, $0x3  }
0xc0: {  	v3 =	vand.u32 $0x7, v3;
	v4 =	vand.u32 $0xFFFFFFC0, v58  }
0xc1: {  	v3 =	vor.u32 v3, v4  }
0xc2: {  	v4 =	vperm.xlane v3, v0;
	_ =	sdelay $0x1  }
0xc3: {  	v4 =	vadd.s32 v1, v4;
	_ =	sdelay $0x4  }
0xc4: {  	[tilespmem:s15], [sflag:$0x1] =	stream.indirect_vreg.gather [hbm4b:s2+s3], $0x80, v4, vm0, $0xb8;
	[tilespmem:$0x8080] =	vst v63  }
0xc5: {  	v3 =	vperm.xlane v3, v2  }
0xc6: {  	[tilespmem:s16], [sflag:$0x1] =	stream.indirect_vreg.gather [hbm4b:s4+s3], $0x80, v4, vm0, $0xb8;
	[tilespmem:$0x8080] =	vst v63  }
0xc7: {  	v3 =	vadd.s32 v1, v3  }
0xc8: {  	[tilespmem:s17], [sflag:$0x1] =	stream.indirect_vreg.gather [hbm4b:s5+s3], $0x80, v4, vm0, $0xb8;
	[tilespmem:$0x8080] =	vst v63  }
0xc9: {  	_ = 	snop  }
0xca: {  	[tilespmem:s18], [sflag:$0x1] =	stream.indirect_vreg.gather [hbm4b:s6+s3], $0x80, v4, vm0, $0xb8;
	[tilespmem:$0x8080] =	vst v63  }
0xcb: {  	_ = 	snop  }
0xcc: {  	[tilespmem:s19], [sflag:$0x1] =	stream.indirect_vreg.gather [hbm4b:s2+s3], $0x80, v3, vm0, $0xb8;
	[tilespmem:$0x8080] =	vst v63  }
0xcd: {  	_ = 	snop  }
0xce: {  	[tilespmem:s20], [sflag:$0x1] =	stream.indirect_vreg.gather [hbm4b:s4+s3], $0x80, v3, vm0, $0xb8;
	[tilespmem:$0x8080] =	vst v63  }
0xcf: {  	_ = 	snop  }
0xd0: {  	[tilespmem:s21], [sflag:$0x1] =	stream.indirect_vreg.gather [hbm4b:s5+s3], $0x80, v3, vm0, $0xb8;
	[tilespmem:$0x8080] =	vst v63  }
0xd1: {  	_ = 	snop  }
0xd2: {  	[tilespmem:s22], [sflag:$0x1] =	stream.indirect_vreg.gather [hbm4b:s6+s3], $0x80, v3, vm0, $0xb8;
	[tilespmem:$0x8080] =	vst v63  }
0xd3: {  	v3 =	vld [tilespmem:$0x10];
	_ =	sdelay $0x4  }
0xd4: {  	v59 =	vshll.u32 v3, $0x3  }
0xd5: {  	v3 =	vand.u32 $0x7, v3;
	v4 =	vand.u32 $0xFFFFFFC0, v59  }
0xd6: {  	v3 =	vor.u32 v3, v4  }
0xd7: {  	v4 =	vperm.xlane v3, v0;
	_ =	sdelay $0x1  }
0xd8: {  	v4 =	vadd.s32 v1, v4;
	_ =	sdelay $0x4  }
0xd9: {  	[tilespmem:s23], [sflag:$0x1] =	stream.indirect_vreg.gather [hbm4b:s2+s3], $0x80, v4, vm0, $0xb8;
	[tilespmem:$0x8080] =	vst v63  }
0xda: {  	v3 =	vperm.xlane v3, v2  }
0xdb: {  	[tilespmem:s24], [sflag:$0x1] =	stream.indirect_vreg.gather [hbm4b:s4+s3], $0x80, v4, vm0, $0xb8;
	[tilespmem:$0x8080] =	vst v63  }
0xdc: {  	v3 =	vadd.s32 v1, v3  }
0xdd: {  	[tilespmem:s25], [sflag:$0x1] =	stream.indirect_vreg.gather [hbm4b:s5+s3], $0x80, v4, vm0, $0xb8;
	[tilespmem:$0x8080] =	vst v63  }
0xde: {  	_ = 	snop  }
0xdf: {  	[tilespmem:s26], [sflag:$0x1] =	stream.indirect_vreg.gather [hbm4b:s6+s3], $0x80, v4, vm0, $0xb8;
	[tilespmem:$0x8080] =	vst v63  }
0xe0: {  	_ = 	snop  }
0xe1: {  	[tilespmem:s28], [sflag:$0x1] =	stream.indirect_vreg.gather [hbm4b:s2+s3], $0x80, v3, vm0, $0xb8;
	[tilespmem:$0x8080] =	vst v63  }
0xe2: {  	_ = 	snop  }
0xe3: {  	[tilespmem:s29], [sflag:$0x1] =	stream.indirect_vreg.gather [hbm4b:s4+s3], $0x80, v3, vm0, $0xb8;
	[tilespmem:$0x8080] =	vst v63  }
0xe4: {  	_ = 	snop  }
0xe5: {  	[tilespmem:s30], [sflag:$0x1] =	stream.indirect_vreg.gather [hbm4b:s5+s3], $0x80, v3, vm0, $0xb8;
	[tilespmem:$0x8080] =	vst v63  }
0xe6: {  	_ = 	snop  }
0xe7: {  	[tilespmem:s31], [sflag:$0x1] =	stream.indirect_vreg.gather [hbm4b:s6+s3], $0x80, v3, vm0, $0xb8;
	[tilespmem:$0x8080] =	vst v63  }
0xe8: {  	_ =	swait.ge [sflag:s1], $0x8000  }
0xe9: {  	[sflag:s1] =	ssyncset.done $0x0  }
0xea: {  	[sflag:s1] =	ssyncadd.s32 $0xFFFF8000  }
0xeb: {  	[hbm4b:s8+s3] =	stream.linear.scatter [tilespmem:s15], [sflag:$0x2], $0x8000, $0x38;
	[tilespmem:$0x8080] =	vst v63  }
0xec: {  	_ =	swait.ge [sflag:s14], $0x8000  }
0xed: {  	[sflag:s14] =	ssyncset.done $0x0  }
0xee: {  	[sflag:s14] =	ssyncadd.s32 $0xFFFF8000  }
0xef: {  	[tilespmem:s3], [sflag:$0x2] =	stream.linear.gather [hbm4b:s9+s3], $0x20, $0x38;
	[tilespmem:$0x8080] =	vst v63  }
0xf0: {  	_ =	swait.ge [sflag:s14], $0x20  }
0xf1: {  	[sflag:s14] =	ssyncset.done $0x0  }
0xf2: {  	[sflag:s14] =	ssyncadd.s32 $0xFFFFFFE0  }
0xf3: {  	v3 =	vld [tilespmem:$0x0];
	_ =	sdelay $0x4  }
0xf4: {  	v60 =	vshll.u32 v3, $0x3  }
0xf5: {  	v3 =	vand.u32 $0x7, v3;
	v4 =	vand.u32 $0xFFFFFFC0, v60  }
0xf6: {  	v3 =	vor.u32 v3, v4  }
0xf7: {  	v4 =	vperm.xlane v3, v0;
	_ =	sdelay $0x1  }
0xf8: {  	v4 =	vadd.s32 v1, v4;
	_ =	sdelay $0x4  }
0xf9: {  	[tilespmem:s15], [sflag:$0x1] =	stream.indirect_vreg.gather [hbm4b:s2+s3], $0x80, v4, vm0, $0xb8;
	[tilespmem:$0x8080] =	vst v63  }
0xfa: {  	v3 =	vperm.xlane v3, v2  }
0xfb: {  	[tilespmem:s16], [sflag:$0x1] =	stream.indirect_vreg.gather [hbm4b:s4+s3], $0x80, v4, vm0, $0xb8;
	[tilespmem:$0x8080] =	vst v63  }
0xfc: {  	v3 =	vadd.s32 v1, v3  }
0xfd: {  	[tilespmem:s17], [sflag:$0x1] =	stream.indirect_vreg.gather [hbm4b:s5+s3], $0x80, v4, vm0, $0xb8;
	[tilespmem:$0x8080] =	vst v63  }
0xfe: {  	_ = 	snop  }
0xff: {  	[tilespmem:s18], [sflag:$0x1] =	stream.indirect_vreg.gather [hbm4b:s6+s3], $0x80, v4, vm0, $0xb8;
	[tilespmem:$0x8080] =	vst v63  }
0x100: {  	_ = 	snop  }
0x101: {  	[tilespmem:s19], [sflag:$0x1] =	stream.indirect_vreg.gather [hbm4b:s2+s3], $0x80, v3, vm0, $0xb8;
	[tilespmem:$0x8080] =	vst v63  }
0x102: {  	_ = 	snop  }
0x103: {  	[tilespmem:s20], [sflag:$0x1] =	stream.indirect_vreg.gather [hbm4b:s4+s3], $0x80, v3, vm0, $0xb8;
	[tilespmem:$0x8080] =	vst v63  }
0x104: {  	_ = 	snop  }
0x105: {  	[tilespmem:s21], [sflag:$0x1] =	stream.indirect_vreg.gather [hbm4b:s5+s3], $0x80, v3, vm0, $0xb8;
	[tilespmem:$0x8080] =	vst v63  }
0x106: {  	_ = 	snop  }
0x107: {  	[tilespmem:s22], [sflag:$0x1] =	stream.indirect_vreg.gather [hbm4b:s6+s3], $0x80, v3, vm0, $0xb8;
	[tilespmem:$0x8080] =	vst v63  }
0x108: {  	v3 =	vld [tilespmem:$0x10];
	_ =	sdelay $0x4  }
0x109: {  	v61 =	vshll.u32 v3, $0x3  }
0x10a: {  	v3 =	vand.u32 $0x7, v3;
	v4 =	vand.u32 $0xFFFFFFC0, v61  }
0x10b: {  	v3 =	vor.u32 v3, v4  }
0x10c: {  	v4 =	vperm.xlane v3, v0;
	_ =	sdelay $0x1  }
0x10d: {  	v4 =	vadd.s32 v1, v4;
	_ =	sdelay $0x4  }
0x10e: {  	[tilespmem:s23], [sflag:$0x1] =	stream.indirect_vreg.gather [hbm4b:s2+s3], $0x80, v4, vm0, $0xb8;
	[tilespmem:$0x8080] =	vst v63  }
0x10f: {  	v3 =	vperm.xlane v3, v2  }
0x110: {  	[tilespmem:s24], [sflag:$0x1] =	stream.indirect_vreg.gather [hbm4b:s4+s3], $0x80, v4, vm0, $0xb8;
	[tilespmem:$0x8080] =	vst v63  }
0x111: {  	v3 =	vadd.s32 v1, v3  }
0x112: {  	[tilespmem:s25], [sflag:$0x1] =	stream.indirect_vreg.gather [hbm4b:s5+s3], $0x80, v4, vm0, $0xb8;
	[tilespmem:$0x8080] =	vst v63  }
0x113: {  	_ = 	snop  }
0x114: {  	[tilespmem:s26], [sflag:$0x1] =	stream.indirect_vreg.gather [hbm4b:s6+s3], $0x80, v4, vm0, $0xb8;
	[tilespmem:$0x8080] =	vst v63  }
0x115: {  	_ = 	snop  }
0x116: {  	[tilespmem:s28], [sflag:$0x1] =	stream.indirect_vreg.gather [hbm4b:s2+s3], $0x80, v3, vm0, $0xb8;
	[tilespmem:$0x8080] =	vst v63  }
0x117: {  	_ = 	snop  }
0x118: {  	[tilespmem:s29], [sflag:$0x1] =	stream.indirect_vreg.gather [hbm4b:s4+s3], $0x80, v3, vm0, $0xb8;
	[tilespmem:$0x8080] =	vst v63  }
0x119: {  	_ = 	snop  }
0x11a: {  	[tilespmem:s30], [sflag:$0x1] =	stream.indirect_vreg.gather [hbm4b:s5+s3], $0x80, v3, vm0, $0xb8;
	[tilespmem:$0x8080] =	vst v63  }
0x11b: {  	_ = 	snop  }
0x11c: {  	[tilespmem:s31], [sflag:$0x1] =	stream.indirect_vreg.gather [hbm4b:s6+s3], $0x80, v3, vm0, $0xb8;
	[tilespmem:$0x8080] =	vst v63  }
0x11d: {  	_ =	swait.ge [sflag:s1], $0x8000  }
0x11e: {  	[sflag:s1] =	ssyncset.done $0x0  }
0x11f: {  	[sflag:s1] =	ssyncadd.s32 $0xFFFF8000  }
0x120: {  	[hbm4b:s10+s3] =	stream.linear.scatter [tilespmem:s15], [sflag:$0x2], $0x8000, $0x38;
	[tilespmem:$0x8080] =	vst v63  }
0x121: {  	_ =	swait.ge [sflag:s14], $0x8000  }
0x122: {  	[sflag:s14] =	ssyncset.done $0x0  }
0x123: {  	[sflag:s14] =	ssyncadd.s32 $0xFFFF8000  }
0x124: {  	[tilespmem:s3], [sflag:$0x2] =	stream.linear.gather [hbm4b:s11+s3], $0x20, $0x38;
	[tilespmem:$0x8080] =	vst v63  }
0x125: {  	_ =	swait.ge [sflag:s14], $0x20  }
0x126: {  	[sflag:s14] =	ssyncset.done $0x0  }
0x127: {  	[sflag:s14] =	ssyncadd.s32 $0xFFFFFFE0  }
0x128: {  	v3 =	vld [tilespmem:$0x0];
	_ =	sdelay $0x4  }
0x129: {  	v62 =	vshll.u32 v3, $0x3  }
0x12a: {  	v3 =	vand.u32 $0x7, v3;
	v4 =	vand.u32 $0xFFFFFFC0, v62  }
0x12b: {  	v3 =	vor.u32 v3, v4  }
0x12c: {  	v4 =	vperm.xlane v3, v0;
	_ =	sdelay $0x1  }
0x12d: {  	v4 =	vadd.s32 v1, v4;
	_ =	sdelay $0x4  }
0x12e: {  	[tilespmem:s15], [sflag:$0x1] =	stream.indirect_vreg.gather [hbm4b:s2+s3], $0x80, v4, vm0, $0xb8;
	[tilespmem:$0x8080] =	vst v63  }
0x12f: {  	v3 =	vperm.xlane v3, v2  }
0x130: {  	[tilespmem:s16], [sflag:$0x1] =	stream.indirect_vreg.gather [hbm4b:s4+s3], $0x80, v4, vm0, $0xb8;
	[tilespmem:$0x8080] =	vst v63  }
0x131: {  	v3 =	vadd.s32 v1, v3  }
0x132: {  	[tilespmem:s17], [sflag:$0x1] =	stream.indirect_vreg.gather [hbm4b:s5+s3], $0x80, v4, vm0, $0xb8;
	[tilespmem:$0x8080] =	vst v63  }
0x133: {  	_ = 	snop  }
0x134: {  	[tilespmem:s18], [sflag:$0x1] =	stream.indirect_vreg.gather [hbm4b:s6+s3], $0x80, v4, vm0, $0xb8;
	[tilespmem:$0x8080] =	vst v63  }
0x135: {  	_ = 	snop  }
0x136: {  	[tilespmem:s19], [sflag:$0x1] =	stream.indirect_vreg.gather [hbm4b:s2+s3], $0x80, v3, vm0, $0xb8;
	[tilespmem:$0x8080] =	vst v63  }
0x137: {  	_ = 	snop  }
0x138: {  	[tilespmem:s20], [sflag:$0x1] =	stream.indirect_vreg.gather [hbm4b:s4+s3], $0x80, v3, vm0, $0xb8;
	[tilespmem:$0x8080] =	vst v63  }
0x139: {  	_ = 	snop  }
0x13a: {  	[tilespmem:s21], [sflag:$0x1] =	stream.indirect_vreg.gather [hbm4b:s5+s3], $0x80, v3, vm0, $0xb8;
	[tilespmem:$0x8080] =	vst v63  }
0x13b: {  	_ = 	snop  }
0x13c: {  	[tilespmem:s22], [sflag:$0x1] =	stream.indirect_vreg.gather [hbm4b:s6+s3], $0x80, v3, vm0, $0xb8;
	[tilespmem:$0x8080] =	vst v63  }
0x13d: {  	v3 =	vld [tilespmem:$0x10];
	_ =	sdelay $0x4  }
0x13e: {  	v63 =	vshll.u32 v3, $0x3  }
0x13f: {  	v3 =	vand.u32 $0x7, v3;
	v4 =	vand.u32 $0xFFFFFFC0, v63  }
0x140: {  	v3 =	vor.u32 v3, v4  }
0x141: {  	v4 =	vperm.xlane v3, v0;
	_ =	sdelay $0x1  }
0x142: {  	v4 =	vadd.s32 v1, v4;
	_ =	sdelay $0x4  }
0x143: {  	[tilespmem:s23], [sflag:$0x1] =	stream.indirect_vreg.gather [hbm4b:s2+s3], $0x80, v4, vm0, $0xb8;
	[tilespmem:$0x8080] =	vst v63  }
0x144: {  	v3 =	vperm.xlane v3, v2  }
0x145: {  	[tilespmem:s24], [sflag:$0x1] =	stream.indirect_vreg.gather [hbm4b:s4+s3], $0x80, v4, vm0, $0xb8;
	[tilespmem:$0x8080] =	vst v63  }
0x146: {  	v3 =	vadd.s32 v1, v3  }
0x147: {  	[tilespmem:s25], [sflag:$0x1] =	stream.indirect_vreg.gather [hbm4b:s5+s3], $0x80, v4, vm0, $0xb8;
	[tilespmem:$0x8080] =	vst v63  }
0x148: {  	_ = 	snop  }
0x149: {  	[tilespmem:s26], [sflag:$0x1] =	stream.indirect_vreg.gather [hbm4b:s6+s3], $0x80, v4, vm0, $0xb8;
	[tilespmem:$0x8080] =	vst v63  }
0x14a: {  	_ = 	snop  }
0x14b: {  	[tilespmem:s28], [sflag:$0x1] =	stream.indirect_vreg.gather [hbm4b:s2+s3], $0x80, v3, vm0, $0xb8;
	[tilespmem:$0x8080] =	vst v63  }
0x14c: {  	_ = 	snop  }
0x14d: {  	[tilespmem:s29], [sflag:$0x1] =	stream.indirect_vreg.gather [hbm4b:s4+s3], $0x80, v3, vm0, $0xb8;
	[tilespmem:$0x8080] =	vst v63  }
0x14e: {  	_ = 	snop  }
0x14f: {  	[tilespmem:s30], [sflag:$0x1] =	stream.indirect_vreg.gather [hbm4b:s5+s3], $0x80, v3, vm0, $0xb8;
	[tilespmem:$0x8080] =	vst v63  }
0x150: {  	_ = 	snop  }
0x151: {  	[tilespmem:s31], [sflag:$0x1] =	stream.indirect_vreg.gather [hbm4b:s6+s3], $0x80, v3, vm0, $0xb8;
	[tilespmem:$0x8080] =	vst v63  }
0x152: {  	_ =	swait.ge [sflag:s1], $0x8000  }
0x153: {  	p0 =	sne.s32 s13, $0x1;
	[sflag:s1] =	ssyncset.done $0x0  }
.Ltmp0:
0x154: {  	[sflag:s1] =	ssyncadd.s32 $0xFFFF8000;
	(pc) =	sbr.rel @p0 .LBB2_1-.Ltmp0, $4  }
0x155: {  	[hbm4b:s12+s3] =	stream.linear.scatter [tilespmem:s15], [sflag:$0x2], $0x8000, $0x38;
	[tilespmem:$0x8080] =	vst v63  }
0x156: {  	_ =	swait.ge [sflag:s14], $0x8000  }
0x157: {  	[sflag:s14] =	ssyncset.done $0x0  }
0x158: {  	s13 =	sadd.s32 $0xFFFFFFFF, s13;
	[sflag:s14] =	ssyncadd.s32 $0xFFFF8000  }
0x159: {  	_ =	sfence.sel $0x180000  }
0x15a: {  	[bflag:$0x0] =	sbarrier.arrive $0xFFFF  }
0x15b: {  	_ =	strace $0x90000050  }
0x15c: {  	s0 =	stileid.u32;
	[bflag:$0x2] =	sbarrier.arrive $0xFFFF  }
0x15d: {  	p0 =	sne.s32 s0, $0x0;
	s0 =	rddreg [dreg:$0x2]  }
0x15e: {  	s0 =	sadd.s32 @!p0 $0x100000, s0  }
0x15f: {  	[sflag:s0] =	ssyncadd.tile.s32 @!p0 $0x1;
	_ =	shalt  }
.Lfunc_end2:
_tile_overlayer_lowered:
.L_overlay_start_2:
0x160: {  	(tag) =	ssettag $0x2  }
0x161: {  	s0 =	rddreg [dreg:$0x0];
	s2 =	stileid.u32  }
0x162: {  	s1 =	rddreg [dreg:$0x1];
	p0 =	sne.s32 s2, $0x0  }
0x163: {  	s3 =	rddreg [dreg:$0x2];
	[bflag:$0x3] =	sbarrier.arrive $0xFFFF;
	s2 =	simm.s32 @!p0 $0x1C02  }
0x164: {  	[timem:s3], [sflag:s2] =	dma.local @!p0 [hbm:s0], s1  }
0x165: {  	s0 =	simm.s32 @!p0 $0x2  }
0x166: {  	_ =	swait.ge @!p0 [sflag:s0], s1  }
0x167: {  	s1 =	ssub.s32 @!p0 $0x0, s1;
	[sflag:s0] =	ssyncset.done @!p0 $0x0  }
0x168: {  	[sflag:s0] =	ssyncadd.s32 @!p0 s1  }
0x169: {  	[bflag:$0x3] =	sbarrier.arrive $0xFFFF  }
0x16a: {  	_ =	shalt  }

// kernel: kernel.14.cloned.1.call-start
scs
__scs_entry_jumppad:
0x0: {  	(pc) =	sbr.rel $0x88, $3  }
0x1: {  	(tag) =	ssettag $0x0;
	lr =	simm.s32 $0x1  }
0x2: {  	[smem:$0x3F92] =	sst lr;
	_ =	strace $0xD0000000  }
0x3: {  	_ = 	snop  }
0x4: {  	_ = 	snop  }
0x5: {  	_ = 	snop  }
0x6: {  	_ = 	snop  }
0x7: {  	_ = 	snop  }
__scs_overlays_trampoline_lowered:
0x8: {  	[smem:$0x3FA1] =	sst s0  }
0x9: {  	[smem:$0x3FA2] =	sst s1  }
0xa: {  	[smem:$0x3FA3] =	sst s2  }
0xb: {  	[smem:$0x3FA4] =	sst s3  }
0xc: {  	[smem:$0x3FA5] =	sst s4  }
0xd: {  	[smem:$0x3FA6] =	sst s5  }
0xe: {  	[smem:$0x3FA7] =	sst s6  }
0xf: {  	[smem:$0x3FA8] =	sst s7  }
0x10: {  	[smem:$0x3FA9] =	sst s8  }
0x11: {  	[smem:$0x3FAA] =	sst s9;
	s0 =	simm.s32 @!p0 $0x0  }
0x12: {  	s1 =	sld [smem:$0x3F90];
	s0 =	simm.s32 @p0 $0x1  }
0x13: {  	[smem:$0x3FAB] =	sst s0;
	s0 =	simm.s32 @!p1 $0x0  }
0x14: {  	s2 =	sld [smem:$0x3F8F];
	s0 =	simm.s32 @p1 $0x1  }
0x15: {  	[smem:$0x3FAC] =	sst s0;
	s0 =	simm.s32 @!p2 $0x0  }
0x16: {  	s3 =	sld [smem:$0x3FDB];
	s0 =	simm.s32 @p2 $0x1  }
0x17: {  	s4 =	simm.s32 $0x1BF5;
	[smem:$0x3FAE] =	sst s0  }
0x18: {  	s0 =	sld [smem:$0x3F91];
	_ =	swait.ge [sflag:s4], $0x0  }
0x19: {  	s7 =	sld [smem:$0x3F92]  }
0x1a: {  	s8 =	sadd.s32 $0xFFFFE003, lr  }
0x1b: {  	s9 =	sadd.s32 $0xFFFFFEF7, lr;
	s5 =	simm.s32 $0xFFFFFFFF;
	p2 =	slt.u32 s8, $0xFFFFF086  }
0x1c: {  	p1 =	slt.u32 s9, $0xF7A;
	s5 =	simm.s32 @!p2 $0x0  }
0x1d: {  	s5 =	simm.s32 @p1 $0x1;
	p0 =	seq.s32 s7, s2  }
0x1e: {  	s7 =	smul.u32 @!p0 $0xF7A, s2;
	p2 =	seq.s32 @!p0 s5, $0x0  }
0x1f: {  	s9 =	smul.u32 $0xF7A, s1;
	s8 =	simm.s32 @!p0 $0x1BF5;
	p2 =	por !p2, p0  }
0x20: {  	[sflag:s8] =	ssyncset.s32 @!p0 $0xFFFFF086;
	s6 =	sadd.s32 @!p0 s3, s7;
	s7 =	simm.s32 @!p0 $0x108  }
0x21: {  	s3 =	sadd.s32 s3, s9;
	s6 =	sadd.s32 @!p0 $0x88, s6;
	s7 =	simm.s32 @p2 $0x1082  }
0x22: {  	[simem:s7], [sflag:s8] =	dma.local @!p0 [hbm:s6], $0xF7A  }
0x23: {  	s9 =	sor.u32 $0xD0000000, s2;
	s6 =	simm.s32 $0x108;
	_ =	swait.ge @!p0 [sflag:s8], $0x0  }
0x24: {  	s3 =	sadd.s32 $0x88, s3;
	s6 =	simm.s32 @!p1 $0x1082;
	[sflag:s4] =	ssyncset.s32 $0xFFFFF086  }
0x25: {  	[simem:s6], [sflag:s4] =	dma.local [hbm:s3], $0xF7A  }
0x26: {  	[smem:$0x3F92] =	sst s1;
	(tag) =	ssettag s2;
	_ =	strace s9  }
0x27: {  	s1 =	sld [smem:$0x3FA2]  }
0x28: {  	s2 =	sld [smem:$0x3FA3]  }
0x29: {  	s4 =	sld [smem:$0x3FA5]  }
0x2a: {  	p0 =	seq.s32 s5, $0x0;
	s5 =	sld [smem:$0x3FA6]  }
0x2b: {  	s6 =	sld [smem:$0x3FA7]  }
0x2c: {  	s7 =	sld [smem:$0x3FA8]  }
0x2d: {  	s3 =	simm.s32 $0x108;
	s8 =	sld [smem:$0x3FA9]  }
0x2e: {  	s3 =	simm.s32 @!p0 $0x1082;
	s9 =	sld [smem:$0x3FAA]  }
0x2f: {  	lr =	sadd.s32 s0, s3;
	s0 =	sld [smem:$0x3FA1]  }
0x30: {  	s3 =	sld [smem:$0x3FA4]  }
0x31: {  	[smem:$0x3FAD] =	sst s10  }
0x32: {  	s10 =	sld [smem:$0x3FAB];
	_ =	sdelay $0x3  }
0x33: {  	p0 =	seq.s32 s10, $0x1;
	s10 =	sld [smem:$0x3FAD];
	_ =	sdelay $0x3  }
0x34: {  	[smem:$0x3FAD] =	sst s10  }
0x35: {  	s10 =	sld [smem:$0x3FAC];
	_ =	sdelay $0x3  }
0x36: {  	p1 =	seq.s32 s10, $0x1;
	s10 =	sld [smem:$0x3FAD];
	_ =	sdelay $0x3  }
0x37: {  	[smem:$0x3FAD] =	sst s10  }
0x38: {  	s10 =	sld [smem:$0x3FAE]  }
0x39: {  	_ = 	snop;
	(pc) =	sbr.ind lr, $3  }
0x3a: {  	_ = 	snop  }
0x3b: {  	_ = 	snop  }
0x3c: {  	p2 =	seq.s32 s10, $0x1;
	s10 =	sld [smem:$0x3FAD]  }
0x3d: {  	_ =	shalt  }
0x3e: {  	_ =	shalt  }
0x3f: {  	_ =	shalt  }
0x40: {  	_ =	shalt  }
0x41: {  	_ =	shalt  }
0x42: {  	_ =	shalt  }
0x43: {  	_ =	shalt  }
0x44: {  	_ =	shalt  }
0x45: {  	_ =	shalt  }
0x46: {  	_ =	shalt  }
0x47: {  	_ =	shalt  }
0x48: {  	_ =	shalt  }
0x49: {  	_ =	shalt  }
0x4a: {  	_ =	shalt  }
0x4b: {  	_ =	shalt  }
0x4c: {  	_ =	shalt  }
0x4d: {  	_ =	shalt  }
0x4e: {  	_ =	shalt  }
0x4f: {  	_ =	shalt  }
0x50: {  	_ =	shalt  }
0x51: {  	_ =	shalt  }
0x52: {  	_ =	shalt  }
0x53: {  	_ =	shalt  }
0x54: {  	_ =	shalt  }
0x55: {  	_ =	shalt  }
0x56: {  	_ =	shalt  }
0x57: {  	_ =	shalt  }
0x58: {  	_ =	shalt  }
0x59: {  	_ =	shalt  }
0x5a: {  	_ =	shalt  }
0x5b: {  	_ =	shalt  }
0x5c: {  	_ =	shalt  }
0x5d: {  	_ =	shalt  }
0x5e: {  	_ =	shalt  }
0x5f: {  	_ =	shalt  }
0x60: {  	_ =	shalt  }
0x61: {  	_ =	shalt  }
0x62: {  	_ =	shalt  }
0x63: {  	_ =	shalt  }
0x64: {  	_ =	shalt  }
0x65: {  	_ =	shalt  }
0x66: {  	_ =	shalt  }
0x67: {  	_ =	shalt  }
0x68: {  	_ =	shalt  }
0x69: {  	_ =	shalt  }
0x6a: {  	_ =	shalt  }
0x6b: {  	_ =	shalt  }
0x6c: {  	_ =	shalt  }
0x6d: {  	_ =	shalt  }
0x6e: {  	_ =	shalt  }
0x6f: {  	_ =	shalt  }
0x70: {  	_ =	shalt  }
0x71: {  	_ =	shalt  }
0x72: {  	_ =	shalt  }
0x73: {  	_ =	shalt  }
0x74: {  	_ =	shalt  }
0x75: {  	_ =	shalt  }
0x76: {  	_ =	shalt  }
0x77: {  	_ =	shalt  }
0x78: {  	_ =	shalt  }
0x79: {  	_ =	shalt  }
0x7a: {  	_ =	shalt  }
0x7b: {  	_ =	shalt  }
0x7c: {  	_ =	shalt  }
0x7d: {  	_ =	shalt  }
0x7e: {  	_ =	shalt  }
0x7f: {  	_ =	shalt  }
0x80: {  	_ =	shalt  }
0x81: {  	_ =	shalt  }
0x82: {  	_ =	shalt  }
0x83: {  	_ =	shalt  }
0x84: {  	_ =	shalt  }
0x85: {  	_ =	shalt  }
0x86: {  	_ =	shalt  }
0x87: {  	_ =	shalt  }
.Lfunc_end0:
.L_simem_size_0:
called_computation.4_lowered:
.L_overlay_start_0:
0x88: {  	s2 =	sld [smem:$0x3FD9]  }
0x89: {  	s3 =	sld [smem:$0x3FFE];
	_ =	sdelay $0x1  }
0x8a: {  	s1 =	srdreg.scid  }
0x8b: {  	s0 =	sand.u32 $0x1, s1  }
0x8c: {  	s16 =	sshll.u32 s0, $0xA;
	s2 =	sadd.s32 s3, s2  }
0x8d: {  	s2 =	sadd.s32 s2, s16  }
0x8e: {  	[smem:$0x3FB9] =	sst s2  }
0x8f: {  	_ = 	snop  }
0x90: {  	(tm) =	ssettm $0x1  }
0x91: {  	s17 =	sld [smem:$0x3FFB];
	_ =	sdelay $0x3  }
0x92: {  	_ =	strace s17  }
0x93: {  	s2 =	sld [smem:$0x3FFC];
	_ =	sdelay $0x3  }
0x94: {  	_ =	strace s2  }
0x95: {  	s2 =	sld [smem:$0x3FFD];
	_ =	sdelay $0x3  }
0x96: {  	_ =	strace s2  }
0x97: {  	_ =	strace $0x8FFFFFFF  }
0x98: {  	s18 =	sld [smem:$0x3FDB];
	_ =	sdelay $0x1  }
0x99: {  	s19 =	simm.s32 $_scs_section_size  }
0x9a: {  	s4 =	simm.s32 $_size__tile_overlayer_lowered;
	s5 =	simm.s32 $_tile_overlayer_lowered  }
0x9b: {  	s22 =	simm.s32 $0x1BFF;
	s21 =	sshll.u32 s5, $0x1;
	s2 =	sadd.s32 s19, s18  }
0x9c: {  	s6 =	simm.s32 $0x0;
	s20 =	sshll.u32 s4, $0x1;
	s4 =	sadd.s32 s21, s2  }
0x9d: {  	[timem:s6], [sflag:s22] =	dma.local [hbm:s4], s20  }
0x9e: {  	_ =	swait.ge [sflag:s22], s20  }
0x9f: {  	s3 =	ssub.s32 $0x0, s20;
	[sflag:s22] =	ssyncset.done $0x0  }
0xa0: {  	[sflag:s22] =	ssyncadd.s32 s3;
	_ =	sdelay $0x1  }
0xa1: {  	s23 =	simm.s32 $0x1B8B  }
0xa2: {  	_ =	swait.ge [sflag:s23], $0x1  }
0xa3: {  	[sflag:s23] =	ssyncset.done $0x0  }
0xa4: {  	s25 =	simm.s32 $0x1B8E;
	s24 =	sld [smem:$0x3FFE];
	[sflag:s23] =	ssyncadd.s32 $0xFFFFFFFF  }
0xa5: {  	s26 =	simm.s32 $execute0_lowered;
	[smem:$0x3FD2] =	sst s25  }
0xa6: {  	s4 =	sshll.u32 s26, $0x1;
	_ =	strace $0x80000052;
	[dreg:$0x1] =	wrdreg $0xFFFFFFFF  }
0xa7: {  	s28 =	simm.s32 $_size_execute0_lowered;
	s2 =	sadd.s32 s2, s4;
	[dreg:$0x0] =	wrdreg $0x0  }
0xa8: {  	s4 =	sshll.u32 s28, $0x1;
	[dreg:$0x2] =	wrdreg s2  }
0xa9: {  	[dreg:$0x3] =	wrdreg s4  }
0xaa: {  	[dreg:$0x4] =	wrdreg $0xC0  }
0xab: {  	_ =	task [dreg:s6], $0x5FFFF  }
0xac: {  	[dreg:$0x1] =	wrdreg $0xFFFFFFFF  }
0xad: {  	[dreg:$0x0] =	wrdreg $0x60  }
0xae: {  	[dreg:$0x2] =	wrdreg s24  }
0xaf: {  	[dreg:$0x3] =	wrdreg $0x9  }
0xb0: {  	_ =	task.clear_ibuf [dreg:s6], $0x4FFFF;
	_ =	strace $0x90000052  }
0xb1: {  	s29 =	simm.s32 $0x9;
	_ =	strace $0x80000054  }
0xb2: {  	_ =	swait.ge [sflag:s29], $0x1  }
0xb3: {  	[sflag:s29] =	ssyncadd.s32 $0xFFFFFFFF  }
0xb4: {  	_ =	strace $0x90000054  }
0xb5: {  	_ =	sfence  }
0xb6: {  	s30 =	sld [smem:$0x0];
	_ =	sdelay $0x2  }
0xb7: {  	s31 =	sshll.u32 s1, $0xD;
	s1 =	sshrl.u32 s1, $0x2  }
0xb8: {  	s3 =	sand.u32 $0x4000, s31;
	s1 =	sadd.s32 s1, s30  }
0xb9: {  	s0 =	sor.u32 s3, s0;
	s1 =	sshll.u32 s1, $0x11  }
0xba: {  	s0 =	sor.u32 s1, s0  }
0xbb: {  	s0 =	sadd.s32 $0x8F2B, s0  }
0xbc: {  	[sflag:s0] =	ssyncadd.remote.s32 $0x1  }
0xbd: {  	_ =	sfence.sel $0xFFFF  }
0xbe: {  	[dreg:$0x0] =	wrdreg $0xFFFFFFFF;
	(pc) =	sbr.abs _section_cstart, $3  }
0xbf: {  	[dreg:$0x1] =	wrdreg $0xFFFFFFFF  }
0xc0: {  	_ =	task.clear_ibuf [dreg:s6], $0x2FFFF;
	_ =	strace $0x9FFFFFFF  }
0xc1: {  	(tm) =	ssettm $0x7FFFFFFF  }
tec
execute0_lowered:
.L_overlay_start_1:
0x0: {  	(tag) =	ssettag $0x1  }
0x1: {  	s0 =	rddreg [dreg:$0x0];
	s3 =	srdreg.scid  }
0x2: {  	s2 =	simm.s32 $0x0;
	s1 =	stileid.u32;
	s15 =	simm.s32 $0x80  }
0x3: {  	s16 =	simm.s32 $0x880;
	s17 =	simm.s32 $0x1080;
	s18 =	simm.s32 $0x1880  }
0x4: {  	s28 =	simm.s32 $0x6080;
	s29 =	simm.s32 $0x6880;
	s30 =	simm.s32 $0x7080  }
0x5: {  	s31 =	simm.s32 $0x7880;
	s4 =	sand.u32 $0x1, s3;
	[smem:$0x7FF] =	sst s2  }
0x6: {  	s5 =	sshll.u32 s1, $0x8;
	s3 =	sadd.s32 $0x104200, s0;
	s11 =	sadd.s32 $0x104000, s0  }
0x7: {  	s12 =	sadd.s32 $0x43400, s0;
	s6 =	sshll.u32 s4, $0x7;
	s4 =	ssub.s32 $0x2, s4  }
0x8: {  	_ =	strace $0x80000053;
	s10 =	sor.u32 s6, s5;
	s19 =	sshrl.u32 s4, $0x1  }
0x9: {  	s6 =	sadd.s32 $0x104500, s0;
	s5 =	sshrl.u32 s10, $0x3;
	s13 =	ssub.s32 s4, s19  }
0xa: {  	s20 =	sshll.u32 s10, $0x7;
	s4 =	sadd.s32 $0x104300, s0;
	s21 =	sor.u32 $0x20, s10  }
0xb: {  	s14 =	sor.u32 $0x40, s10;
	s25 =	sor.u32 $0x60, s10;
	s19 =	simm.s32 $0x2080  }
0xc: {  	s5 =	sadd.s32 s11, s5;
	s7 =	sadd.s32 s12, s20;
	s22 =	sshrl.u32 s21, $0x3  }
0xd: {  	s23 =	sshrl.u32 s14, $0x3;
	s24 =	sshll.u32 s14, $0x7;
	s26 =	sshrl.u32 s25, $0x3  }
0xe: {  	s14 =	sshll.u32 s25, $0x7;
	s13 =	smax.u32 s13, $0x1;
	s20 =	simm.s32 $0x2880  }
0xf: {  	s25 =	simm.s32 $0x5080;
	[dreg:$0x2] =	wrdreg s5;
	s5 =	sadd.s32 $0x104400, s0  }
0x10: {  	[dreg:$0x3] =	wrdreg s7;
	s0 =	sshll.u32 s21, $0x7;
	s7 =	sadd.s32 s11, s22  }
0x11: {  	s9 =	sadd.s32 s11, s23;
	s10 =	sadd.s32 s12, s24;
	s11 =	sadd.s32 s11, s26  }
0x12: {  	v2 =	vlaneseq.u32;
	s21 =	simm.s32 $0x3080;
	s22 =	simm.s32 $0x3880;
	s23 =	simm.s32 $0x4080  }
0x13: {  	vm0 =	vmmov $0xffff;
	v1 =	vshrl.u32 v2, $0x3;
	s24 =	simm.s32 $0x4880;
	s26 =	simm.s32 $0x5880;
	s8 =	sadd.s32 s12, s0  }
0x14: {  	v0 =	vand.u32 $0x7, v2;
	v2 =	vor.u32 $0x8, v2;
	v1 =	vmul.u32 $0x8, v1;
	s12 =	sadd.s32 s12, s14;
	s14 =	simm.s32 $0x2;
	s0 =	simm.s32 $0x1  }
.LBB2_1:
0x15: {  	s1 =	rddreg [dreg:$0x2]  }
0x16: {  	[tilespmem:s2], [sflag:$0x2] =	stream.linear.gather [hbm4b:s1+s2], $0x20, $0x38;
	[tilespmem:$0x8080] =	vst v63  }
0x17: {  	_ =	swait.ge [sflag:s14], $0x20  }
0x18: {  	[sflag:s14] =	ssyncset.done $0x0  }
0x19: {  	[sflag:s14] =	ssyncadd.s32 $0xFFFFFFE0  }
0x1a: {  	v3 =	vld [tilespmem:$0x0];
	_ =	sdelay $0x4  }
0x1b: {  	v4 =	vshll.u32 v3, $0x3  }
0x1c: {  	v3 =	vand.u32 $0x7, v3;
	v4 =	vand.u32 $0xFFFFFFC0, v4  }
0x1d: {  	v3 =	vor.u32 v3, v4  }
0x1e: {  	v4 =	vperm.xlane v3, v0;
	_ =	sdelay $0x1  }
0x1f: {  	v4 =	vadd.s32 v1, v4;
	_ =	sdelay $0x4  }
0x20: {  	[tilespmem:s15], [sflag:$0x1] =	stream.indirect_vreg.gather [hbm4b:s3+s2], $0x80, v4, vm0, $0xb8;
	[tilespmem:$0x8080] =	vst v63  }
0x21: {  	v3 =	vperm.xlane v3, v2  }
0x22: {  	[tilespmem:s16], [sflag:$0x1] =	stream.indirect_vreg.gather [hbm4b:s4+s2], $0x80, v4, vm0, $0xb8;
	[tilespmem:$0x8080] =	vst v63  }
0x23: {  	v3 =	vadd.s32 v1, v3  }
0x24: {  	[tilespmem:s17], [sflag:$0x1] =	stream.indirect_vreg.gather [hbm4b:s5+s2], $0x80, v4, vm0, $0xb8;
	[tilespmem:$0x8080] =	vst v63  }
0x25: {  	_ = 	snop  }
0x26: {  	[tilespmem:s18], [sflag:$0x1] =	stream.indirect_vreg.gather [hbm4b:s6+s2], $0x80, v4, vm0, $0xb8;
	[tilespmem:$0x8080] =	vst v63  }
0x27: {  	_ = 	snop  }
0x28: {  	[tilespmem:s19], [sflag:$0x1] =	stream.indirect_vreg.gather [hbm4b:s3+s2], $0x80, v3, vm0, $0xb8;
	[tilespmem:$0x8080] =	vst v63  }
0x29: {  	_ = 	snop  }
0x2a: {  	[tilespmem:s20], [sflag:$0x1] =	stream.indirect_vreg.gather [hbm4b:s4+s2], $0x80, v3, vm0, $0xb8;
	[tilespmem:$0x8080] =	vst v63  }
0x2b: {  	_ = 	snop  }
0x2c: {  	[tilespmem:s21], [sflag:$0x1] =	stream.indirect_vreg.gather [hbm4b:s5+s2], $0x80, v3, vm0, $0xb8;
	[tilespmem:$0x8080] =	vst v63  }
0x2d: {  	_ = 	snop  }
0x2e: {  	[tilespmem:s22], [sflag:$0x1] =	stream.indirect_vreg.gather [hbm4b:s6+s2], $0x80, v3, vm0, $0xb8;
	[tilespmem:$0x8080] =	vst v63  }
0x2f: {  	v3 =	vld [tilespmem:$0x10];
	_ =	sdelay $0x4  }
0x30: {  	v57 =	vshll.u32 v3, $0x3  }
0x31: {  	v3 =	vand.u32 $0x7, v3;
	v4 =	vand.u32 $0xFFFFFFC0, v57  }
0x32: {  	v3 =	vor.u32 v3, v4  }
0x33: {  	v4 =	vperm.xlane v3, v0;
	_ =	sdelay $0x1  }
0x34: {  	v4 =	vadd.s32 v1, v4;
	_ =	sdelay $0x4  }
0x35: {  	[tilespmem:s23], [sflag:$0x1] =	stream.indirect_vreg.gather [hbm4b:s3+s2], $0x80, v4, vm0, $0xb8;
	[tilespmem:$0x8080] =	vst v63  }
0x36: {  	v3 =	vperm.xlane v3, v2  }
0x37: {  	[tilespmem:s24], [sflag:$0x1] =	stream.indirect_vreg.gather [hbm4b:s4+s2], $0x80, v4, vm0, $0xb8;
	[tilespmem:$0x8080] =	vst v63  }
0x38: {  	v3 =	vadd.s32 v1, v3  }
0x39: {  	[tilespmem:s25], [sflag:$0x1] =	stream.indirect_vreg.gather [hbm4b:s5+s2], $0x80, v4, vm0, $0xb8;
	[tilespmem:$0x8080] =	vst v63  }
0x3a: {  	_ = 	snop  }
0x3b: {  	[tilespmem:s26], [sflag:$0x1] =	stream.indirect_vreg.gather [hbm4b:s6+s2], $0x80, v4, vm0, $0xb8;
	[tilespmem:$0x8080] =	vst v63  }
0x3c: {  	_ = 	snop  }
0x3d: {  	[tilespmem:s28], [sflag:$0x1] =	stream.indirect_vreg.gather [hbm4b:s3+s2], $0x80, v3, vm0, $0xb8;
	[tilespmem:$0x8080] =	vst v63  }
0x3e: {  	_ = 	snop  }
0x3f: {  	[tilespmem:s29], [sflag:$0x1] =	stream.indirect_vreg.gather [hbm4b:s4+s2], $0x80, v3, vm0, $0xb8;
	[tilespmem:$0x8080] =	vst v63  }
0x40: {  	_ = 	snop  }
0x41: {  	[tilespmem:s30], [sflag:$0x1] =	stream.indirect_vreg.gather [hbm4b:s5+s2], $0x80, v3, vm0, $0xb8;
	[tilespmem:$0x8080] =	vst v63  }
0x42: {  	_ = 	snop  }
0x43: {  	[tilespmem:s31], [sflag:$0x1] =	stream.indirect_vreg.gather [hbm4b:s6+s2], $0x80, v3, vm0, $0xb8;
	[tilespmem:$0x8080] =	vst v63  }
0x44: {  	_ =	swait.ge [sflag:s0], $0x8000  }
0x45: {  	[sflag:s0] =	ssyncset.done $0x0  }
0x46: {  	s1 =	rddreg [dreg:$0x3];
	[sflag:s0] =	ssyncadd.s32 $0xFFFF8000  }
0x47: {  	[hbm4b:s1+s2] =	stream.linear.scatter [tilespmem:s15], [sflag:$0x2], $0x8000, $0x38;
	[tilespmem:$0x8080] =	vst v63  }
0x48: {  	_ =	swait.ge [sflag:s14], $0x8000  }
0x49: {  	[sflag:s14] =	ssyncset.done $0x0  }
0x4a: {  	[sflag:s14] =	ssyncadd.s32 $0xFFFF8000  }
0x4b: {  	[tilespmem:s2], [sflag:$0x2] =	stream.linear.gather [hbm4b:s7+s2], $0x20, $0x38;
	[tilespmem:$0x8080] =	vst v63  }
0x4c: {  	_ =	swait.ge [sflag:s14], $0x20  }
0x4d: {  	[sflag:s14] =	ssyncset.done $0x0  }
0x4e: {  	[sflag:s14] =	ssyncadd.s32 $0xFFFFFFE0  }
0x4f: {  	v3 =	vld [tilespmem:$0x0];
	_ =	sdelay $0x4  }
0x50: {  	v58 =	vshll.u32 v3, $0x3  }
0x51: {  	v3 =	vand.u32 $0x7, v3;
	v4 =	vand.u32 $0xFFFFFFC0, v58  }
0x52: {  	v3 =	vor.u32 v3, v4  }
0x53: {  	v4 =	vperm.xlane v3, v0;
	_ =	sdelay $0x1  }
0x54: {  	v4 =	vadd.s32 v1, v4;
	_ =	sdelay $0x4  }
0x55: {  	[tilespmem:s15], [sflag:$0x1] =	stream.indirect_vreg.gather [hbm4b:s3+s2], $0x80, v4, vm0, $0xb8;
	[tilespmem:$0x8080] =	vst v63  }
0x56: {  	v3 =	vperm.xlane v3, v2  }
0x57: {  	[tilespmem:s16], [sflag:$0x1] =	stream.indirect_vreg.gather [hbm4b:s4+s2], $0x80, v4, vm0, $0xb8;
	[tilespmem:$0x8080] =	vst v63  }
0x58: {  	v3 =	vadd.s32 v1, v3  }
0x59: {  	[tilespmem:s17], [sflag:$0x1] =	stream.indirect_vreg.gather [hbm4b:s5+s2], $0x80, v4, vm0, $0xb8;
	[tilespmem:$0x8080] =	vst v63  }
0x5a: {  	_ = 	snop  }
0x5b: {  	[tilespmem:s18], [sflag:$0x1] =	stream.indirect_vreg.gather [hbm4b:s6+s2], $0x80, v4, vm0, $0xb8;
	[tilespmem:$0x8080] =	vst v63  }
0x5c: {  	_ = 	snop  }
0x5d: {  	[tilespmem:s19], [sflag:$0x1] =	stream.indirect_vreg.gather [hbm4b:s3+s2], $0x80, v3, vm0, $0xb8;
	[tilespmem:$0x8080] =	vst v63  }
0x5e: {  	_ = 	snop  }
0x5f: {  	[tilespmem:s20], [sflag:$0x1] =	stream.indirect_vreg.gather [hbm4b:s4+s2], $0x80, v3, vm0, $0xb8;
	[tilespmem:$0x8080] =	vst v63  }
0x60: {  	_ = 	snop  }
0x61: {  	[tilespmem:s21], [sflag:$0x1] =	stream.indirect_vreg.gather [hbm4b:s5+s2], $0x80, v3, vm0, $0xb8;
	[tilespmem:$0x8080] =	vst v63  }
0x62: {  	_ = 	snop  }
0x63: {  	[tilespmem:s22], [sflag:$0x1] =	stream.indirect_vreg.gather [hbm4b:s6+s2], $0x80, v3, vm0, $0xb8;
	[tilespmem:$0x8080] =	vst v63  }
0x64: {  	v3 =	vld [tilespmem:$0x10];
	_ =	sdelay $0x4  }
0x65: {  	v59 =	vshll.u32 v3, $0x3  }
0x66: {  	v3 =	vand.u32 $0x7, v3;
	v4 =	vand.u32 $0xFFFFFFC0, v59  }
0x67: {  	v3 =	vor.u32 v3, v4  }
0x68: {  	v4 =	vperm.xlane v3, v0;
	_ =	sdelay $0x1  }
0x69: {  	v4 =	vadd.s32 v1, v4;
	_ =	sdelay $0x4  }
0x6a: {  	[tilespmem:s23], [sflag:$0x1] =	stream.indirect_vreg.gather [hbm4b:s3+s2], $0x80, v4, vm0, $0xb8;
	[tilespmem:$0x8080] =	vst v63  }
0x6b: {  	v3 =	vperm.xlane v3, v2  }
0x6c: {  	[tilespmem:s24], [sflag:$0x1] =	stream.indirect_vreg.gather [hbm4b:s4+s2], $0x80, v4, vm0, $0xb8;
	[tilespmem:$0x8080] =	vst v63  }
0x6d: {  	v3 =	vadd.s32 v1, v3  }
0x6e: {  	[tilespmem:s25], [sflag:$0x1] =	stream.indirect_vreg.gather [hbm4b:s5+s2], $0x80, v4, vm0, $0xb8;
	[tilespmem:$0x8080] =	vst v63  }
0x6f: {  	_ = 	snop  }
0x70: {  	[tilespmem:s26], [sflag:$0x1] =	stream.indirect_vreg.gather [hbm4b:s6+s2], $0x80, v4, vm0, $0xb8;
	[tilespmem:$0x8080] =	vst v63  }
0x71: {  	_ = 	snop  }
0x72: {  	[tilespmem:s28], [sflag:$0x1] =	stream.indirect_vreg.gather [hbm4b:s3+s2], $0x80, v3, vm0, $0xb8;
	[tilespmem:$0x8080] =	vst v63  }
0x73: {  	_ = 	snop  }
0x74: {  	[tilespmem:s29], [sflag:$0x1] =	stream.indirect_vreg.gather [hbm4b:s4+s2], $0x80, v3, vm0, $0xb8;
	[tilespmem:$0x8080] =	vst v63  }
0x75: {  	_ = 	snop  }
0x76: {  	[tilespmem:s30], [sflag:$0x1] =	stream.indirect_vreg.gather [hbm4b:s5+s2], $0x80, v3, vm0, $0xb8;
	[tilespmem:$0x8080] =	vst v63  }
0x77: {  	_ = 	snop  }
0x78: {  	[tilespmem:s31], [sflag:$0x1] =	stream.indirect_vreg.gather [hbm4b:s6+s2], $0x80, v3, vm0, $0xb8;
	[tilespmem:$0x8080] =	vst v63  }
0x79: {  	_ =	swait.ge [sflag:s0], $0x8000  }
0x7a: {  	[sflag:s0] =	ssyncset.done $0x0  }
0x7b: {  	[sflag:s0] =	ssyncadd.s32 $0xFFFF8000  }
0x7c: {  	[hbm4b:s8+s2] =	stream.linear.scatter [tilespmem:s15], [sflag:$0x2], $0x8000, $0x38;
	[tilespmem:$0x8080] =	vst v63  }
0x7d: {  	_ =	swait.ge [sflag:s14], $0x8000  }
0x7e: {  	[sflag:s14] =	ssyncset.done $0x0  }
0x7f: {  	[sflag:s14] =	ssyncadd.s32 $0xFFFF8000  }
0x80: {  	[tilespmem:s2], [sflag:$0x2] =	stream.linear.gather [hbm4b:s9+s2], $0x20, $0x38;
	[tilespmem:$0x8080] =	vst v63  }
0x81: {  	_ =	swait.ge [sflag:s14], $0x20  }
0x82: {  	[sflag:s14] =	ssyncset.done $0x0  }
0x83: {  	[sflag:s14] =	ssyncadd.s32 $0xFFFFFFE0  }
0x84: {  	v3 =	vld [tilespmem:$0x0];
	_ =	sdelay $0x4  }
0x85: {  	v60 =	vshll.u32 v3, $0x3  }
0x86: {  	v3 =	vand.u32 $0x7, v3;
	v4 =	vand.u32 $0xFFFFFFC0, v60  }
0x87: {  	v3 =	vor.u32 v3, v4  }
0x88: {  	v4 =	vperm.xlane v3, v0;
	_ =	sdelay $0x1  }
0x89: {  	v4 =	vadd.s32 v1, v4;
	_ =	sdelay $0x4  }
0x8a: {  	[tilespmem:s15], [sflag:$0x1] =	stream.indirect_vreg.gather [hbm4b:s3+s2], $0x80, v4, vm0, $0xb8;
	[tilespmem:$0x8080] =	vst v63  }
0x8b: {  	v3 =	vperm.xlane v3, v2  }
0x8c: {  	[tilespmem:s16], [sflag:$0x1] =	stream.indirect_vreg.gather [hbm4b:s4+s2], $0x80, v4, vm0, $0xb8;
	[tilespmem:$0x8080] =	vst v63  }
0x8d: {  	v3 =	vadd.s32 v1, v3  }
0x8e: {  	[tilespmem:s17], [sflag:$0x1] =	stream.indirect_vreg.gather [hbm4b:s5+s2], $0x80, v4, vm0, $0xb8;
	[tilespmem:$0x8080] =	vst v63  }
0x8f: {  	_ = 	snop  }
0x90: {  	[tilespmem:s18], [sflag:$0x1] =	stream.indirect_vreg.gather [hbm4b:s6+s2], $0x80, v4, vm0, $0xb8;
	[tilespmem:$0x8080] =	vst v63  }
0x91: {  	_ = 	snop  }
0x92: {  	[tilespmem:s19], [sflag:$0x1] =	stream.indirect_vreg.gather [hbm4b:s3+s2], $0x80, v3, vm0, $0xb8;
	[tilespmem:$0x8080] =	vst v63  }
0x93: {  	_ = 	snop  }
0x94: {  	[tilespmem:s20], [sflag:$0x1] =	stream.indirect_vreg.gather [hbm4b:s4+s2], $0x80, v3, vm0, $0xb8;
	[tilespmem:$0x8080] =	vst v63  }
0x95: {  	_ = 	snop  }
0x96: {  	[tilespmem:s21], [sflag:$0x1] =	stream.indirect_vreg.gather [hbm4b:s5+s2], $0x80, v3, vm0, $0xb8;
	[tilespmem:$0x8080] =	vst v63  }
0x97: {  	_ = 	snop  }
0x98: {  	[tilespmem:s22], [sflag:$0x1] =	stream.indirect_vreg.gather [hbm4b:s6+s2], $0x80, v3, vm0, $0xb8;
	[tilespmem:$0x8080] =	vst v63  }
0x99: {  	v3 =	vld [tilespmem:$0x10];
	_ =	sdelay $0x4  }
0x9a: {  	v61 =	vshll.u32 v3, $0x3  }
0x9b: {  	v3 =	vand.u32 $0x7, v3;
	v4 =	vand.u32 $0xFFFFFFC0, v61  }
0x9c: {  	v3 =	vor.u32 v3, v4  }
0x9d: {  	v4 =	vperm.xlane v3, v0;
	_ =	sdelay $0x1  }
0x9e: {  	v4 =	vadd.s32 v1, v4;
	_ =	sdelay $0x4  }
0x9f: {  	[tilespmem:s23], [sflag:$0x1] =	stream.indirect_vreg.gather [hbm4b:s3+s2], $0x80, v4, vm0, $0xb8;
	[tilespmem:$0x8080] =	vst v63  }
0xa0: {  	v3 =	vperm.xlane v3, v2  }
0xa1: {  	[tilespmem:s24], [sflag:$0x1] =	stream.indirect_vreg.gather [hbm4b:s4+s2], $0x80, v4, vm0, $0xb8;
	[tilespmem:$0x8080] =	vst v63  }
0xa2: {  	v3 =	vadd.s32 v1, v3  }
0xa3: {  	[tilespmem:s25], [sflag:$0x1] =	stream.indirect_vreg.gather [hbm4b:s5+s2], $0x80, v4, vm0, $0xb8;
	[tilespmem:$0x8080] =	vst v63  }
0xa4: {  	_ = 	snop  }
0xa5: {  	[tilespmem:s26], [sflag:$0x1] =	stream.indirect_vreg.gather [hbm4b:s6+s2], $0x80, v4, vm0, $0xb8;
	[tilespmem:$0x8080] =	vst v63  }
0xa6: {  	_ = 	snop  }
0xa7: {  	[tilespmem:s28], [sflag:$0x1] =	stream.indirect_vreg.gather [hbm4b:s3+s2], $0x80, v3, vm0, $0xb8;
	[tilespmem:$0x8080] =	vst v63  }
0xa8: {  	_ = 	snop  }
0xa9: {  	[tilespmem:s29], [sflag:$0x1] =	stream.indirect_vreg.gather [hbm4b:s4+s2], $0x80, v3, vm0, $0xb8;
	[tilespmem:$0x8080] =	vst v63  }
0xaa: {  	_ = 	snop  }
0xab: {  	[tilespmem:s30], [sflag:$0x1] =	stream.indirect_vreg.gather [hbm4b:s5+s2], $0x80, v3, vm0, $0xb8;
	[tilespmem:$0x8080] =	vst v63  }
0xac: {  	_ = 	snop  }
0xad: {  	[tilespmem:s31], [sflag:$0x1] =	stream.indirect_vreg.gather [hbm4b:s6+s2], $0x80, v3, vm0, $0xb8;
	[tilespmem:$0x8080] =	vst v63  }
0xae: {  	_ =	swait.ge [sflag:s0], $0x8000  }
0xaf: {  	[sflag:s0] =	ssyncset.done $0x0  }
0xb0: {  	[sflag:s0] =	ssyncadd.s32 $0xFFFF8000  }
0xb1: {  	[hbm4b:s10+s2] =	stream.linear.scatter [tilespmem:s15], [sflag:$0x2], $0x8000, $0x38;
	[tilespmem:$0x8080] =	vst v63  }
0xb2: {  	_ =	swait.ge [sflag:s14], $0x8000  }
0xb3: {  	[sflag:s14] =	ssyncset.done $0x0  }
0xb4: {  	[sflag:s14] =	ssyncadd.s32 $0xFFFF8000  }
0xb5: {  	[tilespmem:s2], [sflag:$0x2] =	stream.linear.gather [hbm4b:s11+s2], $0x20, $0x38;
	[tilespmem:$0x8080] =	vst v63  }
0xb6: {  	_ =	swait.ge [sflag:s14], $0x20  }
0xb7: {  	[sflag:s14] =	ssyncset.done $0x0  }
0xb8: {  	[sflag:s14] =	ssyncadd.s32 $0xFFFFFFE0  }
0xb9: {  	v3 =	vld [tilespmem:$0x0];
	_ =	sdelay $0x4  }
0xba: {  	v62 =	vshll.u32 v3, $0x3  }
0xbb: {  	v3 =	vand.u32 $0x7, v3;
	v4 =	vand.u32 $0xFFFFFFC0, v62  }
0xbc: {  	v3 =	vor.u32 v3, v4  }
0xbd: {  	v4 =	vperm.xlane v3, v0;
	_ =	sdelay $0x1  }
0xbe: {  	v4 =	vadd.s32 v1, v4;
	_ =	sdelay $0x4  }
0xbf: {  	[tilespmem:s15], [sflag:$0x1] =	stream.indirect_vreg.gather [hbm4b:s3+s2], $0x80, v4, vm0, $0xb8;
	[tilespmem:$0x8080] =	vst v63  }
0xc0: {  	v3 =	vperm.xlane v3, v2  }
0xc1: {  	[tilespmem:s16], [sflag:$0x1] =	stream.indirect_vreg.gather [hbm4b:s4+s2], $0x80, v4, vm0, $0xb8;
	[tilespmem:$0x8080] =	vst v63  }
0xc2: {  	v3 =	vadd.s32 v1, v3  }
0xc3: {  	[tilespmem:s17], [sflag:$0x1] =	stream.indirect_vreg.gather [hbm4b:s5+s2], $0x80, v4, vm0, $0xb8;
	[tilespmem:$0x8080] =	vst v63  }
0xc4: {  	_ = 	snop  }
0xc5: {  	[tilespmem:s18], [sflag:$0x1] =	stream.indirect_vreg.gather [hbm4b:s6+s2], $0x80, v4, vm0, $0xb8;
	[tilespmem:$0x8080] =	vst v63  }
0xc6: {  	_ = 	snop  }
0xc7: {  	[tilespmem:s19], [sflag:$0x1] =	stream.indirect_vreg.gather [hbm4b:s3+s2], $0x80, v3, vm0, $0xb8;
	[tilespmem:$0x8080] =	vst v63  }
0xc8: {  	_ = 	snop  }
0xc9: {  	[tilespmem:s20], [sflag:$0x1] =	stream.indirect_vreg.gather [hbm4b:s4+s2], $0x80, v3, vm0, $0xb8;
	[tilespmem:$0x8080] =	vst v63  }
0xca: {  	_ = 	snop  }
0xcb: {  	[tilespmem:s21], [sflag:$0x1] =	stream.indirect_vreg.gather [hbm4b:s5+s2], $0x80, v3, vm0, $0xb8;
	[tilespmem:$0x8080] =	vst v63  }
0xcc: {  	_ = 	snop  }
0xcd: {  	[tilespmem:s22], [sflag:$0x1] =	stream.indirect_vreg.gather [hbm4b:s6+s2], $0x80, v3, vm0, $0xb8;
	[tilespmem:$0x8080] =	vst v63  }
0xce: {  	v3 =	vld [tilespmem:$0x10];
	_ =	sdelay $0x4  }
0xcf: {  	v63 =	vshll.u32 v3, $0x3  }
0xd0: {  	v3 =	vand.u32 $0x7, v3;
	v4 =	vand.u32 $0xFFFFFFC0, v63  }
0xd1: {  	v3 =	vor.u32 v3, v4  }
0xd2: {  	v4 =	vperm.xlane v3, v0;
	_ =	sdelay $0x1  }
0xd3: {  	v4 =	vadd.s32 v1, v4;
	_ =	sdelay $0x4  }
0xd4: {  	[tilespmem:s23], [sflag:$0x1] =	stream.indirect_vreg.gather [hbm4b:s3+s2], $0x80, v4, vm0, $0xb8;
	[tilespmem:$0x8080] =	vst v63  }
0xd5: {  	v3 =	vperm.xlane v3, v2  }
0xd6: {  	[tilespmem:s24], [sflag:$0x1] =	stream.indirect_vreg.gather [hbm4b:s4+s2], $0x80, v4, vm0, $0xb8;
	[tilespmem:$0x8080] =	vst v63  }
0xd7: {  	v3 =	vadd.s32 v1, v3  }
0xd8: {  	[tilespmem:s25], [sflag:$0x1] =	stream.indirect_vreg.gather [hbm4b:s5+s2], $0x80, v4, vm0, $0xb8;
	[tilespmem:$0x8080] =	vst v63  }
0xd9: {  	_ = 	snop  }
0xda: {  	[tilespmem:s26], [sflag:$0x1] =	stream.indirect_vreg.gather [hbm4b:s6+s2], $0x80, v4, vm0, $0xb8;
	[tilespmem:$0x8080] =	vst v63  }
0xdb: {  	_ = 	snop  }
0xdc: {  	[tilespmem:s28], [sflag:$0x1] =	stream.indirect_vreg.gather [hbm4b:s3+s2], $0x80, v3, vm0, $0xb8;
	[tilespmem:$0x8080] =	vst v63  }
0xdd: {  	_ = 	snop  }
0xde: {  	[tilespmem:s29], [sflag:$0x1] =	stream.indirect_vreg.gather [hbm4b:s4+s2], $0x80, v3, vm0, $0xb8;
	[tilespmem:$0x8080] =	vst v63  }
0xdf: {  	_ = 	snop  }
0xe0: {  	[tilespmem:s30], [sflag:$0x1] =	stream.indirect_vreg.gather [hbm4b:s5+s2], $0x80, v3, vm0, $0xb8;
	[tilespmem:$0x8080] =	vst v63  }
0xe1: {  	_ = 	snop  }
0xe2: {  	[tilespmem:s31], [sflag:$0x1] =	stream.indirect_vreg.gather [hbm4b:s6+s2], $0x80, v3, vm0, $0xb8;
	[tilespmem:$0x8080] =	vst v63  }
0xe3: {  	_ =	swait.ge [sflag:s0], $0x8000  }
0xe4: {  	p0 =	sne.s32 s13, $0x1;
	[sflag:s0] =	ssyncset.done $0x0  }
.Ltmp0:
0xe5: {  	[sflag:s0] =	ssyncadd.s32 $0xFFFF8000;
	(pc) =	sbr.rel @p0 .LBB2_1-.Ltmp0, $4  }
0xe6: {  	[hbm4b:s12+s2] =	stream.linear.scatter [tilespmem:s15], [sflag:$0x2], $0x8000, $0x38;
	[tilespmem:$0x8080] =	vst v63  }
0xe7: {  	_ =	swait.ge [sflag:s14], $0x8000  }
0xe8: {  	[sflag:s14] =	ssyncset.done $0x0  }
0xe9: {  	s13 =	sadd.s32 $0xFFFFFFFF, s13;
	[sflag:s14] =	ssyncadd.s32 $0xFFFF8000  }
0xea: {  	_ =	sfence.sel $0x180000  }
0xeb: {  	[bflag:$0x0] =	sbarrier.arrive $0xFFFF  }
0xec: {  	_ =	strace $0x90000053  }
0xed: {  	s0 =	stileid.u32;
	[bflag:$0x2] =	sbarrier.arrive $0xFFFF  }
0xee: {  	p0 =	sne.s32 s0, $0x0;
	s0 =	rddreg [dreg:$0x1]  }
0xef: {  	s0 =	sadd.s32 @!p0 $0x100000, s0  }
0xf0: {  	[sflag:s0] =	ssyncadd.tile.s32 @!p0 $0x1;
	_ =	shalt  }
.Lfunc_end2:
_tile_overlayer_lowered:
.L_overlay_start_2:
0xf1: {  	(tag) =	ssettag $0x2  }
0xf2: {  	s0 =	rddreg [dreg:$0x0];
	s2 =	stileid.u32  }
0xf3: {  	s1 =	rddreg [dreg:$0x1];
	p0 =	sne.s32 s2, $0x0  }
0xf4: {  	s3 =	rddreg [dreg:$0x2];
	[bflag:$0x3] =	sbarrier.arrive $0xFFFF;
	s2 =	simm.s32 @!p0 $0x1C02  }
0xf5: {  	[timem:s3], [sflag:s2] =	dma.local @!p0 [hbm:s0], s1  }
0xf6: {  	s0 =	simm.s32 @!p0 $0x2  }
0xf7: {  	_ =	swait.ge @!p0 [sflag:s0], s1  }
0xf8: {  	s1 =	ssub.s32 @!p0 $0x0, s1;
	[sflag:s0] =	ssyncset.done @!p0 $0x0  }
0xf9: {  	[sflag:s0] =	ssyncadd.s32 @!p0 s1  }
0xfa: {  	[bflag:$0x3] =	sbarrier.arrive $0xFFFF  }
0xfb: {  	_ =	shalt  }

// kernel: scatter_offload_async_start
scs
__scs_entry_jumppad:
0x0: {  	(pc) =	sbr.rel $0x88, $3  }
0x1: {  	(tag) =	ssettag $0x0;
	lr =	simm.s32 $0x1  }
0x2: {  	[smem:$0x3F92] =	sst lr;
	_ =	strace $0xD0000000  }
0x3: {  	_ = 	snop  }
0x4: {  	_ = 	snop  }
0x5: {  	_ = 	snop  }
0x6: {  	_ = 	snop  }
0x7: {  	_ = 	snop  }
__scs_overlays_trampoline_lowered:
0x8: {  	[smem:$0x3FA1] =	sst s0  }
0x9: {  	[smem:$0x3FA2] =	sst s1  }
0xa: {  	[smem:$0x3FA3] =	sst s2  }
0xb: {  	[smem:$0x3FA4] =	sst s3  }
0xc: {  	[smem:$0x3FA5] =	sst s4  }
0xd: {  	[smem:$0x3FA6] =	sst s5  }
0xe: {  	[smem:$0x3FA7] =	sst s6  }
0xf: {  	[smem:$0x3FA8] =	sst s7  }
0x10: {  	[smem:$0x3FA9] =	sst s8  }
0x11: {  	[smem:$0x3FAA] =	sst s9;
	s0 =	simm.s32 @!p0 $0x0  }
0x12: {  	s1 =	sld [smem:$0x3F90];
	s0 =	simm.s32 @p0 $0x1  }
0x13: {  	[smem:$0x3FAB] =	sst s0;
	s0 =	simm.s32 @!p1 $0x0  }
0x14: {  	s2 =	sld [smem:$0x3F8F];
	s0 =	simm.s32 @p1 $0x1  }
0x15: {  	[smem:$0x3FAC] =	sst s0;
	s0 =	simm.s32 @!p2 $0x0  }
0x16: {  	s3 =	sld [smem:$0x3FDB];
	s0 =	simm.s32 @p2 $0x1  }
0x17: {  	s4 =	simm.s32 $0x1BF5;
	[smem:$0x3FAE] =	sst s0  }
0x18: {  	s0 =	sld [smem:$0x3F91];
	_ =	swait.ge [sflag:s4], $0x0  }
0x19: {  	s7 =	sld [smem:$0x3F92]  }
0x1a: {  	s8 =	sadd.s32 $0xFFFFE003, lr  }
0x1b: {  	s9 =	sadd.s32 $0xFFFFFEF7, lr;
	s5 =	simm.s32 $0xFFFFFFFF;
	p2 =	slt.u32 s8, $0xFFFFF086  }
0x1c: {  	p1 =	slt.u32 s9, $0xF7A;
	s5 =	simm.s32 @!p2 $0x0  }
0x1d: {  	s5 =	simm.s32 @p1 $0x1;
	p0 =	seq.s32 s7, s2  }
0x1e: {  	s7 =	smul.u32 @!p0 $0xF7A, s2;
	p2 =	seq.s32 @!p0 s5, $0x0  }
0x1f: {  	s9 =	smul.u32 $0xF7A, s1;
	s8 =	simm.s32 @!p0 $0x1BF5;
	p2 =	por !p2, p0  }
0x20: {  	[sflag:s8] =	ssyncset.s32 @!p0 $0xFFFFF086;
	s6 =	sadd.s32 @!p0 s3, s7;
	s7 =	simm.s32 @!p0 $0x108  }
0x21: {  	s3 =	sadd.s32 s3, s9;
	s6 =	sadd.s32 @!p0 $0x88, s6;
	s7 =	simm.s32 @p2 $0x1082  }
0x22: {  	[simem:s7], [sflag:s8] =	dma.local @!p0 [hbm:s6], $0xF7A  }
0x23: {  	s9 =	sor.u32 $0xD0000000, s2;
	s6 =	simm.s32 $0x108;
	_ =	swait.ge @!p0 [sflag:s8], $0x0  }
0x24: {  	s3 =	sadd.s32 $0x88, s3;
	s6 =	simm.s32 @!p1 $0x1082;
	[sflag:s4] =	ssyncset.s32 $0xFFFFF086  }
0x25: {  	[simem:s6], [sflag:s4] =	dma.local [hbm:s3], $0xF7A  }
0x26: {  	[smem:$0x3F92] =	sst s1;
	(tag) =	ssettag s2;
	_ =	strace s9  }
0x27: {  	s1 =	sld [smem:$0x3FA2]  }
0x28: {  	s2 =	sld [smem:$0x3FA3]  }
0x29: {  	s4 =	sld [smem:$0x3FA5]  }
0x2a: {  	p0 =	seq.s32 s5, $0x0;
	s5 =	sld [smem:$0x3FA6]  }
0x2b: {  	s6 =	sld [smem:$0x3FA7]  }
0x2c: {  	s7 =	sld [smem:$0x3FA8]  }
0x2d: {  	s3 =	simm.s32 $0x108;
	s8 =	sld [smem:$0x3FA9]  }
0x2e: {  	s3 =	simm.s32 @!p0 $0x1082;
	s9 =	sld [smem:$0x3FAA]  }
0x2f: {  	lr =	sadd.s32 s0, s3;
	s0 =	sld [smem:$0x3FA1]  }
0x30: {  	s3 =	sld [smem:$0x3FA4]  }
0x31: {  	[smem:$0x3FAD] =	sst s10  }
0x32: {  	s10 =	sld [smem:$0x3FAB];
	_ =	sdelay $0x3  }
0x33: {  	p0 =	seq.s32 s10, $0x1;
	s10 =	sld [smem:$0x3FAD];
	_ =	sdelay $0x3  }
0x34: {  	[smem:$0x3FAD] =	sst s10  }
0x35: {  	s10 =	sld [smem:$0x3FAC];
	_ =	sdelay $0x3  }
0x36: {  	p1 =	seq.s32 s10, $0x1;
	s10 =	sld [smem:$0x3FAD];
	_ =	sdelay $0x3  }
0x37: {  	[smem:$0x3FAD] =	sst s10  }
0x38: {  	s10 =	sld [smem:$0x3FAE]  }
0x39: {  	_ = 	snop;
	(pc) =	sbr.ind lr, $3  }
0x3a: {  	_ = 	snop  }
0x3b: {  	_ = 	snop  }
0x3c: {  	p2 =	seq.s32 s10, $0x1;
	s10 =	sld [smem:$0x3FAD]  }
0x3d: {  	_ =	shalt  }
0x3e: {  	_ =	shalt  }
0x3f: {  	_ =	shalt  }
0x40: {  	_ =	shalt  }
0x41: {  	_ =	shalt  }
0x42: {  	_ =	shalt  }
0x43: {  	_ =	shalt  }
0x44: {  	_ =	shalt  }
0x45: {  	_ =	shalt  }
0x46: {  	_ =	shalt  }
0x47: {  	_ =	shalt  }
0x48: {  	_ =	shalt  }
0x49: {  	_ =	shalt  }
0x4a: {  	_ =	shalt  }
0x4b: {  	_ =	shalt  }
0x4c: {  	_ =	shalt  }
0x4d: {  	_ =	shalt  }
0x4e: {  	_ =	shalt  }
0x4f: {  	_ =	shalt  }
0x50: {  	_ =	shalt  }
0x51: {  	_ =	shalt  }
0x52: {  	_ =	shalt  }
0x53: {  	_ =	shalt  }
0x54: {  	_ =	shalt  }
0x55: {  	_ =	shalt  }
0x56: {  	_ =	shalt  }
0x57: {  	_ =	shalt  }
0x58: {  	_ =	shalt  }
0x59: {  	_ =	shalt  }
0x5a: {  	_ =	shalt  }
0x5b: {  	_ =	shalt  }
0x5c: {  	_ =	shalt  }
0x5d: {  	_ =	shalt  }
0x5e: {  	_ =	shalt  }
0x5f: {  	_ =	shalt  }
0x60: {  	_ =	shalt  }
0x61: {  	_ =	shalt  }
0x62: {  	_ =	shalt  }
0x63: {  	_ =	shalt  }
0x64: {  	_ =	shalt  }
0x65: {  	_ =	shalt  }
0x66: {  	_ =	shalt  }
0x67: {  	_ =	shalt  }
0x68: {  	_ =	shalt  }
0x69: {  	_ =	shalt  }
0x6a: {  	_ =	shalt  }
0x6b: {  	_ =	shalt  }
0x6c: {  	_ =	shalt  }
0x6d: {  	_ =	shalt  }
0x6e: {  	_ =	shalt  }
0x6f: {  	_ =	shalt  }
0x70: {  	_ =	shalt  }
0x71: {  	_ =	shalt  }
0x72: {  	_ =	shalt  }
0x73: {  	_ =	shalt  }
0x74: {  	_ =	shalt  }
0x75: {  	_ =	shalt  }
0x76: {  	_ =	shalt  }
0x77: {  	_ =	shalt  }
0x78: {  	_ =	shalt  }
0x79: {  	_ =	shalt  }
0x7a: {  	_ =	shalt  }
0x7b: {  	_ =	shalt  }
0x7c: {  	_ =	shalt  }
0x7d: {  	_ =	shalt  }
0x7e: {  	_ =	shalt  }
0x7f: {  	_ =	shalt  }
0x80: {  	_ =	shalt  }
0x81: {  	_ =	shalt  }
0x82: {  	_ =	shalt  }
0x83: {  	_ =	shalt  }
0x84: {  	_ =	shalt  }
0x85: {  	_ =	shalt  }
0x86: {  	_ =	shalt  }
0x87: {  	_ =	shalt  }
.Lfunc_end0:
.L_simem_size_0:
called_computation_lowered:
.L_overlay_start_0:
0x88: {  	s0 =	sld [smem:$0x3FD9]  }
0x89: {  	s1 =	sld [smem:$0x3FFE];
	_ =	sdelay $0x3  }
0x8a: {  	s0 =	sadd.s32 s1, s0  }
0x8b: {  	[smem:$0x3FB9] =	sst s0  }
0x8c: {  	_ = 	snop  }
0x8d: {  	(tm) =	ssettm $0x1  }
0x8e: {  	s15 =	sld [smem:$0x3FFB];
	_ =	sdelay $0x3  }
0x8f: {  	_ =	strace s15  }
0x90: {  	s0 =	sld [smem:$0x3FFC];
	_ =	sdelay $0x3  }
0x91: {  	_ =	strace s0  }
0x92: {  	s0 =	sld [smem:$0x3FFD];
	_ =	sdelay $0x3  }
0x93: {  	_ =	strace s0  }
0x94: {  	_ =	strace $0x8FFFFFFF  }
0x95: {  	s16 =	sld [smem:$0x3FDB];
	_ =	sdelay $0x1  }
0x96: {  	s17 =	simm.s32 $_scs_section_size  }
0x97: {  	s2 =	simm.s32 $_size__tile_overlayer_lowered;
	s3 =	simm.s32 $_tile_overlayer_lowered  }
0x98: {  	s20 =	simm.s32 $0x1BFF;
	s19 =	sshll.u32 s3, $0x1;
	s0 =	sadd.s32 s17, s16  }
0x99: {  	s4 =	simm.s32 $0x0;
	s18 =	sshll.u32 s2, $0x1;
	s2 =	sadd.s32 s19, s0  }
0x9a: {  	[timem:s4], [sflag:s20] =	dma.local [hbm:s2], s18  }
0x9b: {  	_ =	swait.ge [sflag:s20], s18  }
0x9c: {  	s1 =	ssub.s32 $0x0, s18;
	[sflag:s20] =	ssyncset.done $0x0  }
0x9d: {  	[sflag:s20] =	ssyncadd.s32 s1;
	_ =	sdelay $0x1  }
0x9e: {  	s21 =	simm.s32 $0x1B8B  }
0x9f: {  	_ =	swait.ge [sflag:s21], $0x1  }
0xa0: {  	[sflag:s21] =	ssyncset.done $0x0  }
0xa1: {  	s23 =	simm.s32 $0x1B8E;
	s22 =	sld [smem:$0x3FFE];
	[sflag:s21] =	ssyncadd.s32 $0xFFFFFFFF  }
0xa2: {  	s24 =	simm.s32 $execute0_lowered;
	[smem:$0x3FD2] =	sst s23  }
0xa3: {  	s2 =	sshll.u32 s24, $0x1;
	_ =	strace $0x80000046;
	[dreg:$0x1] =	wrdreg $0xFFFFFFFF  }
0xa4: {  	s25 =	simm.s32 $_size_execute0_lowered;
	s0 =	sadd.s32 s0, s2;
	[dreg:$0x0] =	wrdreg $0x0  }
0xa5: {  	s2 =	sshll.u32 s25, $0x1;
	[dreg:$0x2] =	wrdreg s0  }
0xa6: {  	[dreg:$0x3] =	wrdreg s2  }
0xa7: {  	[dreg:$0x4] =	wrdreg $0xC0  }
0xa8: {  	_ =	task [dreg:s4], $0x5FFFF  }
0xa9: {  	[dreg:$0x1] =	wrdreg $0xFFFFFFFF  }
0xaa: {  	[dreg:$0x0] =	wrdreg $0x60  }
0xab: {  	[dreg:$0x2] =	wrdreg s22  }
0xac: {  	[dreg:$0x3] =	wrdreg $0x9  }
0xad: {  	_ =	task.clear_ibuf [dreg:s4], $0x4FFFF;
	_ =	strace $0x90000046  }
0xae: {  	s26 =	simm.s32 $0x9;
	_ =	strace $0x80000048  }
0xaf: {  	_ =	swait.ge [sflag:s26], $0x1  }
0xb0: {  	[sflag:s26] =	ssyncadd.s32 $0xFFFFFFFF  }
0xb1: {  	_ =	strace $0x90000048  }
0xb2: {  	_ =	sfence  }
0xb3: {  	s28 =	sld [smem:$0x0];
	_ =	sdelay $0x1  }
0xb4: {  	s29 =	srdreg.scid  }
0xb5: {  	s30 =	sshll.u32 s29, $0xD;
	s31 =	sshrl.u32 s29, $0x2  }
0xb6: {  	s1 =	sand.u32 $0x1, s29;
	s2 =	sand.u32 $0x4000, s30;
	s0 =	sadd.s32 s31, s28  }
0xb7: {  	s1 =	sor.u32 s2, s1;
	s0 =	sshll.u32 s0, $0x11  }
0xb8: {  	s0 =	sor.u32 s0, s1  }
0xb9: {  	s0 =	sadd.s32 $0x8F2B, s0  }
0xba: {  	[sflag:s0] =	ssyncadd.remote.s32 $0x1  }
0xbb: {  	_ =	sfence.sel $0xFFFF  }
0xbc: {  	[dreg:$0x0] =	wrdreg $0xFFFFFFFF;
	(pc) =	sbr.abs _section_cstart, $3  }
0xbd: {  	[dreg:$0x1] =	wrdreg $0xFFFFFFFF  }
0xbe: {  	_ =	task.clear_ibuf [dreg:s4], $0x2FFFF;
	_ =	strace $0x9FFFFFFF  }
0xbf: {  	(tm) =	ssettm $0x7FFFFFFF  }
tec
execute0_lowered:
.L_overlay_start_1:
0x0: {  	(tag) =	ssettag $0x1  }
0x1: {  	s5 =	rddreg [dreg:$0x0]  }
0x2: {  	s0 =	rddreg [dreg:$0x1];
	_ =	strace $0x80000047;
	s6 =	stileid.u32  }
0x3: {  	s3 =	simm.s32 $0x3E;
	s1 =	sadd.s32 $0x43A00, s5;
	p0 =	sne.s32 s6, $0x0  }
0x4: {  	[sflag:s3] =	ssyncpa.u1 $0x0;
	s4 =	simm.s32 @!p0 $0x1C3E;
	s2 =	simm.s32 @!p0 $0x0  }
0x5: {  	[spmem:s2], [sflag:s4] =	dma.local @!p0 [hbm:s1], $0x10  }
0x6: {  	s4 =	simm.s32 @!p0 $0x3E  }
0x7: {  	_ =	swait.ge @!p0 [sflag:s4], $0x10  }
0x8: {  	[sflag:s4] =	ssyncset.done @!p0 $0x0  }
0x9: {  	s9 =	simm.s32 $0x108;
	[sflag:s4] =	ssyncadd.s32 @!p0 $0xFFFFFFF0  }
0xa: {  	s7 =	sadd.s32 $0x43800, s5;
	s8 =	sadd.s32 $0x43C00, s5;
	[bflag:$0x0] =	sbarrier.arrive $0xFFFF  }
0xb: {  	s6 =	sshll.u32 s6, $0x5;
	[sflag:s3] =	ssyncpa.u1 $0x1;
	s3 =	simm.s32 $0x1  }
0xc: {  	s5 =	simm.s32 $0x0;
	s4 =	simm.s32 $0x2;
	[sflag:s3] =	ssyncpa.u1 $0x0  }
0xd: {  	s7 =	sadd.s32 s7, s6;
	(ifvalue) =	ssetifvalue $0x80;
	[sflag:s4] =	ssyncpa.u1 $0x0  }
0xe: {  	[tilespmem:s9], [sflag:$0x2] =	stream.linear.gather [hbm4b:s7+s5], $0x100, $0x38;
	[tilespmem:$0x408] =	vst v63  }
0xf: {  	s23 =	simm.s32 $0x308;
	s6 =	sadd.s32 s8, s6  }
0x10: {  	[tilespmem:s23], [sflag:$0x2] =	stream.linear.gather [hbm4b:s6+s5], $0x100, $0x38;
	[tilespmem:$0x408] =	vst v63  }
0x11: {  	_ =	swait.ge [sflag:s4], $0x200  }
0x12: {  	[sflag:s4] =	ssyncset.done $0x0  }
0x13: {  	[sflag:s4] =	ssyncadd.s32 $0xFFFFFE00  }
0x14: {  	v0 =	vld.msk [tilespmem:s9+$0x0 ss:$0x1], $0xffff;
	_ =	sdelay $0x4  }
0x15: {  	v0 =	vmin.u32 v0, $0x80;
	_ =	sdelay $0x3  }
0x16: {  	vm0 =	vmmov $0xffff;
	s24 =	simm.s32 $0x118  }
0x17: {  	[spmem:s5] =	stream.indirect_vreg.scatter.add.s32 [tilespmem:s23], [sflag:$0x1], $0x1, v0, vm0, $0x4038;
	[tilespmem:$0x408] =	vst v63  }
0x18: {  	v0 =	vld.msk [tilespmem:s24+$0x0 ss:$0x1], $0xffff;
	_ =	sdelay $0x4  }
0x19: {  	v0 =	vmin.u32 v0, $0x80;
	_ =	sdelay $0x3  }
0x1a: {  	s25 =	simm.s32 $0x318;
	s26 =	simm.s32 $0x128  }
0x1b: {  	[spmem:s5] =	stream.indirect_vreg.scatter.add.s32 [tilespmem:s25], [sflag:$0x1], $0x1, v0, vm0, $0x4038;
	[tilespmem:$0x408] =	vst v63  }
0x1c: {  	v0 =	vld.msk [tilespmem:s26+$0x0 ss:$0x1], $0xffff;
	_ =	sdelay $0x4  }
0x1d: {  	v0 =	vmin.u32 v0, $0x80;
	_ =	sdelay $0x3  }
0x1e: {  	s28 =	simm.s32 $0x328;
	s29 =	simm.s32 $0x138  }
0x1f: {  	[spmem:s5] =	stream.indirect_vreg.scatter.add.s32 [tilespmem:s28], [sflag:$0x1], $0x1, v0, vm0, $0x4038;
	[tilespmem:$0x408] =	vst v63  }
0x20: {  	v0 =	vld.msk [tilespmem:s29+$0x0 ss:$0x1], $0xffff;
	_ =	sdelay $0x4  }
0x21: {  	v0 =	vmin.u32 v0, $0x80;
	_ =	sdelay $0x3  }
0x22: {  	s30 =	simm.s32 $0x338;
	s31 =	simm.s32 $0x148  }
0x23: {  	[spmem:s5] =	stream.indirect_vreg.scatter.add.s32 [tilespmem:s30], [sflag:$0x1], $0x1, v0, vm0, $0x4038;
	[tilespmem:$0x408] =	vst v63  }
0x24: {  	v0 =	vld.msk [tilespmem:s31+$0x0 ss:$0x1], $0xffff;
	_ =	sdelay $0x4  }
0x25: {  	v0 =	vmin.u32 v0, $0x80;
	_ =	sdelay $0x3  }
0x26: {  	s8 =	simm.s32 $0x158;
	s7 =	simm.s32 $0x348  }
0x27: {  	[spmem:s5] =	stream.indirect_vreg.scatter.add.s32 [tilespmem:s7], [sflag:$0x1], $0x1, v0, vm0, $0x4038;
	[tilespmem:$0x408] =	vst v63  }
0x28: {  	v0 =	vld.msk [tilespmem:s8+$0x0 ss:$0x1], $0xffff;
	_ =	sdelay $0x4  }
0x29: {  	v0 =	vmin.u32 v0, $0x80;
	_ =	sdelay $0x3  }
0x2a: {  	s10 =	simm.s32 $0x168;
	s9 =	simm.s32 $0x358  }
0x2b: {  	[spmem:s5] =	stream.indirect_vreg.scatter.add.s32 [tilespmem:s9], [sflag:$0x1], $0x1, v0, vm0, $0x4038;
	[tilespmem:$0x408] =	vst v63  }
0x2c: {  	v0 =	vld.msk [tilespmem:s10+$0x0 ss:$0x1], $0xffff;
	_ =	sdelay $0x4  }
0x2d: {  	v0 =	vmin.u32 v0, $0x80;
	_ =	sdelay $0x3  }
0x2e: {  	s11 =	simm.s32 $0x368;
	s12 =	simm.s32 $0x178  }
0x2f: {  	[spmem:s5] =	stream.indirect_vreg.scatter.add.s32 [tilespmem:s11], [sflag:$0x1], $0x1, v0, vm0, $0x4038;
	[tilespmem:$0x408] =	vst v63  }
0x30: {  	v0 =	vld.msk [tilespmem:s12+$0x0 ss:$0x1], $0xffff;
	_ =	sdelay $0x4  }
0x31: {  	v0 =	vmin.u32 v0, $0x80;
	_ =	sdelay $0x3  }
0x32: {  	s13 =	simm.s32 $0x378;
	s14 =	simm.s32 $0x188  }
0x33: {  	[spmem:s5] =	stream.indirect_vreg.scatter.add.s32 [tilespmem:s13], [sflag:$0x1], $0x1, v0, vm0, $0x4038;
	[tilespmem:$0x408] =	vst v63  }
0x34: {  	v0 =	vld.msk [tilespmem:s14+$0x0 ss:$0x1], $0xffff;
	_ =	sdelay $0x4  }
0x35: {  	v0 =	vmin.u32 v0, $0x80;
	_ =	sdelay $0x3  }
0x36: {  	s15 =	simm.s32 $0x388;
	s16 =	simm.s32 $0x198  }
0x37: {  	[spmem:s5] =	stream.indirect_vreg.scatter.add.s32 [tilespmem:s15], [sflag:$0x1], $0x1, v0, vm0, $0x4038;
	[tilespmem:$0x408] =	vst v63  }
0x38: {  	v0 =	vld.msk [tilespmem:s16+$0x0 ss:$0x1], $0xffff;
	_ =	sdelay $0x4  }
0x39: {  	v0 =	vmin.u32 v0, $0x80;
	_ =	sdelay $0x3  }
0x3a: {  	s17 =	simm.s32 $0x398;
	s18 =	simm.s32 $0x1A8  }
0x3b: {  	[spmem:s5] =	stream.indirect_vreg.scatter.add.s32 [tilespmem:s17], [sflag:$0x1], $0x1, v0, vm0, $0x4038;
	[tilespmem:$0x408] =	vst v63  }
0x3c: {  	v0 =	vld.msk [tilespmem:s18+$0x0 ss:$0x1], $0xffff;
	_ =	sdelay $0x4  }
0x3d: {  	v0 =	vmin.u32 v0, $0x80;
	_ =	sdelay $0x3  }
0x3e: {  	s19 =	simm.s32 $0x3A8;
	s20 =	simm.s32 $0x1B8  }
0x3f: {  	[spmem:s5] =	stream.indirect_vreg.scatter.add.s32 [tilespmem:s19], [sflag:$0x1], $0x1, v0, vm0, $0x4038;
	[tilespmem:$0x408] =	vst v63  }
0x40: {  	v0 =	vld.msk [tilespmem:s20+$0x0 ss:$0x1], $0xffff;
	_ =	sdelay $0x4  }
0x41: {  	v0 =	vmin.u32 v0, $0x80;
	_ =	sdelay $0x3  }
0x42: {  	s21 =	simm.s32 $0x3B8;
	s22 =	simm.s32 $0x1C8  }
0x43: {  	[spmem:s5] =	stream.indirect_vreg.scatter.add.s32 [tilespmem:s21], [sflag:$0x1], $0x1, v0, vm0, $0x4038;
	[tilespmem:$0x408] =	vst v63  }
0x44: {  	v0 =	vld.msk [tilespmem:s22+$0x0 ss:$0x1], $0xffff;
	_ =	sdelay $0x4  }
0x45: {  	v0 =	vmin.u32 v0, $0x80;
	_ =	sdelay $0x3  }
0x46: {  	s23 =	simm.s32 $0x3C8;
	s24 =	simm.s32 $0x1D8  }
0x47: {  	[spmem:s5] =	stream.indirect_vreg.scatter.add.s32 [tilespmem:s23], [sflag:$0x1], $0x1, v0, vm0, $0x4038;
	[tilespmem:$0x408] =	vst v63  }
0x48: {  	v0 =	vld.msk [tilespmem:s24+$0x0 ss:$0x1], $0xffff;
	_ =	sdelay $0x4  }
0x49: {  	v0 =	vmin.u32 v0, $0x80;
	_ =	sdelay $0x3  }
0x4a: {  	s25 =	simm.s32 $0x3D8;
	s26 =	simm.s32 $0x1E8  }
0x4b: {  	[spmem:s5] =	stream.indirect_vreg.scatter.add.s32 [tilespmem:s25], [sflag:$0x1], $0x1, v0, vm0, $0x4038;
	[tilespmem:$0x408] =	vst v63  }
0x4c: {  	v0 =	vld.msk [tilespmem:s26+$0x0 ss:$0x1], $0xffff;
	_ =	sdelay $0x4  }
0x4d: {  	v0 =	vmin.u32 v0, $0x80;
	_ =	sdelay $0x3  }
0x4e: {  	s28 =	simm.s32 $0x3E8;
	s29 =	simm.s32 $0x1F8  }
0x4f: {  	[spmem:s5] =	stream.indirect_vreg.scatter.add.s32 [tilespmem:s28], [sflag:$0x1], $0x1, v0, vm0, $0x4038;
	[tilespmem:$0x408] =	vst v63  }
0x50: {  	v0 =	vld.msk [tilespmem:s29+$0x0 ss:$0x1], $0xffff;
	_ =	sdelay $0x4  }
0x51: {  	v0 =	vmin.u32 v0, $0x80;
	_ =	sdelay $0x3  }
0x52: {  	s30 =	simm.s32 $0x3F8  }
0x53: {  	[spmem:s5] =	stream.indirect_vreg.scatter.add.s32 [tilespmem:s30], [sflag:$0x1], $0x1, v0, vm0, $0x4038;
	[tilespmem:$0x408] =	vst v63  }
0x54: {  	_ =	swait.ge [sflag:s3], $0x100  }
0x55: {  	[sflag:s3] =	ssyncset.done $0x0  }
0x56: {  	[sflag:s3] =	ssyncadd.s32 $0xFFFFFF00  }
0x57: {  	_ =	sfence.sel $0x180000  }
0x58: {  	[bflag:$0x0] =	sbarrier.arrive $0xFFFF  }
0x59: {  	[sflag:s4] =	ssyncpa.u1 $0x1  }
0x5a: {  	[sflag:s3] =	ssyncpa.u1 $0x1  }
0x5b: {  	_ =	sfence.stream.spmem  }
0x5c: {  	s31 =	simm.s32 $0x3D;
	[bflag:$0x0] =	sbarrier.arrive $0xFFFF  }
0x5d: {  	s3 =	simm.s32 @p0 $0x3D;
	[sflag:s31] =	ssyncpa.u1 $0x0  }
0x5e: {  	[sflag:s3] =	ssyncpa.u1 @p0 $0x1  }
0x5f: {  	[bflag:$0x0] =	sbarrier.arrive @p0 $0xFFFF  }
0x60: {  	_ =	strace @p0 $0x90000047  }
0x61: {  	s3 =	simm.s32 @!p0 $0x1C3D;
	[bflag:$0x2] =	sbarrier.arrive @p0 $0xFFFF  }
0x62: {  	[hbm:s1], [sflag:s3] =	dma.local @!p0 [spmem:s2], $0x10  }
0x63: {  	s1 =	simm.s32 @!p0 $0x3D  }
0x64: {  	_ =	swait.ge @!p0 [sflag:s1], $0x10  }
0x65: {  	[sflag:s1] =	ssyncset.done @!p0 $0x0  }
0x66: {  	[sflag:s1] =	ssyncadd.s32 @!p0 $0xFFFFFFF0  }
0x67: {  	[sflag:s1] =	ssyncpa.u1 @!p0 $0x1  }
0x68: {  	[bflag:$0x0] =	sbarrier.arrive @!p0 $0xFFFF  }
0x69: {  	_ =	strace @!p0 $0x90000047  }
0x6a: {  	s0 =	sadd.s32 @!p0 $0x100000, s0;
	[bflag:$0x2] =	sbarrier.arrive @!p0 $0xFFFF  }
0x6b: {  	[sflag:s0] =	ssyncadd.tile.s32 @!p0 $0x1;
	_ =	shalt  }
.Lfunc_end2:
_tile_overlayer_lowered:
.L_overlay_start_2:
0x6c: {  	(tag) =	ssettag $0x2  }
0x6d: {  	s0 =	rddreg [dreg:$0x0];
	s2 =	stileid.u32  }
0x6e: {  	s1 =	rddreg [dreg:$0x1];
	p0 =	sne.s32 s2, $0x0  }
0x6f: {  	s3 =	rddreg [dreg:$0x2];
	[bflag:$0x3] =	sbarrier.arrive $0xFFFF;
	s2 =	simm.s32 @!p0 $0x1C01  }
0x70: {  	[timem:s3], [sflag:s2] =	dma.local @!p0 [hbm:s0], s1  }
0x71: {  	s0 =	simm.s32 @!p0 $0x1  }
0x72: {  	_ =	swait.ge @!p0 [sflag:s0], s1  }
0x73: {  	s1 =	ssub.s32 @!p0 $0x0, s1;
	[sflag:s0] =	ssyncset.done @!p0 $0x0  }
0x74: {  	[sflag:s0] =	ssyncadd.s32 @!p0 s1  }
0x75: {  	[bflag:$0x3] =	sbarrier.arrive $0xFFFF  }
0x76: {  	_ =	shalt  }

</sc_bundles>
